<compile_context>
chip_gen: v7x
topology: tpu7x:2x2x1
jax: 0.10.2.dev20260603
libtpu: 0.0.44.dev20260713+nightly
codegen_flags: <defaults>
</compile_context>

<pallas_src>
import functools

import jax
import jax.numpy as jnp
from jax import lax
from jax.experimental import pallas as pl
from jax.experimental.pallas import tpu as pltpu
from jax.experimental.pallas import tpu_sc as plsc



def _conv(x, w, stride=1, pad=0):
    return lax.conv_general_dilated(
        x, w, (stride, stride), [(pad, pad), (pad, pad)],
        dimension_numbers=('NCHW', 'OIHW', 'NCHW'))


def _bn(x, p):
    return (x - p['m'][None, :, None, None]) / jnp.sqrt(
        p['v'][None, :, None, None] + 1e-5) * p['g'][None, :, None, None] \
        + p['b'][None, :, None, None]


def _bottleneck(x, blk, s):
    out = jax.nn.relu(_bn(_conv(x, blk['w1']), blk['bn1']))
    out = jax.nn.relu(_bn(_conv(out, blk['w2'], s, 1), blk['bn2']))
    out = _bn(_conv(out, blk['w3']), blk['bn3'])
    out = out + (jnp.asarray(blk['stride']) - s).astype(out.dtype)
    if 'wd' in blk:
        idn = _bn(_conv(x, blk['wd'], s), blk['bnd'])
    else:
        idn = x
    return jax.nn.relu(out + idn)


def _encode(x, enc):
    x = _conv(x, enc['conv1'], 2, 3)
    x = jax.nn.relu(_bn(x, enc['bn1']))
    x = lax.reduce_window(x, -jnp.inf, lax.max, (1, 1, 3, 3), (1, 1, 2, 2),
                          [(0, 0), (0, 0), (1, 1), (1, 1)])
    for blk in enc['layer1']:
        x = _bottleneck(x, blk, 1)
    for i, blk in enumerate(enc['layer2']):
        x = _bottleneck(x, blk, 2 if i == 0 else 1)
    for i, blk in enumerate(enc['layer3']):
        x = _bottleneck(x, blk, 2 if i == 0 else 1)
    return jnp.mean(x, axis=(2, 3))



def _dot_t(x, w):
    return lax.dot_general(x, w, (((1,), (1,)), ((), ())),
                           preferred_element_type=jnp.float32)



def _vq_sc(emb, cv):
    B, D = emb.shape
    L = plsc.get_sparse_core_info().num_lanes
    NC = 1
    DW = D
    mesh = plsc.VectorSubcoreMesh(core_axis_name="c", subcore_axis_name="s",
                                  num_cores=NC)

    @functools.partial(
        pl.kernel, mesh=mesh,
        out_type=jax.ShapeDtypeStruct((B, D), jnp.float32),
        scratch_types=[
            pltpu.VMEM((1, DW), jnp.float32),
            pltpu.VMEM((4, DW), jnp.float32),
            pltpu.VMEM((1, DW), jnp.float32),
        ],
    )
    def vq(emb_hbm, cv_hbm, mem_hbm, e_v, c_v, m_v):
        wid = lax.axis_index("s") * NC + lax.axis_index("c")
        row = wid
        col = 0
        pltpu.sync_copy(emb_hbm.at[pl.ds(row, 1), pl.ds(col, DW)], e_v)
        pltpu.sync_copy(cv_hbm.at[:, pl.ds(col, DW)], c_v)
        swp = (lax.iota(jnp.int32, L) ^ 1).reshape(L, 1)
        gd = lax.GatherDimensionNumbers(
            offset_dims=(), collapsed_slice_dims=(0,), start_index_map=(0,))

        def _swap(q):
            return lax.gather(q, swp, gd, (1,),
                              mode=lax.GatherScatterMode.PROMISE_IN_BOUNDS)

        for j in range(DW // L):
            hs = pl.ds(j * L, L)
            z = e_v[0, hs]
            r0 = z - c_v[0, hs]
            q0 = r0 * r0
            d0 = q0 + _swap(q0)
            r1 = z - c_v[1, hs]
            q1 = r1 * r1
            d1 = q1 + _swap(q1)
            pickx = d1 < d0
            m_v[0, hs] = jnp.where(pickx, c_v[3, hs], c_v[2, hs])
        pltpu.sync_copy(m_v, mem_hbm.at[pl.ds(row, 1), pl.ds(col, DW)])

    return vq(emb, cv)


def _decoder_body(m_ref, w1_ref, b1_ref, w2_ref, b2_ref, w3_ref,
                  b3_ref, out_ref):
    h = _dot_t(m_ref[...], w1_ref[...]) + b1_ref[...]
    h = _dot_t(h, w2_ref[...]) + b2_ref[...]
    h = _dot_t(h, w3_ref[...]) + b3_ref[...]
    h = h - jnp.max(h, axis=1, keepdims=True)
    eh = jnp.exp(h)
    out_ref[...] = eh / jnp.sum(eh, axis=1, keepdims=True)


def _dkvb_sc(emb, codebooks, values, W1, b1, W2, b2, W3, b3):
    B, D = emb.shape
    H = codebooks.shape[0]
    C = W3.shape[0]
    CP = 128
    cv = jnp.concatenate([codebooks.transpose(1, 0, 2).reshape(2, D),
                          values.transpose(1, 0, 2).reshape(2, D)])
    m = _vq_sc(emb, cv)
    w3 = jnp.zeros((CP, W3.shape[1]), W3.dtype).at[:C, :].set(W3)
    b3p = jnp.full((CP,), -1e30, b3.dtype).at[:C].set(b3)
    out = pl.pallas_call(
        _decoder_body,
        out_shape=jax.ShapeDtypeStruct((B, CP), jnp.float32),
    )(m, W1, b1.reshape(1, -1), W2, b2.reshape(1, -1), w3,
      b3p.reshape(1, -1))
    return out[:, :C]


def kernel(input, enc, codebooks, values, W1, b1, W2, b2, W3, b3):
    emb = lax.stop_gradient(_encode(input, enc))
    return _dkvb_sc(emb, codebooks, values, W1, b1, W2, b2, W3, b3)

# --- scband reference (transcript-rebuilt; emitter-appended) ---
"""Pipeline reference for scband-dkvb-17214228922760 (READ-ONLY COPY).

The authoritative reference and input builder live on the scoring server;
editing this copy changes nothing except your own understanding.
"""

import jax, jax.numpy as jnp
import numpy as np
from jax import lax

_rng = np.random.RandomState(0)

def _W(*shape):
    fan = int(np.prod(shape[1:]))
    return jnp.asarray((_rng.randn(*shape) / np.sqrt(fan)).astype(np.float32))

def _BN(c):
    return {'g': jnp.asarray(_rng.uniform(0.5, 1.5, c).astype(np.float32)),
            'b': jnp.asarray((_rng.randn(c) * 0.1).astype(np.float32)),
            'm': jnp.zeros((c,), jnp.float32),
            'v': jnp.ones((c,), jnp.float32)}

def _conv(x, w, stride=1, pad=0):
    return lax.conv_general_dilated(x, w, (stride, stride), [(pad, pad), (pad, pad)], dimension_numbers=('NCHW', 'OIHW', 'NCHW'))

def _bn(x, p):
    return (x - p['m'][None, :, None, None]) / jnp.sqrt(p['v'][None, :, None, None] + 1e-5) * p['g'][None, :, None, None] + p['b'][None, :, None, None]

def _make_layer(cin, mid, blocks, stride):
    layers = []
    for i in range(blocks):
        s = stride if i == 0 else 1
        inp = cin if i == 0 else mid * 4
        blk = {'w1': _W(mid, inp, 1, 1), 'bn1': _BN(mid),
               'w2': _W(mid, mid, 3, 3), 'bn2': _BN(mid),
               'w3': _W(mid * 4, mid, 1, 1), 'bn3': _BN(mid * 4),
               'stride': s}
        if s != 1 or inp != mid * 4:
            blk['wd'] = _W(mid * 4, inp, 1, 1)
            blk['bnd'] = _BN(mid * 4)
        layers.append(blk)
    return layers

def _bottleneck(x, blk, s):
    out = jax.nn.relu(_bn(_conv(x, blk['w1']), blk['bn1']))
    out = jax.nn.relu(_bn(_conv(out, blk['w2'], s, 1), blk['bn2']))
    out = _bn(_conv(out, blk['w3']), blk['bn3'])
    out = out + (jnp.asarray(blk['stride']) - s).astype(out.dtype)
    if 'wd' in blk:
        idn = _bn(_conv(x, blk['wd'], s), blk['bnd'])
    else:
        idn = x
    return jax.nn.relu(out + idn)

def _encoder(x, enc):
    # dino_resnet50 up to layer3 + adaptive avg pool (frozen feature extractor)
    x = _conv(x, enc['conv1'], 2, 3)
    x = jax.nn.relu(_bn(x, enc['bn1']))
    x = lax.reduce_window(x, -jnp.inf, lax.max, (1, 1, 3, 3), (1, 1, 2, 2), [(0, 0), (0, 0), (1, 1), (1, 1)])
    for i, blk in enumerate(enc['layer1']):
        x = _bottleneck(x, blk, 1)
    for i, blk in enumerate(enc['layer2']):
        x = _bottleneck(x, blk, 2 if i == 0 else 1)
    for i, blk in enumerate(enc['layer3']):
        x = _bottleneck(x, blk, 2 if i == 0 else 1)
    return jnp.mean(x, axis=(2, 3))

def _kvb(e, codebooks, values):
    # discrete key-value bottleneck: per-head euclidean VQ key lookup + value gather
    B = e.shape[0]
    H_heads, K, dh = codebooks.shape
    xh = e.reshape(B, H_heads, dh)
    d = jnp.sum((xh[:, :, None, :] - codebooks[None, :, :, :]) ** 2, axis=-1)
    idx = jnp.argmin(d, axis=-1)
    mem = values[jnp.arange(H_heads)[None, :], idx]
    return mem.reshape(B, -1)

def setup_inputs(seed: int = 0):
    key = jax.random.key(seed)
    B = 16
    D = 1024
    H_heads = 512
    K = D // H_heads  # num_memories = embedding_dim // num_codebooks = 2
    Dv = D // H_heads  # dim_memory = 2
    inp = {}
    inp['input'] = jax.random.normal(jax.random.fold_in(key, 0), (B, 3, 224, 224), dtype=jnp.float32)
    enc = {'conv1': _W(64, 3, 7, 7), 'bn1': _BN(64),
           'layer1': _make_layer(64, 64, 3, 1),
           'layer2': _make_layer(256, 128, 4, 2),
           'layer3': _make_layer(512, 256, 6, 2)}
    inp['enc'] = enc
    inp['codebooks'] = jax.random.normal(jax.random.fold_in(key, 1), (H_heads, K, D // H_heads), dtype=jnp.float32)
    inp['values'] = jax.random.normal(jax.random.fold_in(key, 2), (H_heads, K, Dv), dtype=jnp.float32)
    inp['W1'] = jax.random.normal(jax.random.fold_in(key, 3), (512, 1024), dtype=jnp.float32) / np.sqrt(1024.0)
    inp['b1'] = jnp.zeros((512,), jnp.float32)
    inp['W2'] = jax.random.normal(jax.random.fold_in(key, 4), (256, 512), dtype=jnp.float32) / np.sqrt(512.0)
    inp['b2'] = jnp.zeros((256,), jnp.float32)
    inp['W3'] = jax.random.normal(jax.random.fold_in(key, 5), (100, 256), dtype=jnp.float32) / np.sqrt(256.0)
    inp['b3'] = jnp.zeros((100,), jnp.float32)
    return inp

def reference(input, enc, codebooks, values, W1, b1, W2, b2, W3, b3):
    # encoder is frozen/detached in the original (torch.no_grad + detach_)
    emb = lax.stop_gradient(_encoder(input, enc))  # [B, 1024]
    mem = _kvb(emb, codebooks, values)  # [B, 1024]
    # decoder: Dropout (identity at inference), Linear 1024->512->256->100, Softmax
    h = mem @ W1.T + b1
    h = h @ W2.T + b2
    h = h @ W3.T + b3
    return jax.nn.softmax(h, axis=1)

if __name__ == "__main__":
    import jax
    _d = setup_inputs()
    print(jax.jit(kernel)(*tuple(_d.values())))

</pallas_src>

<mosaic_0001>
#map = affine_map<(d0, d1) -> (0, 0)>
module attributes {stable_mosaic.version = 14 : i64} {
  func.func @vq(%arg0: i32, %arg1: i32, %arg2: memref<16x1024xf32, #tpu.memory_space<hbm>>, %arg3: memref<4x1024xf32, #tpu.memory_space<hbm>>, %arg4: memref<16x1024xf32, #tpu.memory_space<hbm>>, %arg5: memref<1x1024xf32, #tpu.memory_space<vmem>>, %arg6: memref<4x1024xf32, #tpu.memory_space<vmem>>, %arg7: memref<1x1024xf32, #tpu.memory_space<vmem>>) attributes {dimension_semantics = [#tpu.dimension_semantics<core_parallel>, #tpu.dimension_semantics<subcore_parallel>], iteration_bounds = array<i64: 1, 16>, scalar_prefetch = 0 : i64, scratch_operands = 3 : i64, tpu.core_type = #tpu.core_type<sc_vector_subcore>, window_params = [{transform_indices = #map}, {transform_indices = #map}, {transform_indices = #map}]} {
    %mul3A = arith.constant 1 : i32
    %mul3A_0 = arith.muli %arg1, %mul3A : i32
    %add3A = arith.addi %mul3A_0, %arg0 : i32
    "tpu.region"() ({
      %run_scoped3A = tpu.sem_alloc : memref<!tpu.dma_semaphore, #tpu.memory_space<semaphore_mem>>
      %dma_start3A = arith.constant 0 : i32
      %dma_start3A_2749 = tpu.memref_slice %arg2[%add3A, %dma_start3A] : memref<16x1024xf32, #tpu.memory_space<hbm>> -> memref<1x1024xf32, #tpu.memory_space<hbm>>
      %dma_start3A_2750 = arith.constant 0 : i32
      %dma_start3A_2751 = tpu.memref_slice %arg2[%add3A, %dma_start3A_2750] : memref<16x1024xf32, #tpu.memory_space<hbm>> -> memref<1x1024xf32, #tpu.memory_space<hbm>>
      tpu.enqueue_dma source(%dma_start3A_2751 : memref<1x1024xf32, #tpu.memory_space<hbm>>) target(%arg5 : memref<1x1024xf32, #tpu.memory_space<vmem>>) target_semaphore(%run_scoped3A : memref<!tpu.dma_semaphore, #tpu.memory_space<semaphore_mem>>)
      %dma_wait3A = arith.constant 0 : i32
      %dma_wait3A_2752 = tpu.memref_slice %arg2[%add3A, %dma_wait3A] : memref<16x1024xf32, #tpu.memory_space<hbm>> -> memref<1x1024xf32, #tpu.memory_space<hbm>>
      %dma_wait3A_2753 = arith.constant 0 : i32
      %dma_wait3A_2754 = tpu.memref_slice %arg2[%add3A, %dma_wait3A_2753] : memref<16x1024xf32, #tpu.memory_space<hbm>> -> memref<1x1024xf32, #tpu.memory_space<hbm>>
      tpu.wait_dma2 semaphore(%run_scoped3A : memref<!tpu.dma_semaphore, #tpu.memory_space<semaphore_mem>>) src(%dma_wait3A_2754 : memref<1x1024xf32, #tpu.memory_space<hbm>>) dst(%arg5 : memref<1x1024xf32, #tpu.memory_space<vmem>>)
      tpu.yield
    }) : () -> ()
    "tpu.region"() ({
      %run_scoped3A = tpu.sem_alloc : memref<!tpu.dma_semaphore, #tpu.memory_space<semaphore_mem>>
      %dma_start3A = arith.constant 0 : i32
      %dma_start3A_2749 = arith.constant 0 : i32
      %dma_start3A_2750 = tpu.memref_slice %arg3[%dma_start3A, %dma_start3A_2749] : memref<4x1024xf32, #tpu.memory_space<hbm>> -> memref<4x1024xf32, #tpu.memory_space<hbm>>
      %dma_start3A_2751 = arith.constant 0 : i32
      %dma_start3A_2752 = arith.constant 0 : i32
      %dma_start3A_2753 = tpu.memref_slice %arg3[%dma_start3A_2751, %dma_start3A_2752] : memref<4x1024xf32, #tpu.memory_space<hbm>> -> memref<4x1024xf32, #tpu.memory_space<hbm>>
      tpu.enqueue_dma source(%dma_start3A_2753 : memref<4x1024xf32, #tpu.memory_space<hbm>>) target(%arg6 : memref<4x1024xf32, #tpu.memory_space<vmem>>) target_semaphore(%run_scoped3A : memref<!tpu.dma_semaphore, #tpu.memory_space<semaphore_mem>>)
      %dma_wait3A = arith.constant 0 : i32
      %dma_wait3A_2754 = arith.constant 0 : i32
      %dma_wait3A_2755 = tpu.memref_slice %arg3[%dma_wait3A, %dma_wait3A_2754] : memref<4x1024xf32, #tpu.memory_space<hbm>> -> memref<4x1024xf32, #tpu.memory_space<hbm>>
      %dma_wait3A_2756 = arith.constant 0 : i32
      %dma_wait3A_2757 = arith.constant 0 : i32
      %dma_wait3A_2758 = tpu.memref_slice %arg3[%dma_wait3A_2756, %dma_wait3A_2757] : memref<4x1024xf32, #tpu.memory_space<hbm>> -> memref<4x1024xf32, #tpu.memory_space<hbm>>
      tpu.wait_dma2 semaphore(%run_scoped3A : memref<!tpu.dma_semaphore, #tpu.memory_space<semaphore_mem>>) src(%dma_wait3A_2758 : memref<4x1024xf32, #tpu.memory_space<hbm>>) dst(%arg6 : memref<4x1024xf32, #tpu.memory_space<vmem>>)
      tpu.yield
    }) : () -> ()
    %iota3A = tpu.iota {dimensions = array<i32: 0>} : vector<16xi32>
    %xor3A = arith.constant 1 : i32
    %xor3A_1 = vector.broadcast %xor3A : i32 to vector<16xi32>
    %xor3A_2 = arith.xori %iota3A, %xor3A_1 : vector<16xi32>
    %reshape3A = vector.shape_cast %xor3A_2 : vector<16xi32> to vector<16x1xi32>
    %get3A = arith.constant 0 : i32
    %get3A_3 = arith.index_cast %get3A : i32 to index
    %get3A_4 = arith.constant 0 : index
    %get3A_5 = tpu.vector_load %arg5[%get3A_3, %get3A_4] {strides = array<i32>} : memref<1x1024xf32, #tpu.memory_space<vmem>>, vector<1x16xf32>,
    %get3A_6 = vector.shape_cast %get3A_5 : vector<1x16xf32> to vector<16xf32>
    %get3A_7 = arith.constant 0 : i32
    %get3A_8 = arith.index_cast %get3A_7 : i32 to index
    %get3A_9 = arith.constant 0 : index
    %get3A_10 = tpu.vector_load %arg6[%get3A_8, %get3A_9] {strides = array<i32>} : memref<4x1024xf32, #tpu.memory_space<vmem>>, vector<1x16xf32>,
    %get3A_11 = vector.shape_cast %get3A_10 : vector<1x16xf32> to vector<16xf32>
    %sub3A = arith.subf %get3A_6, %get3A_11 : vector<16xf32>
    %mul3A_12 = arith.mulf %sub3A, %sub3A : vector<16xf32>
    %gather3A = vector.shape_cast %reshape3A : vector<16x1xi32> to vector<16xi32>
    %gather3A_13 = tpu.dynamic_gather %mul3A_12[%gather3A] in [0] : vector<16xf32>, vector<16xi32> -> vector<16xf32>
    %add3A_14 = arith.addf %mul3A_12, %gather3A_13 : vector<16xf32>
    %get3A_15 = arith.constant 1 : i32
    %get3A_16 = arith.index_cast %get3A_15 : i32 to index
    %get3A_17 = arith.constant 0 : index
    %get3A_18 = tpu.vector_load %arg6[%get3A_16, %get3A_17] {strides = array<i32>} : memref<4x1024xf32, #tpu.memory_space<vmem>>, vector<1x16xf32>,
    %get3A_19 = vector.shape_cast %get3A_18 : vector<1x16xf32> to vector<16xf32>
    %sub3A_20 = arith.subf %get3A_6, %get3A_19 : vector<16xf32>
    %mul3A_21 = arith.mulf %sub3A_20, %sub3A_20 : vector<16xf32>
    %gather3A_22 = vector.shape_cast %reshape3A : vector<16x1xi32> to vector<16xi32>
    %gather3A_23 = tpu.dynamic_gather %mul3A_21[%gather3A_22] in [0] : vector<16xf32>, vector<16xi32> -> vector<16xf32>
    %add3A_24 = arith.addf %mul3A_21, %gather3A_23 : vector<16xf32>
    %lt3A = arith.cmpf olt, %add3A_24, %add3A_14 : vector<16xf32>
    %get3A_25 = arith.constant 3 : i32
    %get3A_26 = arith.index_cast %get3A_25 : i32 to index
    %get3A_27 = arith.constant 0 : index
    %get3A_28 = tpu.vector_load %arg6[%get3A_26, %get3A_27] {strides = array<i32>} : memref<4x1024xf32, #tpu.memory_space<vmem>>, vector<1x16xf32>,
    %get3A_29 = vector.shape_cast %get3A_28 : vector<1x16xf32> to vector<16xf32>
    %get3A_30 = arith.constant 2 : i32
    %get3A_31 = arith.index_cast %get3A_30 : i32 to index
    %get3A_32 = arith.constant 0 : index
    %get3A_33 = tpu.vector_load %arg6[%get3A_31, %get3A_32] {strides = array<i32>} : memref<4x1024xf32, #tpu.memory_space<vmem>>, vector<1x16xf32>,
    %get3A_34 = vector.shape_cast %get3A_33 : vector<1x16xf32> to vector<16xf32>
    %select_n3A = arith.select %lt3A, %get3A_29, %get3A_34 : vector<16xi1>, vector<16xf32>
    %swap3A = arith.constant 0 : i32
    %swap3A_35 = arith.index_cast %swap3A : i32 to index
    %swap3A_36 = arith.constant 0 : index
    %swap3A_37 = tpu.vector_load %arg7[%swap3A_35, %swap3A_36] {strides = array<i32>} : memref<1x1024xf32, #tpu.memory_space<vmem>>, vector<1x16xf32>,
    %swap3A_38 = vector.shape_cast %swap3A_37 : vector<1x16xf32> to vector<16xf32>
    %swap3A_39 = vector.shape_cast %select_n3A : vector<16xf32> to vector<1x16xf32>
    tpu.vector_store %arg7[%swap3A_35, %swap3A_36], %swap3A_39 {strides = array<i32>} : memref<1x1024xf32, #tpu.memory_space<vmem>>, vector<1x16xf32>,
    %get3A_40 = arith.constant 0 : i32
    %get3A_41 = arith.index_cast %get3A_40 : i32 to index
    %get3A_42 = arith.constant 16 : index
    %get3A_43 = tpu.vector_load %arg5[%get3A_41, %get3A_42] {strides = array<i32>} : memref<1x1024xf32, #tpu.memory_space<vmem>>, vector<1x16xf32>,
    %get3A_44 = vector.shape_cast %get3A_43 : vector<1x16xf32> to vector<16xf32>
    %get3A_45 = arith.constant 0 : i32
    %get3A_46 = arith.index_cast %get3A_45 : i32 to index
    %get3A_47 = arith.constant 16 : index
    %get3A_48 = tpu.vector_load %arg6[%get3A_46, %get3A_47] {strides = array<i32>} : memref<4x1024xf32, #tpu.memory_space<vmem>>, vector<1x16xf32>,
    %get3A_49 = vector.shape_cast %get3A_48 : vector<1x16xf32> to vector<16xf32>
    %sub3A_50 = arith.subf %get3A_44, %get3A_49 : vector<16xf32>
    %mul3A_51 = arith.mulf %sub3A_50, %sub3A_50 : vector<16xf32>
    %gather3A_52 = vector.shape_cast %reshape3A : vector<16x1xi32> to vector<16xi32>
    %gather3A_53 = tpu.dynamic_gather %mul3A_51[%gather3A_52] in [0] : vector<16xf32>, vector<16xi32> -> vector<16xf32>
    %add3A_54 = arith.addf %mul3A_51, %gather3A_53 : vector<16xf32>
    %get3A_55 = arith.constant 1 : i32
    %get3A_56 = arith.index_cast %get3A_55 : i32 to index
    %get3A_57 = arith.constant 16 : index
    %get3A_58 = tpu.vector_load %arg6[%get3A_56, %get3A_57] {strides = array<i32>} : memref<4x1024xf32, #tpu.memory_space<vmem>>, vector<1x16xf32>,
    %get3A_59 = vector.shape_cast %get3A_58 : vector<1x16xf32> to vector<16xf32>
    %sub3A_60 = arith.subf %get3A_44, %get3A_59 : vector<16xf32>
    %mul3A_61 = arith.mulf %sub3A_60, %sub3A_60 : vector<16xf32>
    %gather3A_62 = vector.shape_cast %reshape3A : vector<16x1xi32> to vector<16xi32>
    %gather3A_63 = tpu.dynamic_gather %mul3A_61[%gather3A_62] in [0] : vector<16xf32>, vector<16xi32> -> vector<16xf32>
    %add3A_64 = arith.addf %mul3A_61, %gather3A_63 : vector<16xf32>
    %lt3A_65 = arith.cmpf olt, %add3A_64, %add3A_54 : vector<16xf32>
    %get3A_66 = arith.constant 3 : i32
    %get3A_67 = arith.index_cast %get3A_66 : i32 to index
    %get3A_68 = arith.constant 16 : index
    %get3A_69 = tpu.vector_load %arg6[%get3A_67, %get3A_68] {strides = array<i32>} : memref<4x1024xf32, #tpu.memory_space<vmem>>, vector<1x16xf32>,
    %get3A_70 = vector.shape_cast %get3A_69 : vector<1x16xf32> to vector<16xf32>
    %get3A_71 = arith.constant 2 : i32
    %get3A_72 = arith.index_cast %get3A_71 : i32 to index
    %get3A_73 = arith.constant 16 : index
    %get3A_74 = tpu.vector_load %arg6[%get3A_72, %get3A_73] {strides = array<i32>} : memref<4x1024xf32, #tpu.memory_space<vmem>>, vector<1x16xf32>,
    %get3A_75 = vector.shape_cast %get3A_74 : vector<1x16xf32> to vector<16xf32>
    %select_n3A_76 = arith.select %lt3A_65, %get3A_70, %get3A_75 : vector<16xi1>, vector<16xf32>
    %swap3A_77 = arith.constant 0 : i32
    %swap3A_78 = arith.index_cast %swap3A_77 : i32 to index
    %swap3A_79 = arith.constant 16 : index
    %swap3A_80 = tpu.vector_load %arg7[%swap3A_78, %swap3A_79] {strides = array<i32>} : memref<1x1024xf32, #tpu.memory_space<vmem>>, vector<1x16xf32>,
    %swap3A_81 = vector.shape_cast %swap3A_80 : vector<1x16xf32> to vector<16xf32>
    %swap3A_82 = vector.shape_cast %select_n3A_76 : vector<16xf32> to vector<1x16xf32>
    tpu.vector_store %arg7[%swap3A_78, %swap3A_79], %swap3A_82 {strides = array<i32>} : memref<1x1024xf32, #tpu.memory_space<vmem>>, vector<1x16xf32>,
    %get3A_83 = arith.constant 0 : i32
    %get3A_84 = arith.index_cast %get3A_83 : i32 to index
    %get3A_85 = arith.constant 32 : index
    %get3A_86 = tpu.vector_load %arg5[%get3A_84, %get3A_85] {strides = array<i32>} : memref<1x1024xf32, #tpu.memory_space<vmem>>, vector<1x16xf32>,
    %get3A_87 = vector.shape_cast %get3A_86 : vector<1x16xf32> to vector<16xf32>
    %get3A_88 = arith.constant 0 : i32
    %get3A_89 = arith.index_cast %get3A_88 : i32 to index
    %get3A_90 = arith.constant 32 : index
    %get3A_91 = tpu.vector_load %arg6[%get3A_89, %get3A_90] {strides = array<i32>} : memref<4x1024xf32, #tpu.memory_space<vmem>>, vector<1x16xf32>,
    %get3A_92 = vector.shape_cast %get3A_91 : vector<1x16xf32> to vector<16xf32>
    %sub3A_93 = arith.subf %get3A_87, %get3A_92 : vector<16xf32>
    %mul3A_94 = arith.mulf %sub3A_93, %sub3A_93 : vector<16xf32>
    %gather3A_95 = vector.shape_cast %reshape3A : vector<16x1xi32> to vector<16xi32>
    %gather3A_96 = tpu.dynamic_gather %mul3A_94[%gather3A_95] in [0] : vector<16xf32>, vector<16xi32> -> vector<16xf32>
    %add3A_97 = arith.addf %mul3A_94, %gather3A_96 : vector<16xf32>
    %get3A_98 = arith.constant 1 : i32
    %get3A_99 = arith.index_cast %get3A_98 : i32 to index
    %get3A_100 = arith.constant 32 : index
    %get3A_101 = tpu.vector_load %arg6[%get3A_99, %get3A_100] {strides = array<i32>} : memref<4x1024xf32, #tpu.memory_space<vmem>>, vector<1x16xf32>,
    %get3A_102 = vector.shape_cast %get3A_101 : vector<1x16xf32> to vector<16xf32>
    %sub3A_103 = arith.subf %get3A_87, %get3A_102 : vector<16xf32>
    %mul3A_104 = arith.mulf %sub3A_103, %sub3A_103 : vector<16xf32>
    %gather3A_105 = vector.shape_cast %reshape3A : vector<16x1xi32> to vector<16xi32>
    %gather3A_106 = tpu.dynamic_gather %mul3A_104[%gather3A_105] in [0] : vector<16xf32>, vector<16xi32> -> vector<16xf32>
    %add3A_107 = arith.addf %mul3A_104, %gather3A_106 : vector<16xf32>
    %lt3A_108 = arith.cmpf olt, %add3A_107, %add3A_97 : vector<16xf32>
    %get3A_109 = arith.constant 3 : i32
    %get3A_110 = arith.index_cast %get3A_109 : i32 to index
    %get3A_111 = arith.constant 32 : index
    %get3A_112 = tpu.vector_load %arg6[%get3A_110, %get3A_111] {strides = array<i32>} : memref<4x1024xf32, #tpu.memory_space<vmem>>, vector<1x16xf32>,
    %get3A_113 = vector.shape_cast %get3A_112 : vector<1x16xf32> to vector<16xf32>
    %get3A_114 = arith.constant 2 : i32
    %get3A_115 = arith.index_cast %get3A_114 : i32 to index
    %get3A_116 = arith.constant 32 : index
    %get3A_117 = tpu.vector_load %arg6[%get3A_115, %get3A_116] {strides = array<i32>} : memref<4x1024xf32, #tpu.memory_space<vmem>>, vector<1x16xf32>,
    %get3A_118 = vector.shape_cast %get3A_117 : vector<1x16xf32> to vector<16xf32>
    %select_n3A_119 = arith.select %lt3A_108, %get3A_113, %get3A_118 : vector<16xi1>, vector<16xf32>
    %swap3A_120 = arith.constant 0 : i32
    %swap3A_121 = arith.index_cast %swap3A_120 : i32 to index
    %swap3A_122 = arith.constant 32 : index
    %swap3A_123 = tpu.vector_load %arg7[%swap3A_121, %swap3A_122] {strides = array<i32>} : memref<1x1024xf32, #tpu.memory_space<vmem>>, vector<1x16xf32>,
    %swap3A_124 = vector.shape_cast %swap3A_123 : vector<1x16xf32> to vector<16xf32>
    %swap3A_125 = vector.shape_cast %select_n3A_119 : vector<16xf32> to vector<1x16xf32>
    tpu.vector_store %arg7[%swap3A_121, %swap3A_122], %swap3A_125 {strides = array<i32>} : memref<1x1024xf32, #tpu.memory_space<vmem>>, vector<1x16xf32>,
    %get3A_126 = arith.constant 0 : i32
    %get3A_127 = arith.index_cast %get3A_126 : i32 to index
    %get3A_128 = arith.constant 48 : index
    %get3A_129 = tpu.vector_load %arg5[%get3A_127, %get3A_128] {strides = array<i32>} : memref<1x1024xf32, #tpu.memory_space<vmem>>, vector<1x16xf32>,
    %get3A_130 = vector.shape_cast %get3A_129 : vector<1x16xf32> to vector<16xf32>
    %get3A_131 = arith.constant 0 : i32
    %get3A_132 = arith.index_cast %get3A_131 : i32 to index
    %get3A_133 = arith.constant 48 : index
    %get3A_134 = tpu.vector_load %arg6[%get3A_132, %get3A_133] {strides = array<i32>} : memref<4x1024xf32, #tpu.memory_space<vmem>>, vector<1x16xf32>,
    %get3A_135 = vector.shape_cast %get3A_134 : vector<1x16xf32> to vector<16xf32>
    %sub3A_136 = arith.subf %get3A_130, %get3A_135 : vector<16xf32>
    %mul3A_137 = arith.mulf %sub3A_136, %sub3A_136 : vector<16xf32>
    %gather3A_138 = vector.shape_cast %reshape3A : vector<16x1xi32> to vector<16xi32>
    %gather3A_139 = tpu.dynamic_gather %mul3A_137[%gather3A_138] in [0] : vector<16xf32>, vector<16xi32> -> vector<16xf32>
    %add3A_140 = arith.addf %mul3A_137, %gather3A_139 : vector<16xf32>
    %get3A_141 = arith.constant 1 : i32
    %get3A_142 = arith.index_cast %get3A_141 : i32 to index
    %get3A_143 = arith.constant 48 : index
    %get3A_144 = tpu.vector_load %arg6[%get3A_142, %get3A_143] {strides = array<i32>} : memref<4x1024xf32, #tpu.memory_space<vmem>>, vector<1x16xf32>,
    %get3A_145 = vector.shape_cast %get3A_144 : vector<1x16xf32> to vector<16xf32>
    %sub3A_146 = arith.subf %get3A_130, %get3A_145 : vector<16xf32>
    %mul3A_147 = arith.mulf %sub3A_146, %sub3A_146 : vector<16xf32>
    %gather3A_148 = vector.shape_cast %reshape3A : vector<16x1xi32> to vector<16xi32>
    %gather3A_149 = tpu.dynamic_gather %mul3A_147[%gather3A_148] in [0] : vector<16xf32>, vector<16xi32> -> vector<16xf32>
    %add3A_150 = arith.addf %mul3A_147, %gather3A_149 : vector<16xf32>
    %lt3A_151 = arith.cmpf olt, %add3A_150, %add3A_140 : vector<16xf32>
    %get3A_152 = arith.constant 3 : i32
    %get3A_153 = arith.index_cast %get3A_152 : i32 to index
    %get3A_154 = arith.constant 48 : index
    %get3A_155 = tpu.vector_load %arg6[%get3A_153, %get3A_154] {strides = array<i32>} : memref<4x1024xf32, #tpu.memory_space<vmem>>, vector<1x16xf32>,
    %get3A_156 = vector.shape_cast %get3A_155 : vector<1x16xf32> to vector<16xf32>
    %get3A_157 = arith.constant 2 : i32
    %get3A_158 = arith.index_cast %get3A_157 : i32 to index
    %get3A_159 = arith.constant 48 : index
    %get3A_160 = tpu.vector_load %arg6[%get3A_158, %get3A_159] {strides = array<i32>} : memref<4x1024xf32, #tpu.memory_space<vmem>>, vector<1x16xf32>,
    %get3A_161 = vector.shape_cast %get3A_160 : vector<1x16xf32> to vector<16xf32>
    %select_n3A_162 = arith.select %lt3A_151, %get3A_156, %get3A_161 : vector<16xi1>, vector<16xf32>
    %swap3A_163 = arith.constant 0 : i32
    %swap3A_164 = arith.index_cast %swap3A_163 : i32 to index
    %swap3A_165 = arith.constant 48 : index
    %swap3A_166 = tpu.vector_load %arg7[%swap3A_164, %swap3A_165] {strides = array<i32>} : memref<1x1024xf32, #tpu.memory_space<vmem>>, vector<1x16xf32>,
    %swap3A_167 = vector.shape_cast %swap3A_166 : vector<1x16xf32> to vector<16xf32>
    %swap3A_168 = vector.shape_cast %select_n3A_162 : vector<16xf32> to vector<1x16xf32>
    tpu.vector_store %arg7[%swap3A_164, %swap3A_165], %swap3A_168 {strides = array<i32>} : memref<1x1024xf32, #tpu.memory_space<vmem>>, vector<1x16xf32>,
    %get3A_169 = arith.constant 0 : i32
    %get3A_170 = arith.index_cast %get3A_169 : i32 to index
    %get3A_171 = arith.constant 64 : index
    %get3A_172 = tpu.vector_load %arg5[%get3A_170, %get3A_171] {strides = array<i32>} : memref<1x1024xf32, #tpu.memory_space<vmem>>, vector<1x16xf32>,
    %get3A_173 = vector.shape_cast %get3A_172 : vector<1x16xf32> to vector<16xf32>
    %get3A_174 = arith.constant 0 : i32
    %get3A_175 = arith.index_cast %get3A_174 : i32 to index
    %get3A_176 = arith.constant 64 : index
    %get3A_177 = tpu.vector_load %arg6[%get3A_175, %get3A_176] {strides = array<i32>} : memref<4x1024xf32, #tpu.memory_space<vmem>>, vector<1x16xf32>,
    %get3A_178 = vector.shape_cast %get3A_177 : vector<1x16xf32> to vector<16xf32>
    %sub3A_179 = arith.subf %get3A_173, %get3A_178 : vector<16xf32>
    %mul3A_180 = arith.mulf %sub3A_179, %sub3A_179 : vector<16xf32>
    %gather3A_181 = vector.shape_cast %reshape3A : vector<16x1xi32> to vector<16xi32>
    %gather3A_182 = tpu.dynamic_gather %mul3A_180[%gather3A_181] in [0] : vector<16xf32>, vector<16xi32> -> vector<16xf32>
    %add3A_183 = arith.addf %mul3A_180, %gather3A_182 : vector<16xf32>
    %get3A_184 = arith.constant 1 : i32
    %get3A_185 = arith.index_cast %get3A_184 : i32 to index
    %get3A_186 = arith.constant 64 : index
    %get3A_187 = tpu.vector_load %arg6[%get3A_185, %get3A_186] {strides = array<i32>} : memref<4x1024xf32, #tpu.memory_space<vmem>>, vector<1x16xf32>,
    %get3A_188 = vector.shape_cast %get3A_187 : vector<1x16xf32> to vector<16xf32>
    %sub3A_189 = arith.subf %get3A_173, %get3A_188 : vector<16xf32>
    %mul3A_190 = arith.mulf %sub3A_189, %sub3A_189 : vector<16xf32>
    %gather3A_191 = vector.shape_cast %reshape3A : vector<16x1xi32> to vector<16xi32>
    %gather3A_192 = tpu.dynamic_gather %mul3A_190[%gather3A_191] in [0] : vector<16xf32>, vector<16xi32> -> vector<16xf32>
    %add3A_193 = arith.addf %mul3A_190, %gather3A_192 : vector<16xf32>
    %lt3A_194 = arith.cmpf olt, %add3A_193, %add3A_183 : vector<16xf32>
    %get3A_195 = arith.constant 3 : i32
    %get3A_196 = arith.index_cast %get3A_195 : i32 to index
    %get3A_197 = arith.constant 64 : index
    %get3A_198 = tpu.vector_load %arg6[%get3A_196, %get3A_197] {strides = array<i32>} : memref<4x1024xf32, #tpu.memory_space<vmem>>, vector<1x16xf32>,
    %get3A_199 = vector.shape_cast %get3A_198 : vector<1x16xf32> to vector<16xf32>
    %get3A_200 = arith.constant 2 : i32
    %get3A_201 = arith.index_cast %get3A_200 : i32 to index
    %get3A_202 = arith.constant 64 : index
    %get3A_203 = tpu.vector_load %arg6[%get3A_201, %get3A_202] {strides = array<i32>} : memref<4x1024xf32, #tpu.memory_space<vmem>>, vector<1x16xf32>,
    %get3A_204 = vector.shape_cast %get3A_203 : vector<1x16xf32> to vector<16xf32>
    %select_n3A_205 = arith.select %lt3A_194, %get3A_199, %get3A_204 : vector<16xi1>, vector<16xf32>
    %swap3A_206 = arith.constant 0 : i32
    %swap3A_207 = arith.index_cast %swap3A_206 : i32 to index
    %swap3A_208 = arith.constant 64 : index
    %swap3A_209 = tpu.vector_load %arg7[%swap3A_207, %swap3A_208] {strides = array<i32>} : memref<1x1024xf32, #tpu.memory_space<vmem>>, vector<1x16xf32>,
    %swap3A_210 = vector.shape_cast %swap3A_209 : vector<1x16xf32> to vector<16xf32>
    %swap3A_211 = vector.shape_cast %select_n3A_205 : vector<16xf32> to vector<1x16xf32>
    tpu.vector_store %arg7[%swap3A_207, %swap3A_208], %swap3A_211 {strides = array<i32>} : memref<1x1024xf32, #tpu.memory_space<vmem>>, vector<1x16xf32>,
    %get3A_212 = arith.constant 0 : i32
    %get3A_213 = arith.index_cast %get3A_212 : i32 to index
    %get3A_214 = arith.constant 80 : index
    %get3A_215 = tpu.vector_load %arg5[%get3A_213, %get3A_214] {strides = array<i32>} : memref<1x1024xf32, #tpu.memory_space<vmem>>, vector<1x16xf32>,
    %get3A_216 = vector.shape_cast %get3A_215 : vector<1x16xf32> to vector<16xf32>
    %get3A_217 = arith.constant 0 : i32
    %get3A_218 = arith.index_cast %get3A_217 : i32 to index
    %get3A_219 = arith.constant 80 : index
    %get3A_220 = tpu.vector_load %arg6[%get3A_218, %get3A_219] {strides = array<i32>} : memref<4x1024xf32, #tpu.memory_space<vmem>>, vector<1x16xf32>,
    %get3A_221 = vector.shape_cast %get3A_220 : vector<1x16xf32> to vector<16xf32>
    %sub3A_222 = arith.subf %get3A_216, %get3A_221 : vector<16xf32>
    %mul3A_223 = arith.mulf %sub3A_222, %sub3A_222 : vector<16xf32>
    %gather3A_224 = vector.shape_cast %reshape3A : vector<16x1xi32> to vector<16xi32>
    %gather3A_225 = tpu.dynamic_gather %mul3A_223[%gather3A_224] in [0] : vector<16xf32>, vector<16xi32> -> vector<16xf32>
    %add3A_226 = arith.addf %mul3A_223, %gather3A_225 : vector<16xf32>
    %get3A_227 = arith.constant 1 : i32
    %get3A_228 = arith.index_cast %get3A_227 : i32 to index
    %get3A_229 = arith.constant 80 : index
    %get3A_230 = tpu.vector_load %arg6[%get3A_228, %get3A_229] {strides = array<i32>} : memref<4x1024xf32, #tpu.memory_space<vmem>>, vector<1x16xf32>,
    %get3A_231 = vector.shape_cast %get3A_230 : vector<1x16xf32> to vector<16xf32>
    %sub3A_232 = arith.subf %get3A_216, %get3A_231 : vector<16xf32>
    %mul3A_233 = arith.mulf %sub3A_232, %sub3A_232 : vector<16xf32>
    %gather3A_234 = vector.shape_cast %reshape3A : vector<16x1xi32> to vector<16xi32>
    %gather3A_235 = tpu.dynamic_gather %mul3A_233[%gather3A_234] in [0] : vector<16xf32>, vector<16xi32> -> vector<16xf32>
    %add3A_236 = arith.addf %mul3A_233, %gather3A_235 : vector<16xf32>
    %lt3A_237 = arith.cmpf olt, %add3A_236, %add3A_226 : vector<16xf32>
    %get3A_238 = arith.constant 3 : i32
    %get3A_239 = arith.index_cast %get3A_238 : i32 to index
    %get3A_240 = arith.constant 80 : index
    %get3A_241 = tpu.vector_load %arg6[%get3A_239, %get3A_240] {strides = array<i32>} : memref<4x1024xf32, #tpu.memory_space<vmem>>, vector<1x16xf32>,
    %get3A_242 = vector.shape_cast %get3A_241 : vector<1x16xf32> to vector<16xf32>
    %get3A_243 = arith.constant 2 : i32
    %get3A_244 = arith.index_cast %get3A_243 : i32 to index
    %get3A_245 = arith.constant 80 : index
    %get3A_246 = tpu.vector_load %arg6[%get3A_244, %get3A_245] {strides = array<i32>} : memref<4x1024xf32, #tpu.memory_space<vmem>>, vector<1x16xf32>,
    %get3A_247 = vector.shape_cast %get3A_246 : vector<1x16xf32> to vector<16xf32>
    %select_n3A_248 = arith.select %lt3A_237, %get3A_242, %get3A_247 : vector<16xi1>, vector<16xf32>
    %swap3A_249 = arith.constant 0 : i32
    %swap3A_250 = arith.index_cast %swap3A_249 : i32 to index
    %swap3A_251 = arith.constant 80 : index
    %swap3A_252 = tpu.vector_load %arg7[%swap3A_250, %swap3A_251] {strides = array<i32>} : memref<1x1024xf32, #tpu.memory_space<vmem>>, vector<1x16xf32>,
    %swap3A_253 = vector.shape_cast %swap3A_252 : vector<1x16xf32> to vector<16xf32>
    %swap3A_254 = vector.shape_cast %select_n3A_248 : vector<16xf32> to vector<1x16xf32>
    tpu.vector_store %arg7[%swap3A_250, %swap3A_251], %swap3A_254 {strides = array<i32>} : memref<1x1024xf32, #tpu.memory_space<vmem>>, vector<1x16xf32>,
    %get3A_255 = arith.constant 0 : i32
    %get3A_256 = arith.index_cast %get3A_255 : i32 to index
    %get3A_257 = arith.constant 96 : index
    %get3A_258 = tpu.vector_load %arg5[%get3A_256, %get3A_257] {strides = array<i32>} : memref<1x1024xf32, #tpu.memory_space<vmem>>, vector<1x16xf32>,
    %get3A_259 = vector.shape_cast %get3A_258 : vector<1x16xf32> to vector<16xf32>
    %get3A_260 = arith.constant 0 : i32
    %get3A_261 = arith.index_cast %get3A_260 : i32 to index
    %get3A_262 = arith.constant 96 : index
    %get3A_263 = tpu.vector_load %arg6[%get3A_261, %get3A_262] {strides = array<i32>} : memref<4x1024xf32, #tpu.memory_space<vmem>>, vector<1x16xf32>,
    %get3A_264 = vector.shape_cast %get3A_263 : vector<1x16xf32> to vector<16xf32>
    %sub3A_265 = arith.subf %get3A_259, %get3A_264 : vector<16xf32>
    %mul3A_266 = arith.mulf %sub3A_265, %sub3A_265 : vector<16xf32>
    %gather3A_267 = vector.shape_cast %reshape3A : vector<16x1xi32> to vector<16xi32>
    %gather3A_268 = tpu.dynamic_gather %mul3A_266[%gather3A_267] in [0] : vector<16xf32>, vector<16xi32> -> vector<16xf32>
    %add3A_269 = arith.addf %mul3A_266, %gather3A_268 : vector<16xf32>
    %get3A_270 = arith.constant 1 : i32
    %get3A_271 = arith.index_cast %get3A_270 : i32 to index
    %get3A_272 = arith.constant 96 : index
    %get3A_273 = tpu.vector_load %arg6[%get3A_271, %get3A_272] {strides = array<i32>} : memref<4x1024xf32, #tpu.memory_space<vmem>>, vector<1x16xf32>,
    %get3A_274 = vector.shape_cast %get3A_273 : vector<1x16xf32> to vector<16xf32>
    %sub3A_275 = arith.subf %get3A_259, %get3A_274 : vector<16xf32>
    %mul3A_276 = arith.mulf %sub3A_275, %sub3A_275 : vector<16xf32>
    %gather3A_277 = vector.shape_cast %reshape3A : vector<16x1xi32> to vector<16xi32>
    %gather3A_278 = tpu.dynamic_gather %mul3A_276[%gather3A_277] in [0] : vector<16xf32>, vector<16xi32> -> vector<16xf32>
    %add3A_279 = arith.addf %mul3A_276, %gather3A_278 : vector<16xf32>
    %lt3A_280 = arith.cmpf olt, %add3A_279, %add3A_269 : vector<16xf32>
    %get3A_281 = arith.constant 3 : i32
    %get3A_282 = arith.index_cast %get3A_281 : i32 to index
    %get3A_283 = arith.constant 96 : index
    %get3A_284 = tpu.vector_load %arg6[%get3A_282, %get3A_283] {strides = array<i32>} : memref<4x1024xf32, #tpu.memory_space<vmem>>, vector<1x16xf32>,
    %get3A_285 = vector.shape_cast %get3A_284 : vector<1x16xf32> to vector<16xf32>
    %get3A_286 = arith.constant 2 : i32
    %get3A_287 = arith.index_cast %get3A_286 : i32 to index
    %get3A_288 = arith.constant 96 : index
    %get3A_289 = tpu.vector_load %arg6[%get3A_287, %get3A_288] {strides = array<i32>} : memref<4x1024xf32, #tpu.memory_space<vmem>>, vector<1x16xf32>,
    %get3A_290 = vector.shape_cast %get3A_289 : vector<1x16xf32> to vector<16xf32>
    %select_n3A_291 = arith.select %lt3A_280, %get3A_285, %get3A_290 : vector<16xi1>, vector<16xf32>
    %swap3A_292 = arith.constant 0 : i32
    %swap3A_293 = arith.index_cast %swap3A_292 : i32 to index
    %swap3A_294 = arith.constant 96 : index
    %swap3A_295 = tpu.vector_load %arg7[%swap3A_293, %swap3A_294] {strides = array<i32>} : memref<1x1024xf32, #tpu.memory_space<vmem>>, vector<1x16xf32>,
    %swap3A_296 = vector.shape_cast %swap3A_295 : vector<1x16xf32> to vector<16xf32>
    %swap3A_297 = vector.shape_cast %select_n3A_291 : vector<16xf32> to vector<1x16xf32>
    tpu.vector_store %arg7[%swap3A_293, %swap3A_294], %swap3A_297 {strides = array<i32>} : memref<1x1024xf32, #tpu.memory_space<vmem>>, vector<1x16xf32>,
    %get3A_298 = arith.constant 0 : i32
    %get3A_299 = arith.index_cast %get3A_298 : i32 to index
    %get3A_300 = arith.constant 112 : index
    %get3A_301 = tpu.vector_load %arg5[%get3A_299, %get3A_300] {strides = array<i32>} : memref<1x1024xf32, #tpu.memory_space<vmem>>, vector<1x16xf32>,
    %get3A_302 = vector.shape_cast %get3A_301 : vector<1x16xf32> to vector<16xf32>
    %get3A_303 = arith.constant 0 : i32
    %get3A_304 = arith.index_cast %get3A_303 : i32 to index
    %get3A_305 = arith.constant 112 : index
    %get3A_306 = tpu.vector_load %arg6[%get3A_304, %get3A_305] {strides = array<i32>} : memref<4x1024xf32, #tpu.memory_space<vmem>>, vector<1x16xf32>,
    %get3A_307 = vector.shape_cast %get3A_306 : vector<1x16xf32> to vector<16xf32>
    %sub3A_308 = arith.subf %get3A_302, %get3A_307 : vector<16xf32>
    %mul3A_309 = arith.mulf %sub3A_308, %sub3A_308 : vector<16xf32>
    %gather3A_310 = vector.shape_cast %reshape3A : vector<16x1xi32> to vector<16xi32>
    %gather3A_311 = tpu.dynamic_gather %mul3A_309[%gather3A_310] in [0] : vector<16xf32>, vector<16xi32> -> vector<16xf32>
    %add3A_312 = arith.addf %mul3A_309, %gather3A_311 : vector<16xf32>
    %get3A_313 = arith.constant 1 : i32
    %get3A_314 = arith.index_cast %get3A_313 : i32 to index
    %get3A_315 = arith.constant 112 : index
    %get3A_316 = tpu.vector_load %arg6[%get3A_314, %get3A_315] {strides = array<i32>} : memref<4x1024xf32, #tpu.memory_space<vmem>>, vector<1x16xf32>,
    %get3A_317 = vector.shape_cast %get3A_316 : vector<1x16xf32> to vector<16xf32>
    %sub3A_318 = arith.subf %get3A_302, %get3A_317 : vector<16xf32>
    %mul3A_319 = arith.mulf %sub3A_318, %sub3A_318 : vector<16xf32>
    %gather3A_320 = vector.shape_cast %reshape3A : vector<16x1xi32> to vector<16xi32>
    %gather3A_321 = tpu.dynamic_gather %mul3A_319[%gather3A_320] in [0] : vector<16xf32>, vector<16xi32> -> vector<16xf32>
    %add3A_322 = arith.addf %mul3A_319, %gather3A_321 : vector<16xf32>
    %lt3A_323 = arith.cmpf olt, %add3A_322, %add3A_312 : vector<16xf32>
    %get3A_324 = arith.constant 3 : i32
    %get3A_325 = arith.index_cast %get3A_324 : i32 to index
    %get3A_326 = arith.constant 112 : index
    %get3A_327 = tpu.vector_load %arg6[%get3A_325, %get3A_326] {strides = array<i32>} : memref<4x1024xf32, #tpu.memory_space<vmem>>, vector<1x16xf32>,
    %get3A_328 = vector.shape_cast %get3A_327 : vector<1x16xf32> to vector<16xf32>
    %get3A_329 = arith.constant 2 : i32
    %get3A_330 = arith.index_cast %get3A_329 : i32 to index
    %get3A_331 = arith.constant 112 : index
    %get3A_332 = tpu.vector_load %arg6[%get3A_330, %get3A_331] {strides = array<i32>} : memref<4x1024xf32, #tpu.memory_space<vmem>>, vector<1x16xf32>,
    %get3A_333 = vector.shape_cast %get3A_332 : vector<1x16xf32> to vector<16xf32>
    %select_n3A_334 = arith.select %lt3A_323, %get3A_328, %get3A_333 : vector<16xi1>, vector<16xf32>
    %swap3A_335 = arith.constant 0 : i32
    %swap3A_336 = arith.index_cast %swap3A_335 : i32 to index
    %swap3A_337 = arith.constant 112 : index
    %swap3A_338 = tpu.vector_load %arg7[%swap3A_336, %swap3A_337] {strides = array<i32>} : memref<1x1024xf32, #tpu.memory_space<vmem>>, vector<1x16xf32>,
    %swap3A_339 = vector.shape_cast %swap3A_338 : vector<1x16xf32> to vector<16xf32>
    %swap3A_340 = vector.shape_cast %select_n3A_334 : vector<16xf32> to vector<1x16xf32>
    tpu.vector_store %arg7[%swap3A_336, %swap3A_337], %swap3A_340 {strides = array<i32>} : memref<1x1024xf32, #tpu.memory_space<vmem>>, vector<1x16xf32>,
    %get3A_341 = arith.constant 0 : i32
    %get3A_342 = arith.index_cast %get3A_341 : i32 to index
    %get3A_343 = arith.constant 128 : index
    %get3A_344 = tpu.vector_load %arg5[%get3A_342, %get3A_343] {strides = array<i32>} : memref<1x1024xf32, #tpu.memory_space<vmem>>, vector<1x16xf32>,
    %get3A_345 = vector.shape_cast %get3A_344 : vector<1x16xf32> to vector<16xf32>
    %get3A_346 = arith.constant 0 : i32
    %get3A_347 = arith.index_cast %get3A_346 : i32 to index
    %get3A_348 = arith.constant 128 : index
    %get3A_349 = tpu.vector_load %arg6[%get3A_347, %get3A_348] {strides = array<i32>} : memref<4x1024xf32, #tpu.memory_space<vmem>>, vector<1x16xf32>,
    %get3A_350 = vector.shape_cast %get3A_349 : vector<1x16xf32> to vector<16xf32>
    %sub3A_351 = arith.subf %get3A_345, %get3A_350 : vector<16xf32>
    %mul3A_352 = arith.mulf %sub3A_351, %sub3A_351 : vector<16xf32>
    %gather3A_353 = vector.shape_cast %reshape3A : vector<16x1xi32> to vector<16xi32>
    %gather3A_354 = tpu.dynamic_gather %mul3A_352[%gather3A_353] in [0] : vector<16xf32>, vector<16xi32> -> vector<16xf32>
    %add3A_355 = arith.addf %mul3A_352, %gather3A_354 : vector<16xf32>
    %get3A_356 = arith.constant 1 : i32
    %get3A_357 = arith.index_cast %get3A_356 : i32 to index
    %get3A_358 = arith.constant 128 : index
    %get3A_359 = tpu.vector_load %arg6[%get3A_357, %get3A_358] {strides = array<i32>} : memref<4x1024xf32, #tpu.memory_space<vmem>>, vector<1x16xf32>,
    %get3A_360 = vector.shape_cast %get3A_359 : vector<1x16xf32> to vector<16xf32>
    %sub3A_361 = arith.subf %get3A_345, %get3A_360 : vector<16xf32>
    %mul3A_362 = arith.mulf %sub3A_361, %sub3A_361 : vector<16xf32>
    %gather3A_363 = vector.shape_cast %reshape3A : vector<16x1xi32> to vector<16xi32>
    %gather3A_364 = tpu.dynamic_gather %mul3A_362[%gather3A_363] in [0] : vector<16xf32>, vector<16xi32> -> vector<16xf32>
    %add3A_365 = arith.addf %mul3A_362, %gather3A_364 : vector<16xf32>
    %lt3A_366 = arith.cmpf olt, %add3A_365, %add3A_355 : vector<16xf32>
    %get3A_367 = arith.constant 3 : i32
    %get3A_368 = arith.index_cast %get3A_367 : i32 to index
    %get3A_369 = arith.constant 128 : index
    %get3A_370 = tpu.vector_load %arg6[%get3A_368, %get3A_369] {strides = array<i32>} : memref<4x1024xf32, #tpu.memory_space<vmem>>, vector<1x16xf32>,
    %get3A_371 = vector.shape_cast %get3A_370 : vector<1x16xf32> to vector<16xf32>
    %get3A_372 = arith.constant 2 : i32
    %get3A_373 = arith.index_cast %get3A_372 : i32 to index
    %get3A_374 = arith.constant 128 : index
    %get3A_375 = tpu.vector_load %arg6[%get3A_373, %get3A_374] {strides = array<i32>} : memref<4x1024xf32, #tpu.memory_space<vmem>>, vector<1x16xf32>,
    %get3A_376 = vector.shape_cast %get3A_375 : vector<1x16xf32> to vector<16xf32>
    %select_n3A_377 = arith.select %lt3A_366, %get3A_371, %get3A_376 : vector<16xi1>, vector<16xf32>
    %swap3A_378 = arith.constant 0 : i32
    %swap3A_379 = arith.index_cast %swap3A_378 : i32 to index
    %swap3A_380 = arith.constant 128 : index
    %swap3A_381 = tpu.vector_load %arg7[%swap3A_379, %swap3A_380] {strides = array<i32>} : memref<1x1024xf32, #tpu.memory_space<vmem>>, vector<1x16xf32>,
    %swap3A_382 = vector.shape_cast %swap3A_381 : vector<1x16xf32> to vector<16xf32>
    %swap3A_383 = vector.shape_cast %select_n3A_377 : vector<16xf32> to vector<1x16xf32>
    tpu.vector_store %arg7[%swap3A_379, %swap3A_380], %swap3A_383 {strides = array<i32>} : memref<1x1024xf32, #tpu.memory_space<vmem>>, vector<1x16xf32>,
    %get3A_384 = arith.constant 0 : i32
    %get3A_385 = arith.index_cast %get3A_384 : i32 to index
    %get3A_386 = arith.constant 144 : index
    %get3A_387 = tpu.vector_load %arg5[%get3A_385, %get3A_386] {strides = array<i32>} : memref<1x1024xf32, #tpu.memory_space<vmem>>, vector<1x16xf32>,
    %get3A_388 = vector.shape_cast %get3A_387 : vector<1x16xf32> to vector<16xf32>
    %get3A_389 = arith.constant 0 : i32
    %get3A_390 = arith.index_cast %get3A_389 : i32 to index
    %get3A_391 = arith.constant 144 : index
    %get3A_392 = tpu.vector_load %arg6[%get3A_390, %get3A_391] {strides = array<i32>} : memref<4x1024xf32, #tpu.memory_space<vmem>>, vector<1x16xf32>,
    %get3A_393 = vector.shape_cast %get3A_392 : vector<1x16xf32> to vector<16xf32>
    %sub3A_394 = arith.subf %get3A_388, %get3A_393 : vector<16xf32>
    %mul3A_395 = arith.mulf %sub3A_394, %sub3A_394 : vector<16xf32>
    %gather3A_396 = vector.shape_cast %reshape3A : vector<16x1xi32> to vector<16xi32>
    %gather3A_397 = tpu.dynamic_gather %mul3A_395[%gather3A_396] in [0] : vector<16xf32>, vector<16xi32> -> vector<16xf32>
    %add3A_398 = arith.addf %mul3A_395, %gather3A_397 : vector<16xf32>
    %get3A_399 = arith.constant 1 : i32
    %get3A_400 = arith.index_cast %get3A_399 : i32 to index
    %get3A_401 = arith.constant 144 : index
    %get3A_402 = tpu.vector_load %arg6[%get3A_400, %get3A_401] {strides = array<i32>} : memref<4x1024xf32, #tpu.memory_space<vmem>>, vector<1x16xf32>,
    %get3A_403 = vector.shape_cast %get3A_402 : vector<1x16xf32> to vector<16xf32>
    %sub3A_404 = arith.subf %get3A_388, %get3A_403 : vector<16xf32>
    %mul3A_405 = arith.mulf %sub3A_404, %sub3A_404 : vector<16xf32>
    %gather3A_406 = vector.shape_cast %reshape3A : vector<16x1xi32> to vector<16xi32>
    %gather3A_407 = tpu.dynamic_gather %mul3A_405[%gather3A_406] in [0] : vector<16xf32>, vector<16xi32> -> vector<16xf32>
    %add3A_408 = arith.addf %mul3A_405, %gather3A_407 : vector<16xf32>
    %lt3A_409 = arith.cmpf olt, %add3A_408, %add3A_398 : vector<16xf32>
    %get3A_410 = arith.constant 3 : i32
    %get3A_411 = arith.index_cast %get3A_410 : i32 to index
    %get3A_412 = arith.constant 144 : index
    %get3A_413 = tpu.vector_load %arg6[%get3A_411, %get3A_412] {strides = array<i32>} : memref<4x1024xf32, #tpu.memory_space<vmem>>, vector<1x16xf32>,
    %get3A_414 = vector.shape_cast %get3A_413 : vector<1x16xf32> to vector<16xf32>
    %get3A_415 = arith.constant 2 : i32
    %get3A_416 = arith.index_cast %get3A_415 : i32 to index
    %get3A_417 = arith.constant 144 : index
    %get3A_418 = tpu.vector_load %arg6[%get3A_416, %get3A_417] {strides = array<i32>} : memref<4x1024xf32, #tpu.memory_space<vmem>>, vector<1x16xf32>,
    %get3A_419 = vector.shape_cast %get3A_418 : vector<1x16xf32> to vector<16xf32>
    %select_n3A_420 = arith.select %lt3A_409, %get3A_414, %get3A_419 : vector<16xi1>, vector<16xf32>
    %swap3A_421 = arith.constant 0 : i32
    %swap3A_422 = arith.index_cast %swap3A_421 : i32 to index
    %swap3A_423 = arith.constant 144 : index
    %swap3A_424 = tpu.vector_load %arg7[%swap3A_422, %swap3A_423] {strides = array<i32>} : memref<1x1024xf32, #tpu.memory_space<vmem>>, vector<1x16xf32>,
    %swap3A_425 = vector.shape_cast %swap3A_424 : vector<1x16xf32> to vector<16xf32>
    %swap3A_426 = vector.shape_cast %select_n3A_420 : vector<16xf32> to vector<1x16xf32>
    tpu.vector_store %arg7[%swap3A_422, %swap3A_423], %swap3A_426 {strides = array<i32>} : memref<1x1024xf32, #tpu.memory_space<vmem>>, vector<1x16xf32>,
    %get3A_427 = arith.constant 0 : i32
    %get3A_428 = arith.index_cast %get3A_427 : i32 to index
    %get3A_429 = arith.constant 160 : index
    %get3A_430 = tpu.vector_load %arg5[%get3A_428, %get3A_429] {strides = array<i32>} : memref<1x1024xf32, #tpu.memory_space<vmem>>, vector<1x16xf32>,
    %get3A_431 = vector.shape_cast %get3A_430 : vector<1x16xf32> to vector<16xf32>
    %get3A_432 = arith.constant 0 : i32
    %get3A_433 = arith.index_cast %get3A_432 : i32 to index
    %get3A_434 = arith.constant 160 : index
    %get3A_435 = tpu.vector_load %arg6[%get3A_433, %get3A_434] {strides = array<i32>} : memref<4x1024xf32, #tpu.memory_space<vmem>>, vector<1x16xf32>,
    %get3A_436 = vector.shape_cast %get3A_435 : vector<1x16xf32> to vector<16xf32>
    %sub3A_437 = arith.subf %get3A_431, %get3A_436 : vector<16xf32>
    %mul3A_438 = arith.mulf %sub3A_437, %sub3A_437 : vector<16xf32>
    %gather3A_439 = vector.shape_cast %reshape3A : vector<16x1xi32> to vector<16xi32>
    %gather3A_440 = tpu.dynamic_gather %mul3A_438[%gather3A_439] in [0] : vector<16xf32>, vector<16xi32> -> vector<16xf32>
    %add3A_441 = arith.addf %mul3A_438, %gather3A_440 : vector<16xf32>
    %get3A_442 = arith.constant 1 : i32
    %get3A_443 = arith.index_cast %get3A_442 : i32 to index
    %get3A_444 = arith.constant 160 : index
    %get3A_445 = tpu.vector_load %arg6[%get3A_443, %get3A_444] {strides = array<i32>} : memref<4x1024xf32, #tpu.memory_space<vmem>>, vector<1x16xf32>,
    %get3A_446 = vector.shape_cast %get3A_445 : vector<1x16xf32> to vector<16xf32>
    %sub3A_447 = arith.subf %get3A_431, %get3A_446 : vector<16xf32>
    %mul3A_448 = arith.mulf %sub3A_447, %sub3A_447 : vector<16xf32>
    %gather3A_449 = vector.shape_cast %reshape3A : vector<16x1xi32> to vector<16xi32>
    %gather3A_450 = tpu.dynamic_gather %mul3A_448[%gather3A_449] in [0] : vector<16xf32>, vector<16xi32> -> vector<16xf32>
    %add3A_451 = arith.addf %mul3A_448, %gather3A_450 : vector<16xf32>
    %lt3A_452 = arith.cmpf olt, %add3A_451, %add3A_441 : vector<16xf32>
    %get3A_453 = arith.constant 3 : i32
    %get3A_454 = arith.index_cast %get3A_453 : i32 to index
    %get3A_455 = arith.constant 160 : index
    %get3A_456 = tpu.vector_load %arg6[%get3A_454, %get3A_455] {strides = array<i32>} : memref<4x1024xf32, #tpu.memory_space<vmem>>, vector<1x16xf32>,
    %get3A_457 = vector.shape_cast %get3A_456 : vector<1x16xf32> to vector<16xf32>
    %get3A_458 = arith.constant 2 : i32
    %get3A_459 = arith.index_cast %get3A_458 : i32 to index
    %get3A_460 = arith.constant 160 : index
    %get3A_461 = tpu.vector_load %arg6[%get3A_459, %get3A_460] {strides = array<i32>} : memref<4x1024xf32, #tpu.memory_space<vmem>>, vector<1x16xf32>,
    %get3A_462 = vector.shape_cast %get3A_461 : vector<1x16xf32> to vector<16xf32>
    %select_n3A_463 = arith.select %lt3A_452, %get3A_457, %get3A_462 : vector<16xi1>, vector<16xf32>
    %swap3A_464 = arith.constant 0 : i32
    %swap3A_465 = arith.index_cast %swap3A_464 : i32 to index
    %swap3A_466 = arith.constant 160 : index
    %swap3A_467 = tpu.vector_load %arg7[%swap3A_465, %swap3A_466] {strides = array<i32>} : memref<1x1024xf32, #tpu.memory_space<vmem>>, vector<1x16xf32>,
    %swap3A_468 = vector.shape_cast %swap3A_467 : vector<1x16xf32> to vector<16xf32>
    %swap3A_469 = vector.shape_cast %select_n3A_463 : vector<16xf32> to vector<1x16xf32>
    tpu.vector_store %arg7[%swap3A_465, %swap3A_466], %swap3A_469 {strides = array<i32>} : memref<1x1024xf32, #tpu.memory_space<vmem>>, vector<1x16xf32>,
    %get3A_470 = arith.constant 0 : i32
    %get3A_471 = arith.index_cast %get3A_470 : i32 to index
    %get3A_472 = arith.constant 176 : index
    %get3A_473 = tpu.vector_load %arg5[%get3A_471, %get3A_472] {strides = array<i32>} : memref<1x1024xf32, #tpu.memory_space<vmem>>, vector<1x16xf32>,
    %get3A_474 = vector.shape_cast %get3A_473 : vector<1x16xf32> to vector<16xf32>
    %get3A_475 = arith.constant 0 : i32
    %get3A_476 = arith.index_cast %get3A_475 : i32 to index
    %get3A_477 = arith.constant 176 : index
    %get3A_478 = tpu.vector_load %arg6[%get3A_476, %get3A_477] {strides = array<i32>} : memref<4x1024xf32, #tpu.memory_space<vmem>>, vector<1x16xf32>,
    %get3A_479 = vector.shape_cast %get3A_478 : vector<1x16xf32> to vector<16xf32>
    %sub3A_480 = arith.subf %get3A_474, %get3A_479 : vector<16xf32>
    %mul3A_481 = arith.mulf %sub3A_480, %sub3A_480 : vector<16xf32>
    %gather3A_482 = vector.shape_cast %reshape3A : vector<16x1xi32> to vector<16xi32>
    %gather3A_483 = tpu.dynamic_gather %mul3A_481[%gather3A_482] in [0] : vector<16xf32>, vector<16xi32> -> vector<16xf32>
    %add3A_484 = arith.addf %mul3A_481, %gather3A_483 : vector<16xf32>
    %get3A_485 = arith.constant 1 : i32
    %get3A_486 = arith.index_cast %get3A_485 : i32 to index
    %get3A_487 = arith.constant 176 : index
    %get3A_488 = tpu.vector_load %arg6[%get3A_486, %get3A_487] {strides = array<i32>} : memref<4x1024xf32, #tpu.memory_space<vmem>>, vector<1x16xf32>,
    %get3A_489 = vector.shape_cast %get3A_488 : vector<1x16xf32> to vector<16xf32>
    %sub3A_490 = arith.subf %get3A_474, %get3A_489 : vector<16xf32>
    %mul3A_491 = arith.mulf %sub3A_490, %sub3A_490 : vector<16xf32>
    %gather3A_492 = vector.shape_cast %reshape3A : vector<16x1xi32> to vector<16xi32>
    %gather3A_493 = tpu.dynamic_gather %mul3A_491[%gather3A_492] in [0] : vector<16xf32>, vector<16xi32> -> vector<16xf32>
    %add3A_494 = arith.addf %mul3A_491, %gather3A_493 : vector<16xf32>
    %lt3A_495 = arith.cmpf olt, %add3A_494, %add3A_484 : vector<16xf32>
    %get3A_496 = arith.constant 3 : i32
    %get3A_497 = arith.index_cast %get3A_496 : i32 to index
    %get3A_498 = arith.constant 176 : index
    %get3A_499 = tpu.vector_load %arg6[%get3A_497, %get3A_498] {strides = array<i32>} : memref<4x1024xf32, #tpu.memory_space<vmem>>, vector<1x16xf32>,
    %get3A_500 = vector.shape_cast %get3A_499 : vector<1x16xf32> to vector<16xf32>
    %get3A_501 = arith.constant 2 : i32
    %get3A_502 = arith.index_cast %get3A_501 : i32 to index
    %get3A_503 = arith.constant 176 : index
    %get3A_504 = tpu.vector_load %arg6[%get3A_502, %get3A_503] {strides = array<i32>} : memref<4x1024xf32, #tpu.memory_space<vmem>>, vector<1x16xf32>,
    %get3A_505 = vector.shape_cast %get3A_504 : vector<1x16xf32> to vector<16xf32>
    %select_n3A_506 = arith.select %lt3A_495, %get3A_500, %get3A_505 : vector<16xi1>, vector<16xf32>
    %swap3A_507 = arith.constant 0 : i32
    %swap3A_508 = arith.index_cast %swap3A_507 : i32 to index
    %swap3A_509 = arith.constant 176 : index
    %swap3A_510 = tpu.vector_load %arg7[%swap3A_508, %swap3A_509] {strides = array<i32>} : memref<1x1024xf32, #tpu.memory_space<vmem>>, vector<1x16xf32>,
    %swap3A_511 = vector.shape_cast %swap3A_510 : vector<1x16xf32> to vector<16xf32>
    %swap3A_512 = vector.shape_cast %select_n3A_506 : vector<16xf32> to vector<1x16xf32>
    tpu.vector_store %arg7[%swap3A_508, %swap3A_509], %swap3A_512 {strides = array<i32>} : memref<1x1024xf32, #tpu.memory_space<vmem>>, vector<1x16xf32>,
    %get3A_513 = arith.constant 0 : i32
    %get3A_514 = arith.index_cast %get3A_513 : i32 to index
    %get3A_515 = arith.constant 192 : index
    %get3A_516 = tpu.vector_load %arg5[%get3A_514, %get3A_515] {strides = array<i32>} : memref<1x1024xf32, #tpu.memory_space<vmem>>, vector<1x16xf32>,
    %get3A_517 = vector.shape_cast %get3A_516 : vector<1x16xf32> to vector<16xf32>
    %get3A_518 = arith.constant 0 : i32
    %get3A_519 = arith.index_cast %get3A_518 : i32 to index
    %get3A_520 = arith.constant 192 : index
    %get3A_521 = tpu.vector_load %arg6[%get3A_519, %get3A_520] {strides = array<i32>} : memref<4x1024xf32, #tpu.memory_space<vmem>>, vector<1x16xf32>,
    %get3A_522 = vector.shape_cast %get3A_521 : vector<1x16xf32> to vector<16xf32>
    %sub3A_523 = arith.subf %get3A_517, %get3A_522 : vector<16xf32>
    %mul3A_524 = arith.mulf %sub3A_523, %sub3A_523 : vector<16xf32>
    %gather3A_525 = vector.shape_cast %reshape3A : vector<16x1xi32> to vector<16xi32>
    %gather3A_526 = tpu.dynamic_gather %mul3A_524[%gather3A_525] in [0] : vector<16xf32>, vector<16xi32> -> vector<16xf32>
    %add3A_527 = arith.addf %mul3A_524, %gather3A_526 : vector<16xf32>
    %get3A_528 = arith.constant 1 : i32
    %get3A_529 = arith.index_cast %get3A_528 : i32 to index
    %get3A_530 = arith.constant 192 : index
    %get3A_531 = tpu.vector_load %arg6[%get3A_529, %get3A_530] {strides = array<i32>} : memref<4x1024xf32, #tpu.memory_space<vmem>>, vector<1x16xf32>,
    %get3A_532 = vector.shape_cast %get3A_531 : vector<1x16xf32> to vector<16xf32>
    %sub3A_533 = arith.subf %get3A_517, %get3A_532 : vector<16xf32>
    %mul3A_534 = arith.mulf %sub3A_533, %sub3A_533 : vector<16xf32>
    %gather3A_535 = vector.shape_cast %reshape3A : vector<16x1xi32> to vector<16xi32>
    %gather3A_536 = tpu.dynamic_gather %mul3A_534[%gather3A_535] in [0] : vector<16xf32>, vector<16xi32> -> vector<16xf32>
    %add3A_537 = arith.addf %mul3A_534, %gather3A_536 : vector<16xf32>
    %lt3A_538 = arith.cmpf olt, %add3A_537, %add3A_527 : vector<16xf32>
    %get3A_539 = arith.constant 3 : i32
    %get3A_540 = arith.index_cast %get3A_539 : i32 to index
    %get3A_541 = arith.constant 192 : index
    %get3A_542 = tpu.vector_load %arg6[%get3A_540, %get3A_541] {strides = array<i32>} : memref<4x1024xf32, #tpu.memory_space<vmem>>, vector<1x16xf32>,
    %get3A_543 = vector.shape_cast %get3A_542 : vector<1x16xf32> to vector<16xf32>
    %get3A_544 = arith.constant 2 : i32
    %get3A_545 = arith.index_cast %get3A_544 : i32 to index
    %get3A_546 = arith.constant 192 : index
    %get3A_547 = tpu.vector_load %arg6[%get3A_545, %get3A_546] {strides = array<i32>} : memref<4x1024xf32, #tpu.memory_space<vmem>>, vector<1x16xf32>,
    %get3A_548 = vector.shape_cast %get3A_547 : vector<1x16xf32> to vector<16xf32>
    %select_n3A_549 = arith.select %lt3A_538, %get3A_543, %get3A_548 : vector<16xi1>, vector<16xf32>
    %swap3A_550 = arith.constant 0 : i32
    %swap3A_551 = arith.index_cast %swap3A_550 : i32 to index
    %swap3A_552 = arith.constant 192 : index
    %swap3A_553 = tpu.vector_load %arg7[%swap3A_551, %swap3A_552] {strides = array<i32>} : memref<1x1024xf32, #tpu.memory_space<vmem>>, vector<1x16xf32>,
    %swap3A_554 = vector.shape_cast %swap3A_553 : vector<1x16xf32> to vector<16xf32>
    %swap3A_555 = vector.shape_cast %select_n3A_549 : vector<16xf32> to vector<1x16xf32>
    tpu.vector_store %arg7[%swap3A_551, %swap3A_552], %swap3A_555 {strides = array<i32>} : memref<1x1024xf32, #tpu.memory_space<vmem>>, vector<1x16xf32>,
    %get3A_556 = arith.constant 0 : i32
    %get3A_557 = arith.index_cast %get3A_556 : i32 to index
    %get3A_558 = arith.constant 208 : index
    %get3A_559 = tpu.vector_load %arg5[%get3A_557, %get3A_558] {strides = array<i32>} : memref<1x1024xf32, #tpu.memory_space<vmem>>, vector<1x16xf32>,
    %get3A_560 = vector.shape_cast %get3A_559 : vector<1x16xf32> to vector<16xf32>
    %get3A_561 = arith.constant 0 : i32
    %get3A_562 = arith.index_cast %get3A_561 : i32 to index
    %get3A_563 = arith.constant 208 : index
    %get3A_564 = tpu.vector_load %arg6[%get3A_562, %get3A_563] {strides = array<i32>} : memref<4x1024xf32, #tpu.memory_space<vmem>>, vector<1x16xf32>,
    %get3A_565 = vector.shape_cast %get3A_564 : vector<1x16xf32> to vector<16xf32>
    %sub3A_566 = arith.subf %get3A_560, %get3A_565 : vector<16xf32>
    %mul3A_567 = arith.mulf %sub3A_566, %sub3A_566 : vector<16xf32>
    %gather3A_568 = vector.shape_cast %reshape3A : vector<16x1xi32> to vector<16xi32>
    %gather3A_569 = tpu.dynamic_gather %mul3A_567[%gather3A_568] in [0] : vector<16xf32>, vector<16xi32> -> vector<16xf32>
    %add3A_570 = arith.addf %mul3A_567, %gather3A_569 : vector<16xf32>
    %get3A_571 = arith.constant 1 : i32
    %get3A_572 = arith.index_cast %get3A_571 : i32 to index
    %get3A_573 = arith.constant 208 : index
    %get3A_574 = tpu.vector_load %arg6[%get3A_572, %get3A_573] {strides = array<i32>} : memref<4x1024xf32, #tpu.memory_space<vmem>>, vector<1x16xf32>,
    %get3A_575 = vector.shape_cast %get3A_574 : vector<1x16xf32> to vector<16xf32>
    %sub3A_576 = arith.subf %get3A_560, %get3A_575 : vector<16xf32>
    %mul3A_577 = arith.mulf %sub3A_576, %sub3A_576 : vector<16xf32>
    %gather3A_578 = vector.shape_cast %reshape3A : vector<16x1xi32> to vector<16xi32>
    %gather3A_579 = tpu.dynamic_gather %mul3A_577[%gather3A_578] in [0] : vector<16xf32>, vector<16xi32> -> vector<16xf32>
    %add3A_580 = arith.addf %mul3A_577, %gather3A_579 : vector<16xf32>
    %lt3A_581 = arith.cmpf olt, %add3A_580, %add3A_570 : vector<16xf32>
    %get3A_582 = arith.constant 3 : i32
    %get3A_583 = arith.index_cast %get3A_582 : i32 to index
    %get3A_584 = arith.constant 208 : index
    %get3A_585 = tpu.vector_load %arg6[%get3A_583, %get3A_584] {strides = array<i32>} : memref<4x1024xf32, #tpu.memory_space<vmem>>, vector<1x16xf32>,
    %get3A_586 = vector.shape_cast %get3A_585 : vector<1x16xf32> to vector<16xf32>
    %get3A_587 = arith.constant 2 : i32
    %get3A_588 = arith.index_cast %get3A_587 : i32 to index
    %get3A_589 = arith.constant 208 : index
    %get3A_590 = tpu.vector_load %arg6[%get3A_588, %get3A_589] {strides = array<i32>} : memref<4x1024xf32, #tpu.memory_space<vmem>>, vector<1x16xf32>,
    %get3A_591 = vector.shape_cast %get3A_590 : vector<1x16xf32> to vector<16xf32>
    %select_n3A_592 = arith.select %lt3A_581, %get3A_586, %get3A_591 : vector<16xi1>, vector<16xf32>
    %swap3A_593 = arith.constant 0 : i32
    %swap3A_594 = arith.index_cast %swap3A_593 : i32 to index
    %swap3A_595 = arith.constant 208 : index
    %swap3A_596 = tpu.vector_load %arg7[%swap3A_594, %swap3A_595] {strides = array<i32>} : memref<1x1024xf32, #tpu.memory_space<vmem>>, vector<1x16xf32>,
    %swap3A_597 = vector.shape_cast %swap3A_596 : vector<1x16xf32> to vector<16xf32>
    %swap3A_598 = vector.shape_cast %select_n3A_592 : vector<16xf32> to vector<1x16xf32>
    tpu.vector_store %arg7[%swap3A_594, %swap3A_595], %swap3A_598 {strides = array<i32>} : memref<1x1024xf32, #tpu.memory_space<vmem>>, vector<1x16xf32>,
    %get3A_599 = arith.constant 0 : i32
    %get3A_600 = arith.index_cast %get3A_599 : i32 to index
    %get3A_601 = arith.constant 224 : index
    %get3A_602 = tpu.vector_load %arg5[%get3A_600, %get3A_601] {strides = array<i32>} : memref<1x1024xf32, #tpu.memory_space<vmem>>, vector<1x16xf32>,
    %get3A_603 = vector.shape_cast %get3A_602 : vector<1x16xf32> to vector<16xf32>
    %get3A_604 = arith.constant 0 : i32
    %get3A_605 = arith.index_cast %get3A_604 : i32 to index
    %get3A_606 = arith.constant 224 : index
    %get3A_607 = tpu.vector_load %arg6[%get3A_605, %get3A_606] {strides = array<i32>} : memref<4x1024xf32, #tpu.memory_space<vmem>>, vector<1x16xf32>,
    %get3A_608 = vector.shape_cast %get3A_607 : vector<1x16xf32> to vector<16xf32>
    %sub3A_609 = arith.subf %get3A_603, %get3A_608 : vector<16xf32>
    %mul3A_610 = arith.mulf %sub3A_609, %sub3A_609 : vector<16xf32>
    %gather3A_611 = vector.shape_cast %reshape3A : vector<16x1xi32> to vector<16xi32>
    %gather3A_612 = tpu.dynamic_gather %mul3A_610[%gather3A_611] in [0] : vector<16xf32>, vector<16xi32> -> vector<16xf32>
    %add3A_613 = arith.addf %mul3A_610, %gather3A_612 : vector<16xf32>
    %get3A_614 = arith.constant 1 : i32
    %get3A_615 = arith.index_cast %get3A_614 : i32 to index
    %get3A_616 = arith.constant 224 : index
    %get3A_617 = tpu.vector_load %arg6[%get3A_615, %get3A_616] {strides = array<i32>} : memref<4x1024xf32, #tpu.memory_space<vmem>>, vector<1x16xf32>,
    %get3A_618 = vector.shape_cast %get3A_617 : vector<1x16xf32> to vector<16xf32>
    %sub3A_619 = arith.subf %get3A_603, %get3A_618 : vector<16xf32>
    %mul3A_620 = arith.mulf %sub3A_619, %sub3A_619 : vector<16xf32>
    %gather3A_621 = vector.shape_cast %reshape3A : vector<16x1xi32> to vector<16xi32>
    %gather3A_622 = tpu.dynamic_gather %mul3A_620[%gather3A_621] in [0] : vector<16xf32>, vector<16xi32> -> vector<16xf32>
    %add3A_623 = arith.addf %mul3A_620, %gather3A_622 : vector<16xf32>
    %lt3A_624 = arith.cmpf olt, %add3A_623, %add3A_613 : vector<16xf32>
    %get3A_625 = arith.constant 3 : i32
    %get3A_626 = arith.index_cast %get3A_625 : i32 to index
    %get3A_627 = arith.constant 224 : index
    %get3A_628 = tpu.vector_load %arg6[%get3A_626, %get3A_627] {strides = array<i32>} : memref<4x1024xf32, #tpu.memory_space<vmem>>, vector<1x16xf32>,
    %get3A_629 = vector.shape_cast %get3A_628 : vector<1x16xf32> to vector<16xf32>
    %get3A_630 = arith.constant 2 : i32
    %get3A_631 = arith.index_cast %get3A_630 : i32 to index
    %get3A_632 = arith.constant 224 : index
    %get3A_633 = tpu.vector_load %arg6[%get3A_631, %get3A_632] {strides = array<i32>} : memref<4x1024xf32, #tpu.memory_space<vmem>>, vector<1x16xf32>,
    %get3A_634 = vector.shape_cast %get3A_633 : vector<1x16xf32> to vector<16xf32>
    %select_n3A_635 = arith.select %lt3A_624, %get3A_629, %get3A_634 : vector<16xi1>, vector<16xf32>
    %swap3A_636 = arith.constant 0 : i32
    %swap3A_637 = arith.index_cast %swap3A_636 : i32 to index
    %swap3A_638 = arith.constant 224 : index
    %swap3A_639 = tpu.vector_load %arg7[%swap3A_637, %swap3A_638] {strides = array<i32>} : memref<1x1024xf32, #tpu.memory_space<vmem>>, vector<1x16xf32>,
    %swap3A_640 = vector.shape_cast %swap3A_639 : vector<1x16xf32> to vector<16xf32>
    %swap3A_641 = vector.shape_cast %select_n3A_635 : vector<16xf32> to vector<1x16xf32>
    tpu.vector_store %arg7[%swap3A_637, %swap3A_638], %swap3A_641 {strides = array<i32>} : memref<1x1024xf32, #tpu.memory_space<vmem>>, vector<1x16xf32>,
    %get3A_642 = arith.constant 0 : i32
    %get3A_643 = arith.index_cast %get3A_642 : i32 to index
    %get3A_644 = arith.constant 240 : index
    %get3A_645 = tpu.vector_load %arg5[%get3A_643, %get3A_644] {strides = array<i32>} : memref<1x1024xf32, #tpu.memory_space<vmem>>, vector<1x16xf32>,
    %get3A_646 = vector.shape_cast %get3A_645 : vector<1x16xf32> to vector<16xf32>
    %get3A_647 = arith.constant 0 : i32
    %get3A_648 = arith.index_cast %get3A_647 : i32 to index
    %get3A_649 = arith.constant 240 : index
    %get3A_650 = tpu.vector_load %arg6[%get3A_648, %get3A_649] {strides = array<i32>} : memref<4x1024xf32, #tpu.memory_space<vmem>>, vector<1x16xf32>,
    %get3A_651 = vector.shape_cast %get3A_650 : vector<1x16xf32> to vector<16xf32>
    %sub3A_652 = arith.subf %get3A_646, %get3A_651 : vector<16xf32>
    %mul3A_653 = arith.mulf %sub3A_652, %sub3A_652 : vector<16xf32>
    %gather3A_654 = vector.shape_cast %reshape3A : vector<16x1xi32> to vector<16xi32>
    %gather3A_655 = tpu.dynamic_gather %mul3A_653[%gather3A_654] in [0] : vector<16xf32>, vector<16xi32> -> vector<16xf32>
    %add3A_656 = arith.addf %mul3A_653, %gather3A_655 : vector<16xf32>
    %get3A_657 = arith.constant 1 : i32
    %get3A_658 = arith.index_cast %get3A_657 : i32 to index
    %get3A_659 = arith.constant 240 : index
    %get3A_660 = tpu.vector_load %arg6[%get3A_658, %get3A_659] {strides = array<i32>} : memref<4x1024xf32, #tpu.memory_space<vmem>>, vector<1x16xf32>,
    %get3A_661 = vector.shape_cast %get3A_660 : vector<1x16xf32> to vector<16xf32>
    %sub3A_662 = arith.subf %get3A_646, %get3A_661 : vector<16xf32>
    %mul3A_663 = arith.mulf %sub3A_662, %sub3A_662 : vector<16xf32>
    %gather3A_664 = vector.shape_cast %reshape3A : vector<16x1xi32> to vector<16xi32>
    %gather3A_665 = tpu.dynamic_gather %mul3A_663[%gather3A_664] in [0] : vector<16xf32>, vector<16xi32> -> vector<16xf32>
    %add3A_666 = arith.addf %mul3A_663, %gather3A_665 : vector<16xf32>
    %lt3A_667 = arith.cmpf olt, %add3A_666, %add3A_656 : vector<16xf32>
    %get3A_668 = arith.constant 3 : i32
    %get3A_669 = arith.index_cast %get3A_668 : i32 to index
    %get3A_670 = arith.constant 240 : index
    %get3A_671 = tpu.vector_load %arg6[%get3A_669, %get3A_670] {strides = array<i32>} : memref<4x1024xf32, #tpu.memory_space<vmem>>, vector<1x16xf32>,
    %get3A_672 = vector.shape_cast %get3A_671 : vector<1x16xf32> to vector<16xf32>
    %get3A_673 = arith.constant 2 : i32
    %get3A_674 = arith.index_cast %get3A_673 : i32 to index
    %get3A_675 = arith.constant 240 : index
    %get3A_676 = tpu.vector_load %arg6[%get3A_674, %get3A_675] {strides = array<i32>} : memref<4x1024xf32, #tpu.memory_space<vmem>>, vector<1x16xf32>,
    %get3A_677 = vector.shape_cast %get3A_676 : vector<1x16xf32> to vector<16xf32>
    %select_n3A_678 = arith.select %lt3A_667, %get3A_672, %get3A_677 : vector<16xi1>, vector<16xf32>
    %swap3A_679 = arith.constant 0 : i32
    %swap3A_680 = arith.index_cast %swap3A_679 : i32 to index
    %swap3A_681 = arith.constant 240 : index
    %swap3A_682 = tpu.vector_load %arg7[%swap3A_680, %swap3A_681] {strides = array<i32>} : memref<1x1024xf32, #tpu.memory_space<vmem>>, vector<1x16xf32>,
    %swap3A_683 = vector.shape_cast %swap3A_682 : vector<1x16xf32> to vector<16xf32>
    %swap3A_684 = vector.shape_cast %select_n3A_678 : vector<16xf32> to vector<1x16xf32>
    tpu.vector_store %arg7[%swap3A_680, %swap3A_681], %swap3A_684 {strides = array<i32>} : memref<1x1024xf32, #tpu.memory_space<vmem>>, vector<1x16xf32>,
    %get3A_685 = arith.constant 0 : i32
    %get3A_686 = arith.index_cast %get3A_685 : i32 to index
    %get3A_687 = arith.constant 256 : index
    %get3A_688 = tpu.vector_load %arg5[%get3A_686, %get3A_687] {strides = array<i32>} : memref<1x1024xf32, #tpu.memory_space<vmem>>, vector<1x16xf32>,
    %get3A_689 = vector.shape_cast %get3A_688 : vector<1x16xf32> to vector<16xf32>
    %get3A_690 = arith.constant 0 : i32
    %get3A_691 = arith.index_cast %get3A_690 : i32 to index
    %get3A_692 = arith.constant 256 : index
    %get3A_693 = tpu.vector_load %arg6[%get3A_691, %get3A_692] {strides = array<i32>} : memref<4x1024xf32, #tpu.memory_space<vmem>>, vector<1x16xf32>,
    %get3A_694 = vector.shape_cast %get3A_693 : vector<1x16xf32> to vector<16xf32>
    %sub3A_695 = arith.subf %get3A_689, %get3A_694 : vector<16xf32>
    %mul3A_696 = arith.mulf %sub3A_695, %sub3A_695 : vector<16xf32>
    %gather3A_697 = vector.shape_cast %reshape3A : vector<16x1xi32> to vector<16xi32>
    %gather3A_698 = tpu.dynamic_gather %mul3A_696[%gather3A_697] in [0] : vector<16xf32>, vector<16xi32> -> vector<16xf32>
    %add3A_699 = arith.addf %mul3A_696, %gather3A_698 : vector<16xf32>
    %get3A_700 = arith.constant 1 : i32
    %get3A_701 = arith.index_cast %get3A_700 : i32 to index
    %get3A_702 = arith.constant 256 : index
    %get3A_703 = tpu.vector_load %arg6[%get3A_701, %get3A_702] {strides = array<i32>} : memref<4x1024xf32, #tpu.memory_space<vmem>>, vector<1x16xf32>,
    %get3A_704 = vector.shape_cast %get3A_703 : vector<1x16xf32> to vector<16xf32>
    %sub3A_705 = arith.subf %get3A_689, %get3A_704 : vector<16xf32>
    %mul3A_706 = arith.mulf %sub3A_705, %sub3A_705 : vector<16xf32>
    %gather3A_707 = vector.shape_cast %reshape3A : vector<16x1xi32> to vector<16xi32>
    %gather3A_708 = tpu.dynamic_gather %mul3A_706[%gather3A_707] in [0] : vector<16xf32>, vector<16xi32> -> vector<16xf32>
    %add3A_709 = arith.addf %mul3A_706, %gather3A_708 : vector<16xf32>
    %lt3A_710 = arith.cmpf olt, %add3A_709, %add3A_699 : vector<16xf32>
    %get3A_711 = arith.constant 3 : i32
    %get3A_712 = arith.index_cast %get3A_711 : i32 to index
    %get3A_713 = arith.constant 256 : index
    %get3A_714 = tpu.vector_load %arg6[%get3A_712, %get3A_713] {strides = array<i32>} : memref<4x1024xf32, #tpu.memory_space<vmem>>, vector<1x16xf32>,
    %get3A_715 = vector.shape_cast %get3A_714 : vector<1x16xf32> to vector<16xf32>
    %get3A_716 = arith.constant 2 : i32
    %get3A_717 = arith.index_cast %get3A_716 : i32 to index
    %get3A_718 = arith.constant 256 : index
    %get3A_719 = tpu.vector_load %arg6[%get3A_717, %get3A_718] {strides = array<i32>} : memref<4x1024xf32, #tpu.memory_space<vmem>>, vector<1x16xf32>,
    %get3A_720 = vector.shape_cast %get3A_719 : vector<1x16xf32> to vector<16xf32>
    %select_n3A_721 = arith.select %lt3A_710, %get3A_715, %get3A_720 : vector<16xi1>, vector<16xf32>
    %swap3A_722 = arith.constant 0 : i32
    %swap3A_723 = arith.index_cast %swap3A_722 : i32 to index
    %swap3A_724 = arith.constant 256 : index
    %swap3A_725 = tpu.vector_load %arg7[%swap3A_723, %swap3A_724] {strides = array<i32>} : memref<1x1024xf32, #tpu.memory_space<vmem>>, vector<1x16xf32>,
    %swap3A_726 = vector.shape_cast %swap3A_725 : vector<1x16xf32> to vector<16xf32>
    %swap3A_727 = vector.shape_cast %select_n3A_721 : vector<16xf32> to vector<1x16xf32>
    tpu.vector_store %arg7[%swap3A_723, %swap3A_724], %swap3A_727 {strides = array<i32>} : memref<1x1024xf32, #tpu.memory_space<vmem>>, vector<1x16xf32>,
    %get3A_728 = arith.constant 0 : i32
    %get3A_729 = arith.index_cast %get3A_728 : i32 to index
    %get3A_730 = arith.constant 272 : index
    %get3A_731 = tpu.vector_load %arg5[%get3A_729, %get3A_730] {strides = array<i32>} : memref<1x1024xf32, #tpu.memory_space<vmem>>, vector<1x16xf32>,
    %get3A_732 = vector.shape_cast %get3A_731 : vector<1x16xf32> to vector<16xf32>
    %get3A_733 = arith.constant 0 : i32
    %get3A_734 = arith.index_cast %get3A_733 : i32 to index
    %get3A_735 = arith.constant 272 : index
    %get3A_736 = tpu.vector_load %arg6[%get3A_734, %get3A_735] {strides = array<i32>} : memref<4x1024xf32, #tpu.memory_space<vmem>>, vector<1x16xf32>,
    %get3A_737 = vector.shape_cast %get3A_736 : vector<1x16xf32> to vector<16xf32>
    %sub3A_738 = arith.subf %get3A_732, %get3A_737 : vector<16xf32>
    %mul3A_739 = arith.mulf %sub3A_738, %sub3A_738 : vector<16xf32>
    %gather3A_740 = vector.shape_cast %reshape3A : vector<16x1xi32> to vector<16xi32>
    %gather3A_741 = tpu.dynamic_gather %mul3A_739[%gather3A_740] in [0] : vector<16xf32>, vector<16xi32> -> vector<16xf32>
    %add3A_742 = arith.addf %mul3A_739, %gather3A_741 : vector<16xf32>
    %get3A_743 = arith.constant 1 : i32
    %get3A_744 = arith.index_cast %get3A_743 : i32 to index
    %get3A_745 = arith.constant 272 : index
    %get3A_746 = tpu.vector_load %arg6[%get3A_744, %get3A_745] {strides = array<i32>} : memref<4x1024xf32, #tpu.memory_space<vmem>>, vector<1x16xf32>,
    %get3A_747 = vector.shape_cast %get3A_746 : vector<1x16xf32> to vector<16xf32>
    %sub3A_748 = arith.subf %get3A_732, %get3A_747 : vector<16xf32>
    %mul3A_749 = arith.mulf %sub3A_748, %sub3A_748 : vector<16xf32>
    %gather3A_750 = vector.shape_cast %reshape3A : vector<16x1xi32> to vector<16xi32>
    %gather3A_751 = tpu.dynamic_gather %mul3A_749[%gather3A_750] in [0] : vector<16xf32>, vector<16xi32> -> vector<16xf32>
    %add3A_752 = arith.addf %mul3A_749, %gather3A_751 : vector<16xf32>
    %lt3A_753 = arith.cmpf olt, %add3A_752, %add3A_742 : vector<16xf32>
    %get3A_754 = arith.constant 3 : i32
    %get3A_755 = arith.index_cast %get3A_754 : i32 to index
    %get3A_756 = arith.constant 272 : index
    %get3A_757 = tpu.vector_load %arg6[%get3A_755, %get3A_756] {strides = array<i32>} : memref<4x1024xf32, #tpu.memory_space<vmem>>, vector<1x16xf32>,
    %get3A_758 = vector.shape_cast %get3A_757 : vector<1x16xf32> to vector<16xf32>
    %get3A_759 = arith.constant 2 : i32
    %get3A_760 = arith.index_cast %get3A_759 : i32 to index
    %get3A_761 = arith.constant 272 : index
    %get3A_762 = tpu.vector_load %arg6[%get3A_760, %get3A_761] {strides = array<i32>} : memref<4x1024xf32, #tpu.memory_space<vmem>>, vector<1x16xf32>,
    %get3A_763 = vector.shape_cast %get3A_762 : vector<1x16xf32> to vector<16xf32>
    %select_n3A_764 = arith.select %lt3A_753, %get3A_758, %get3A_763 : vector<16xi1>, vector<16xf32>
    %swap3A_765 = arith.constant 0 : i32
    %swap3A_766 = arith.index_cast %swap3A_765 : i32 to index
    %swap3A_767 = arith.constant 272 : index
    %swap3A_768 = tpu.vector_load %arg7[%swap3A_766, %swap3A_767] {strides = array<i32>} : memref<1x1024xf32, #tpu.memory_space<vmem>>, vector<1x16xf32>,
    %swap3A_769 = vector.shape_cast %swap3A_768 : vector<1x16xf32> to vector<16xf32>
    %swap3A_770 = vector.shape_cast %select_n3A_764 : vector<16xf32> to vector<1x16xf32>
    tpu.vector_store %arg7[%swap3A_766, %swap3A_767], %swap3A_770 {strides = array<i32>} : memref<1x1024xf32, #tpu.memory_space<vmem>>, vector<1x16xf32>,
    %get3A_771 = arith.constant 0 : i32
    %get3A_772 = arith.index_cast %get3A_771 : i32 to index
    %get3A_773 = arith.constant 288 : index
    %get3A_774 = tpu.vector_load %arg5[%get3A_772, %get3A_773] {strides = array<i32>} : memref<1x1024xf32, #tpu.memory_space<vmem>>, vector<1x16xf32>,
    %get3A_775 = vector.shape_cast %get3A_774 : vector<1x16xf32> to vector<16xf32>
    %get3A_776 = arith.constant 0 : i32
    %get3A_777 = arith.index_cast %get3A_776 : i32 to index
    %get3A_778 = arith.constant 288 : index
    %get3A_779 = tpu.vector_load %arg6[%get3A_777, %get3A_778] {strides = array<i32>} : memref<4x1024xf32, #tpu.memory_space<vmem>>, vector<1x16xf32>,
    %get3A_780 = vector.shape_cast %get3A_779 : vector<1x16xf32> to vector<16xf32>
    %sub3A_781 = arith.subf %get3A_775, %get3A_780 : vector<16xf32>
    %mul3A_782 = arith.mulf %sub3A_781, %sub3A_781 : vector<16xf32>
    %gather3A_783 = vector.shape_cast %reshape3A : vector<16x1xi32> to vector<16xi32>
    %gather3A_784 = tpu.dynamic_gather %mul3A_782[%gather3A_783] in [0] : vector<16xf32>, vector<16xi32> -> vector<16xf32>
    %add3A_785 = arith.addf %mul3A_782, %gather3A_784 : vector<16xf32>
    %get3A_786 = arith.constant 1 : i32
    %get3A_787 = arith.index_cast %get3A_786 : i32 to index
    %get3A_788 = arith.constant 288 : index
    %get3A_789 = tpu.vector_load %arg6[%get3A_787, %get3A_788] {strides = array<i32>} : memref<4x1024xf32, #tpu.memory_space<vmem>>, vector<1x16xf32>,
    %get3A_790 = vector.shape_cast %get3A_789 : vector<1x16xf32> to vector<16xf32>
    %sub3A_791 = arith.subf %get3A_775, %get3A_790 : vector<16xf32>
    %mul3A_792 = arith.mulf %sub3A_791, %sub3A_791 : vector<16xf32>
    %gather3A_793 = vector.shape_cast %reshape3A : vector<16x1xi32> to vector<16xi32>
    %gather3A_794 = tpu.dynamic_gather %mul3A_792[%gather3A_793] in [0] : vector<16xf32>, vector<16xi32> -> vector<16xf32>
    %add3A_795 = arith.addf %mul3A_792, %gather3A_794 : vector<16xf32>
    %lt3A_796 = arith.cmpf olt, %add3A_795, %add3A_785 : vector<16xf32>
    %get3A_797 = arith.constant 3 : i32
    %get3A_798 = arith.index_cast %get3A_797 : i32 to index
    %get3A_799 = arith.constant 288 : index
    %get3A_800 = tpu.vector_load %arg6[%get3A_798, %get3A_799] {strides = array<i32>} : memref<4x1024xf32, #tpu.memory_space<vmem>>, vector<1x16xf32>,
    %get3A_801 = vector.shape_cast %get3A_800 : vector<1x16xf32> to vector<16xf32>
    %get3A_802 = arith.constant 2 : i32
    %get3A_803 = arith.index_cast %get3A_802 : i32 to index
    %get3A_804 = arith.constant 288 : index
    %get3A_805 = tpu.vector_load %arg6[%get3A_803, %get3A_804] {strides = array<i32>} : memref<4x1024xf32, #tpu.memory_space<vmem>>, vector<1x16xf32>,
    %get3A_806 = vector.shape_cast %get3A_805 : vector<1x16xf32> to vector<16xf32>
    %select_n3A_807 = arith.select %lt3A_796, %get3A_801, %get3A_806 : vector<16xi1>, vector<16xf32>
    %swap3A_808 = arith.constant 0 : i32
    %swap3A_809 = arith.index_cast %swap3A_808 : i32 to index
    %swap3A_810 = arith.constant 288 : index
    %swap3A_811 = tpu.vector_load %arg7[%swap3A_809, %swap3A_810] {strides = array<i32>} : memref<1x1024xf32, #tpu.memory_space<vmem>>, vector<1x16xf32>,
    %swap3A_812 = vector.shape_cast %swap3A_811 : vector<1x16xf32> to vector<16xf32>
    %swap3A_813 = vector.shape_cast %select_n3A_807 : vector<16xf32> to vector<1x16xf32>
    tpu.vector_store %arg7[%swap3A_809, %swap3A_810], %swap3A_813 {strides = array<i32>} : memref<1x1024xf32, #tpu.memory_space<vmem>>, vector<1x16xf32>,
    %get3A_814 = arith.constant 0 : i32
    %get3A_815 = arith.index_cast %get3A_814 : i32 to index
    %get3A_816 = arith.constant 304 : index
    %get3A_817 = tpu.vector_load %arg5[%get3A_815, %get3A_816] {strides = array<i32>} : memref<1x1024xf32, #tpu.memory_space<vmem>>, vector<1x16xf32>,
    %get3A_818 = vector.shape_cast %get3A_817 : vector<1x16xf32> to vector<16xf32>
    %get3A_819 = arith.constant 0 : i32
    %get3A_820 = arith.index_cast %get3A_819 : i32 to index
    %get3A_821 = arith.constant 304 : index
    %get3A_822 = tpu.vector_load %arg6[%get3A_820, %get3A_821] {strides = array<i32>} : memref<4x1024xf32, #tpu.memory_space<vmem>>, vector<1x16xf32>,
    %get3A_823 = vector.shape_cast %get3A_822 : vector<1x16xf32> to vector<16xf32>
    %sub3A_824 = arith.subf %get3A_818, %get3A_823 : vector<16xf32>
    %mul3A_825 = arith.mulf %sub3A_824, %sub3A_824 : vector<16xf32>
    %gather3A_826 = vector.shape_cast %reshape3A : vector<16x1xi32> to vector<16xi32>
    %gather3A_827 = tpu.dynamic_gather %mul3A_825[%gather3A_826] in [0] : vector<16xf32>, vector<16xi32> -> vector<16xf32>
    %add3A_828 = arith.addf %mul3A_825, %gather3A_827 : vector<16xf32>
    %get3A_829 = arith.constant 1 : i32
    %get3A_830 = arith.index_cast %get3A_829 : i32 to index
    %get3A_831 = arith.constant 304 : index
    %get3A_832 = tpu.vector_load %arg6[%get3A_830, %get3A_831] {strides = array<i32>} : memref<4x1024xf32, #tpu.memory_space<vmem>>, vector<1x16xf32>,
    %get3A_833 = vector.shape_cast %get3A_832 : vector<1x16xf32> to vector<16xf32>
    %sub3A_834 = arith.subf %get3A_818, %get3A_833 : vector<16xf32>
    %mul3A_835 = arith.mulf %sub3A_834, %sub3A_834 : vector<16xf32>
    %gather3A_836 = vector.shape_cast %reshape3A : vector<16x1xi32> to vector<16xi32>
    %gather3A_837 = tpu.dynamic_gather %mul3A_835[%gather3A_836] in [0] : vector<16xf32>, vector<16xi32> -> vector<16xf32>
    %add3A_838 = arith.addf %mul3A_835, %gather3A_837 : vector<16xf32>
    %lt3A_839 = arith.cmpf olt, %add3A_838, %add3A_828 : vector<16xf32>
    %get3A_840 = arith.constant 3 : i32
    %get3A_841 = arith.index_cast %get3A_840 : i32 to index
    %get3A_842 = arith.constant 304 : index
    %get3A_843 = tpu.vector_load %arg6[%get3A_841, %get3A_842] {strides = array<i32>} : memref<4x1024xf32, #tpu.memory_space<vmem>>, vector<1x16xf32>,
    %get3A_844 = vector.shape_cast %get3A_843 : vector<1x16xf32> to vector<16xf32>
    %get3A_845 = arith.constant 2 : i32
    %get3A_846 = arith.index_cast %get3A_845 : i32 to index
    %get3A_847 = arith.constant 304 : index
    %get3A_848 = tpu.vector_load %arg6[%get3A_846, %get3A_847] {strides = array<i32>} : memref<4x1024xf32, #tpu.memory_space<vmem>>, vector<1x16xf32>,
    %get3A_849 = vector.shape_cast %get3A_848 : vector<1x16xf32> to vector<16xf32>
    %select_n3A_850 = arith.select %lt3A_839, %get3A_844, %get3A_849 : vector<16xi1>, vector<16xf32>
    %swap3A_851 = arith.constant 0 : i32
    %swap3A_852 = arith.index_cast %swap3A_851 : i32 to index
    %swap3A_853 = arith.constant 304 : index
    %swap3A_854 = tpu.vector_load %arg7[%swap3A_852, %swap3A_853] {strides = array<i32>} : memref<1x1024xf32, #tpu.memory_space<vmem>>, vector<1x16xf32>,
    %swap3A_855 = vector.shape_cast %swap3A_854 : vector<1x16xf32> to vector<16xf32>
    %swap3A_856 = vector.shape_cast %select_n3A_850 : vector<16xf32> to vector<1x16xf32>
    tpu.vector_store %arg7[%swap3A_852, %swap3A_853], %swap3A_856 {strides = array<i32>} : memref<1x1024xf32, #tpu.memory_space<vmem>>, vector<1x16xf32>,
    %get3A_857 = arith.constant 0 : i32
    %get3A_858 = arith.index_cast %get3A_857 : i32 to index
    %get3A_859 = arith.constant 320 : index
    %get3A_860 = tpu.vector_load %arg5[%get3A_858, %get3A_859] {strides = array<i32>} : memref<1x1024xf32, #tpu.memory_space<vmem>>, vector<1x16xf32>,
    %get3A_861 = vector.shape_cast %get3A_860 : vector<1x16xf32> to vector<16xf32>
    %get3A_862 = arith.constant 0 : i32
    %get3A_863 = arith.index_cast %get3A_862 : i32 to index
    %get3A_864 = arith.constant 320 : index
    %get3A_865 = tpu.vector_load %arg6[%get3A_863, %get3A_864] {strides = array<i32>} : memref<4x1024xf32, #tpu.memory_space<vmem>>, vector<1x16xf32>,
    %get3A_866 = vector.shape_cast %get3A_865 : vector<1x16xf32> to vector<16xf32>
    %sub3A_867 = arith.subf %get3A_861, %get3A_866 : vector<16xf32>
    %mul3A_868 = arith.mulf %sub3A_867, %sub3A_867 : vector<16xf32>
    %gather3A_869 = vector.shape_cast %reshape3A : vector<16x1xi32> to vector<16xi32>
    %gather3A_870 = tpu.dynamic_gather %mul3A_868[%gather3A_869] in [0] : vector<16xf32>, vector<16xi32> -> vector<16xf32>
    %add3A_871 = arith.addf %mul3A_868, %gather3A_870 : vector<16xf32>
    %get3A_872 = arith.constant 1 : i32
    %get3A_873 = arith.index_cast %get3A_872 : i32 to index
    %get3A_874 = arith.constant 320 : index
    %get3A_875 = tpu.vector_load %arg6[%get3A_873, %get3A_874] {strides = array<i32>} : memref<4x1024xf32, #tpu.memory_space<vmem>>, vector<1x16xf32>,
    %get3A_876 = vector.shape_cast %get3A_875 : vector<1x16xf32> to vector<16xf32>
    %sub3A_877 = arith.subf %get3A_861, %get3A_876 : vector<16xf32>
    %mul3A_878 = arith.mulf %sub3A_877, %sub3A_877 : vector<16xf32>
    %gather3A_879 = vector.shape_cast %reshape3A : vector<16x1xi32> to vector<16xi32>
    %gather3A_880 = tpu.dynamic_gather %mul3A_878[%gather3A_879] in [0] : vector<16xf32>, vector<16xi32> -> vector<16xf32>
    %add3A_881 = arith.addf %mul3A_878, %gather3A_880 : vector<16xf32>
    %lt3A_882 = arith.cmpf olt, %add3A_881, %add3A_871 : vector<16xf32>
    %get3A_883 = arith.constant 3 : i32
    %get3A_884 = arith.index_cast %get3A_883 : i32 to index
    %get3A_885 = arith.constant 320 : index
    %get3A_886 = tpu.vector_load %arg6[%get3A_884, %get3A_885] {strides = array<i32>} : memref<4x1024xf32, #tpu.memory_space<vmem>>, vector<1x16xf32>,
    %get3A_887 = vector.shape_cast %get3A_886 : vector<1x16xf32> to vector<16xf32>
    %get3A_888 = arith.constant 2 : i32
    %get3A_889 = arith.index_cast %get3A_888 : i32 to index
    %get3A_890 = arith.constant 320 : index
    %get3A_891 = tpu.vector_load %arg6[%get3A_889, %get3A_890] {strides = array<i32>} : memref<4x1024xf32, #tpu.memory_space<vmem>>, vector<1x16xf32>,
    %get3A_892 = vector.shape_cast %get3A_891 : vector<1x16xf32> to vector<16xf32>
    %select_n3A_893 = arith.select %lt3A_882, %get3A_887, %get3A_892 : vector<16xi1>, vector<16xf32>
    %swap3A_894 = arith.constant 0 : i32
    %swap3A_895 = arith.index_cast %swap3A_894 : i32 to index
    %swap3A_896 = arith.constant 320 : index
    %swap3A_897 = tpu.vector_load %arg7[%swap3A_895, %swap3A_896] {strides = array<i32>} : memref<1x1024xf32, #tpu.memory_space<vmem>>, vector<1x16xf32>,
    %swap3A_898 = vector.shape_cast %swap3A_897 : vector<1x16xf32> to vector<16xf32>
    %swap3A_899 = vector.shape_cast %select_n3A_893 : vector<16xf32> to vector<1x16xf32>
    tpu.vector_store %arg7[%swap3A_895, %swap3A_896], %swap3A_899 {strides = array<i32>} : memref<1x1024xf32, #tpu.memory_space<vmem>>, vector<1x16xf32>,
    %get3A_900 = arith.constant 0 : i32
    %get3A_901 = arith.index_cast %get3A_900 : i32 to index
    %get3A_902 = arith.constant 336 : index
    %get3A_903 = tpu.vector_load %arg5[%get3A_901, %get3A_902] {strides = array<i32>} : memref<1x1024xf32, #tpu.memory_space<vmem>>, vector<1x16xf32>,
    %get3A_904 = vector.shape_cast %get3A_903 : vector<1x16xf32> to vector<16xf32>
    %get3A_905 = arith.constant 0 : i32
    %get3A_906 = arith.index_cast %get3A_905 : i32 to index
    %get3A_907 = arith.constant 336 : index
    %get3A_908 = tpu.vector_load %arg6[%get3A_906, %get3A_907] {strides = array<i32>} : memref<4x1024xf32, #tpu.memory_space<vmem>>, vector<1x16xf32>,
    %get3A_909 = vector.shape_cast %get3A_908 : vector<1x16xf32> to vector<16xf32>
    %sub3A_910 = arith.subf %get3A_904, %get3A_909 : vector<16xf32>
    %mul3A_911 = arith.mulf %sub3A_910, %sub3A_910 : vector<16xf32>
    %gather3A_912 = vector.shape_cast %reshape3A : vector<16x1xi32> to vector<16xi32>
    %gather3A_913 = tpu.dynamic_gather %mul3A_911[%gather3A_912] in [0] : vector<16xf32>, vector<16xi32> -> vector<16xf32>
    %add3A_914 = arith.addf %mul3A_911, %gather3A_913 : vector<16xf32>
    %get3A_915 = arith.constant 1 : i32
    %get3A_916 = arith.index_cast %get3A_915 : i32 to index
    %get3A_917 = arith.constant 336 : index
    %get3A_918 = tpu.vector_load %arg6[%get3A_916, %get3A_917] {strides = array<i32>} : memref<4x1024xf32, #tpu.memory_space<vmem>>, vector<1x16xf32>,
    %get3A_919 = vector.shape_cast %get3A_918 : vector<1x16xf32> to vector<16xf32>
    %sub3A_920 = arith.subf %get3A_904, %get3A_919 : vector<16xf32>
    %mul3A_921 = arith.mulf %sub3A_920, %sub3A_920 : vector<16xf32>
    %gather3A_922 = vector.shape_cast %reshape3A : vector<16x1xi32> to vector<16xi32>
    %gather3A_923 = tpu.dynamic_gather %mul3A_921[%gather3A_922] in [0] : vector<16xf32>, vector<16xi32> -> vector<16xf32>
    %add3A_924 = arith.addf %mul3A_921, %gather3A_923 : vector<16xf32>
    %lt3A_925 = arith.cmpf olt, %add3A_924, %add3A_914 : vector<16xf32>
    %get3A_926 = arith.constant 3 : i32
    %get3A_927 = arith.index_cast %get3A_926 : i32 to index
    %get3A_928 = arith.constant 336 : index
    %get3A_929 = tpu.vector_load %arg6[%get3A_927, %get3A_928] {strides = array<i32>} : memref<4x1024xf32, #tpu.memory_space<vmem>>, vector<1x16xf32>,
    %get3A_930 = vector.shape_cast %get3A_929 : vector<1x16xf32> to vector<16xf32>
    %get3A_931 = arith.constant 2 : i32
    %get3A_932 = arith.index_cast %get3A_931 : i32 to index
    %get3A_933 = arith.constant 336 : index
    %get3A_934 = tpu.vector_load %arg6[%get3A_932, %get3A_933] {strides = array<i32>} : memref<4x1024xf32, #tpu.memory_space<vmem>>, vector<1x16xf32>,
    %get3A_935 = vector.shape_cast %get3A_934 : vector<1x16xf32> to vector<16xf32>
    %select_n3A_936 = arith.select %lt3A_925, %get3A_930, %get3A_935 : vector<16xi1>, vector<16xf32>
    %swap3A_937 = arith.constant 0 : i32
    %swap3A_938 = arith.index_cast %swap3A_937 : i32 to index
    %swap3A_939 = arith.constant 336 : index
    %swap3A_940 = tpu.vector_load %arg7[%swap3A_938, %swap3A_939] {strides = array<i32>} : memref<1x1024xf32, #tpu.memory_space<vmem>>, vector<1x16xf32>,
    %swap3A_941 = vector.shape_cast %swap3A_940 : vector<1x16xf32> to vector<16xf32>
    %swap3A_942 = vector.shape_cast %select_n3A_936 : vector<16xf32> to vector<1x16xf32>
    tpu.vector_store %arg7[%swap3A_938, %swap3A_939], %swap3A_942 {strides = array<i32>} : memref<1x1024xf32, #tpu.memory_space<vmem>>, vector<1x16xf32>,
    %get3A_943 = arith.constant 0 : i32
    %get3A_944 = arith.index_cast %get3A_943 : i32 to index
    %get3A_945 = arith.constant 352 : index
    %get3A_946 = tpu.vector_load %arg5[%get3A_944, %get3A_945] {strides = array<i32>} : memref<1x1024xf32, #tpu.memory_space<vmem>>, vector<1x16xf32>,
    %get3A_947 = vector.shape_cast %get3A_946 : vector<1x16xf32> to vector<16xf32>
    %get3A_948 = arith.constant 0 : i32
    %get3A_949 = arith.index_cast %get3A_948 : i32 to index
    %get3A_950 = arith.constant 352 : index
    %get3A_951 = tpu.vector_load %arg6[%get3A_949, %get3A_950] {strides = array<i32>} : memref<4x1024xf32, #tpu.memory_space<vmem>>, vector<1x16xf32>,
    %get3A_952 = vector.shape_cast %get3A_951 : vector<1x16xf32> to vector<16xf32>
    %sub3A_953 = arith.subf %get3A_947, %get3A_952 : vector<16xf32>
    %mul3A_954 = arith.mulf %sub3A_953, %sub3A_953 : vector<16xf32>
    %gather3A_955 = vector.shape_cast %reshape3A : vector<16x1xi32> to vector<16xi32>
    %gather3A_956 = tpu.dynamic_gather %mul3A_954[%gather3A_955] in [0] : vector<16xf32>, vector<16xi32> -> vector<16xf32>
    %add3A_957 = arith.addf %mul3A_954, %gather3A_956 : vector<16xf32>
    %get3A_958 = arith.constant 1 : i32
    %get3A_959 = arith.index_cast %get3A_958 : i32 to index
    %get3A_960 = arith.constant 352 : index
    %get3A_961 = tpu.vector_load %arg6[%get3A_959, %get3A_960] {strides = array<i32>} : memref<4x1024xf32, #tpu.memory_space<vmem>>, vector<1x16xf32>,
    %get3A_962 = vector.shape_cast %get3A_961 : vector<1x16xf32> to vector<16xf32>
    %sub3A_963 = arith.subf %get3A_947, %get3A_962 : vector<16xf32>
    %mul3A_964 = arith.mulf %sub3A_963, %sub3A_963 : vector<16xf32>
    %gather3A_965 = vector.shape_cast %reshape3A : vector<16x1xi32> to vector<16xi32>
    %gather3A_966 = tpu.dynamic_gather %mul3A_964[%gather3A_965] in [0] : vector<16xf32>, vector<16xi32> -> vector<16xf32>
    %add3A_967 = arith.addf %mul3A_964, %gather3A_966 : vector<16xf32>
    %lt3A_968 = arith.cmpf olt, %add3A_967, %add3A_957 : vector<16xf32>
    %get3A_969 = arith.constant 3 : i32
    %get3A_970 = arith.index_cast %get3A_969 : i32 to index
    %get3A_971 = arith.constant 352 : index
    %get3A_972 = tpu.vector_load %arg6[%get3A_970, %get3A_971] {strides = array<i32>} : memref<4x1024xf32, #tpu.memory_space<vmem>>, vector<1x16xf32>,
    %get3A_973 = vector.shape_cast %get3A_972 : vector<1x16xf32> to vector<16xf32>
    %get3A_974 = arith.constant 2 : i32
    %get3A_975 = arith.index_cast %get3A_974 : i32 to index
    %get3A_976 = arith.constant 352 : index
    %get3A_977 = tpu.vector_load %arg6[%get3A_975, %get3A_976] {strides = array<i32>} : memref<4x1024xf32, #tpu.memory_space<vmem>>, vector<1x16xf32>,
    %get3A_978 = vector.shape_cast %get3A_977 : vector<1x16xf32> to vector<16xf32>
    %select_n3A_979 = arith.select %lt3A_968, %get3A_973, %get3A_978 : vector<16xi1>, vector<16xf32>
    %swap3A_980 = arith.constant 0 : i32
    %swap3A_981 = arith.index_cast %swap3A_980 : i32 to index
    %swap3A_982 = arith.constant 352 : index
    %swap3A_983 = tpu.vector_load %arg7[%swap3A_981, %swap3A_982] {strides = array<i32>} : memref<1x1024xf32, #tpu.memory_space<vmem>>, vector<1x16xf32>,
    %swap3A_984 = vector.shape_cast %swap3A_983 : vector<1x16xf32> to vector<16xf32>
    %swap3A_985 = vector.shape_cast %select_n3A_979 : vector<16xf32> to vector<1x16xf32>
    tpu.vector_store %arg7[%swap3A_981, %swap3A_982], %swap3A_985 {strides = array<i32>} : memref<1x1024xf32, #tpu.memory_space<vmem>>, vector<1x16xf32>,
    %get3A_986 = arith.constant 0 : i32
    %get3A_987 = arith.index_cast %get3A_986 : i32 to index
    %get3A_988 = arith.constant 368 : index
    %get3A_989 = tpu.vector_load %arg5[%get3A_987, %get3A_988] {strides = array<i32>} : memref<1x1024xf32, #tpu.memory_space<vmem>>, vector<1x16xf32>,
    %get3A_990 = vector.shape_cast %get3A_989 : vector<1x16xf32> to vector<16xf32>
    %get3A_991 = arith.constant 0 : i32
    %get3A_992 = arith.index_cast %get3A_991 : i32 to index
    %get3A_993 = arith.constant 368 : index
    %get3A_994 = tpu.vector_load %arg6[%get3A_992, %get3A_993] {strides = array<i32>} : memref<4x1024xf32, #tpu.memory_space<vmem>>, vector<1x16xf32>,
    %get3A_995 = vector.shape_cast %get3A_994 : vector<1x16xf32> to vector<16xf32>
    %sub3A_996 = arith.subf %get3A_990, %get3A_995 : vector<16xf32>
    %mul3A_997 = arith.mulf %sub3A_996, %sub3A_996 : vector<16xf32>
    %gather3A_998 = vector.shape_cast %reshape3A : vector<16x1xi32> to vector<16xi32>
    %gather3A_999 = tpu.dynamic_gather %mul3A_997[%gather3A_998] in [0] : vector<16xf32>, vector<16xi32> -> vector<16xf32>
    %add3A_1000 = arith.addf %mul3A_997, %gather3A_999 : vector<16xf32>
    %get3A_1001 = arith.constant 1 : i32
    %get3A_1002 = arith.index_cast %get3A_1001 : i32 to index
    %get3A_1003 = arith.constant 368 : index
    %get3A_1004 = tpu.vector_load %arg6[%get3A_1002, %get3A_1003] {strides = array<i32>} : memref<4x1024xf32, #tpu.memory_space<vmem>>, vector<1x16xf32>,
    %get3A_1005 = vector.shape_cast %get3A_1004 : vector<1x16xf32> to vector<16xf32>
    %sub3A_1006 = arith.subf %get3A_990, %get3A_1005 : vector<16xf32>
    %mul3A_1007 = arith.mulf %sub3A_1006, %sub3A_1006 : vector<16xf32>
    %gather3A_1008 = vector.shape_cast %reshape3A : vector<16x1xi32> to vector<16xi32>
    %gather3A_1009 = tpu.dynamic_gather %mul3A_1007[%gather3A_1008] in [0] : vector<16xf32>, vector<16xi32> -> vector<16xf32>
    %add3A_1010 = arith.addf %mul3A_1007, %gather3A_1009 : vector<16xf32>
    %lt3A_1011 = arith.cmpf olt, %add3A_1010, %add3A_1000 : vector<16xf32>
    %get3A_1012 = arith.constant 3 : i32
    %get3A_1013 = arith.index_cast %get3A_1012 : i32 to index
    %get3A_1014 = arith.constant 368 : index
    %get3A_1015 = tpu.vector_load %arg6[%get3A_1013, %get3A_1014] {strides = array<i32>} : memref<4x1024xf32, #tpu.memory_space<vmem>>, vector<1x16xf32>,
    %get3A_1016 = vector.shape_cast %get3A_1015 : vector<1x16xf32> to vector<16xf32>
    %get3A_1017 = arith.constant 2 : i32
    %get3A_1018 = arith.index_cast %get3A_1017 : i32 to index
    %get3A_1019 = arith.constant 368 : index
    %get3A_1020 = tpu.vector_load %arg6[%get3A_1018, %get3A_1019] {strides = array<i32>} : memref<4x1024xf32, #tpu.memory_space<vmem>>, vector<1x16xf32>,
    %get3A_1021 = vector.shape_cast %get3A_1020 : vector<1x16xf32> to vector<16xf32>
    %select_n3A_1022 = arith.select %lt3A_1011, %get3A_1016, %get3A_1021 : vector<16xi1>, vector<16xf32>
    %swap3A_1023 = arith.constant 0 : i32
    %swap3A_1024 = arith.index_cast %swap3A_1023 : i32 to index
    %swap3A_1025 = arith.constant 368 : index
    %swap3A_1026 = tpu.vector_load %arg7[%swap3A_1024, %swap3A_1025] {strides = array<i32>} : memref<1x1024xf32, #tpu.memory_space<vmem>>, vector<1x16xf32>,
    %swap3A_1027 = vector.shape_cast %swap3A_1026 : vector<1x16xf32> to vector<16xf32>
    %swap3A_1028 = vector.shape_cast %select_n3A_1022 : vector<16xf32> to vector<1x16xf32>
    tpu.vector_store %arg7[%swap3A_1024, %swap3A_1025], %swap3A_1028 {strides = array<i32>} : memref<1x1024xf32, #tpu.memory_space<vmem>>, vector<1x16xf32>,
    %get3A_1029 = arith.constant 0 : i32
    %get3A_1030 = arith.index_cast %get3A_1029 : i32 to index
    %get3A_1031 = arith.constant 384 : index
    %get3A_1032 = tpu.vector_load %arg5[%get3A_1030, %get3A_1031] {strides = array<i32>} : memref<1x1024xf32, #tpu.memory_space<vmem>>, vector<1x16xf32>,
    %get3A_1033 = vector.shape_cast %get3A_1032 : vector<1x16xf32> to vector<16xf32>
    %get3A_1034 = arith.constant 0 : i32
    %get3A_1035 = arith.index_cast %get3A_1034 : i32 to index
    %get3A_1036 = arith.constant 384 : index
    %get3A_1037 = tpu.vector_load %arg6[%get3A_1035, %get3A_1036] {strides = array<i32>} : memref<4x1024xf32, #tpu.memory_space<vmem>>, vector<1x16xf32>,
    %get3A_1038 = vector.shape_cast %get3A_1037 : vector<1x16xf32> to vector<16xf32>
    %sub3A_1039 = arith.subf %get3A_1033, %get3A_1038 : vector<16xf32>
    %mul3A_1040 = arith.mulf %sub3A_1039, %sub3A_1039 : vector<16xf32>
    %gather3A_1041 = vector.shape_cast %reshape3A : vector<16x1xi32> to vector<16xi32>
    %gather3A_1042 = tpu.dynamic_gather %mul3A_1040[%gather3A_1041] in [0] : vector<16xf32>, vector<16xi32> -> vector<16xf32>
    %add3A_1043 = arith.addf %mul3A_1040, %gather3A_1042 : vector<16xf32>
    %get3A_1044 = arith.constant 1 : i32
    %get3A_1045 = arith.index_cast %get3A_1044 : i32 to index
    %get3A_1046 = arith.constant 384 : index
    %get3A_1047 = tpu.vector_load %arg6[%get3A_1045, %get3A_1046] {strides = array<i32>} : memref<4x1024xf32, #tpu.memory_space<vmem>>, vector<1x16xf32>,
    %get3A_1048 = vector.shape_cast %get3A_1047 : vector<1x16xf32> to vector<16xf32>
    %sub3A_1049 = arith.subf %get3A_1033, %get3A_1048 : vector<16xf32>
    %mul3A_1050 = arith.mulf %sub3A_1049, %sub3A_1049 : vector<16xf32>
    %gather3A_1051 = vector.shape_cast %reshape3A : vector<16x1xi32> to vector<16xi32>
    %gather3A_1052 = tpu.dynamic_gather %mul3A_1050[%gather3A_1051] in [0] : vector<16xf32>, vector<16xi32> -> vector<16xf32>
    %add3A_1053 = arith.addf %mul3A_1050, %gather3A_1052 : vector<16xf32>
    %lt3A_1054 = arith.cmpf olt, %add3A_1053, %add3A_1043 : vector<16xf32>
    %get3A_1055 = arith.constant 3 : i32
    %get3A_1056 = arith.index_cast %get3A_1055 : i32 to index
    %get3A_1057 = arith.constant 384 : index
    %get3A_1058 = tpu.vector_load %arg6[%get3A_1056, %get3A_1057] {strides = array<i32>} : memref<4x1024xf32, #tpu.memory_space<vmem>>, vector<1x16xf32>,
    %get3A_1059 = vector.shape_cast %get3A_1058 : vector<1x16xf32> to vector<16xf32>
    %get3A_1060 = arith.constant 2 : i32
    %get3A_1061 = arith.index_cast %get3A_1060 : i32 to index
    %get3A_1062 = arith.constant 384 : index
    %get3A_1063 = tpu.vector_load %arg6[%get3A_1061, %get3A_1062] {strides = array<i32>} : memref<4x1024xf32, #tpu.memory_space<vmem>>, vector<1x16xf32>,
    %get3A_1064 = vector.shape_cast %get3A_1063 : vector<1x16xf32> to vector<16xf32>
    %select_n3A_1065 = arith.select %lt3A_1054, %get3A_1059, %get3A_1064 : vector<16xi1>, vector<16xf32>
    %swap3A_1066 = arith.constant 0 : i32
    %swap3A_1067 = arith.index_cast %swap3A_1066 : i32 to index
    %swap3A_1068 = arith.constant 384 : index
    %swap3A_1069 = tpu.vector_load %arg7[%swap3A_1067, %swap3A_1068] {strides = array<i32>} : memref<1x1024xf32, #tpu.memory_space<vmem>>, vector<1x16xf32>,
    %swap3A_1070 = vector.shape_cast %swap3A_1069 : vector<1x16xf32> to vector<16xf32>
    %swap3A_1071 = vector.shape_cast %select_n3A_1065 : vector<16xf32> to vector<1x16xf32>
    tpu.vector_store %arg7[%swap3A_1067, %swap3A_1068], %swap3A_1071 {strides = array<i32>} : memref<1x1024xf32, #tpu.memory_space<vmem>>, vector<1x16xf32>,
    %get3A_1072 = arith.constant 0 : i32
    %get3A_1073 = arith.index_cast %get3A_1072 : i32 to index
    %get3A_1074 = arith.constant 400 : index
    %get3A_1075 = tpu.vector_load %arg5[%get3A_1073, %get3A_1074] {strides = array<i32>} : memref<1x1024xf32, #tpu.memory_space<vmem>>, vector<1x16xf32>,
    %get3A_1076 = vector.shape_cast %get3A_1075 : vector<1x16xf32> to vector<16xf32>
    %get3A_1077 = arith.constant 0 : i32
    %get3A_1078 = arith.index_cast %get3A_1077 : i32 to index
    %get3A_1079 = arith.constant 400 : index
    %get3A_1080 = tpu.vector_load %arg6[%get3A_1078, %get3A_1079] {strides = array<i32>} : memref<4x1024xf32, #tpu.memory_space<vmem>>, vector<1x16xf32>,
    %get3A_1081 = vector.shape_cast %get3A_1080 : vector<1x16xf32> to vector<16xf32>
    %sub3A_1082 = arith.subf %get3A_1076, %get3A_1081 : vector<16xf32>
    %mul3A_1083 = arith.mulf %sub3A_1082, %sub3A_1082 : vector<16xf32>
    %gather3A_1084 = vector.shape_cast %reshape3A : vector<16x1xi32> to vector<16xi32>
    %gather3A_1085 = tpu.dynamic_gather %mul3A_1083[%gather3A_1084] in [0] : vector<16xf32>, vector<16xi32> -> vector<16xf32>
    %add3A_1086 = arith.addf %mul3A_1083, %gather3A_1085 : vector<16xf32>
    %get3A_1087 = arith.constant 1 : i32
    %get3A_1088 = arith.index_cast %get3A_1087 : i32 to index
    %get3A_1089 = arith.constant 400 : index
    %get3A_1090 = tpu.vector_load %arg6[%get3A_1088, %get3A_1089] {strides = array<i32>} : memref<4x1024xf32, #tpu.memory_space<vmem>>, vector<1x16xf32>,
    %get3A_1091 = vector.shape_cast %get3A_1090 : vector<1x16xf32> to vector<16xf32>
    %sub3A_1092 = arith.subf %get3A_1076, %get3A_1091 : vector<16xf32>
    %mul3A_1093 = arith.mulf %sub3A_1092, %sub3A_1092 : vector<16xf32>
    %gather3A_1094 = vector.shape_cast %reshape3A : vector<16x1xi32> to vector<16xi32>
    %gather3A_1095 = tpu.dynamic_gather %mul3A_1093[%gather3A_1094] in [0] : vector<16xf32>, vector<16xi32> -> vector<16xf32>
    %add3A_1096 = arith.addf %mul3A_1093, %gather3A_1095 : vector<16xf32>
    %lt3A_1097 = arith.cmpf olt, %add3A_1096, %add3A_1086 : vector<16xf32>
    %get3A_1098 = arith.constant 3 : i32
    %get3A_1099 = arith.index_cast %get3A_1098 : i32 to index
    %get3A_1100 = arith.constant 400 : index
    %get3A_1101 = tpu.vector_load %arg6[%get3A_1099, %get3A_1100] {strides = array<i32>} : memref<4x1024xf32, #tpu.memory_space<vmem>>, vector<1x16xf32>,
    %get3A_1102 = vector.shape_cast %get3A_1101 : vector<1x16xf32> to vector<16xf32>
    %get3A_1103 = arith.constant 2 : i32
    %get3A_1104 = arith.index_cast %get3A_1103 : i32 to index
    %get3A_1105 = arith.constant 400 : index
    %get3A_1106 = tpu.vector_load %arg6[%get3A_1104, %get3A_1105] {strides = array<i32>} : memref<4x1024xf32, #tpu.memory_space<vmem>>, vector<1x16xf32>,
    %get3A_1107 = vector.shape_cast %get3A_1106 : vector<1x16xf32> to vector<16xf32>
    %select_n3A_1108 = arith.select %lt3A_1097, %get3A_1102, %get3A_1107 : vector<16xi1>, vector<16xf32>
    %swap3A_1109 = arith.constant 0 : i32
    %swap3A_1110 = arith.index_cast %swap3A_1109 : i32 to index
    %swap3A_1111 = arith.constant 400 : index
    %swap3A_1112 = tpu.vector_load %arg7[%swap3A_1110, %swap3A_1111] {strides = array<i32>} : memref<1x1024xf32, #tpu.memory_space<vmem>>, vector<1x16xf32>,
    %swap3A_1113 = vector.shape_cast %swap3A_1112 : vector<1x16xf32> to vector<16xf32>
    %swap3A_1114 = vector.shape_cast %select_n3A_1108 : vector<16xf32> to vector<1x16xf32>
    tpu.vector_store %arg7[%swap3A_1110, %swap3A_1111], %swap3A_1114 {strides = array<i32>} : memref<1x1024xf32, #tpu.memory_space<vmem>>, vector<1x16xf32>,
    %get3A_1115 = arith.constant 0 : i32
    %get3A_1116 = arith.index_cast %get3A_1115 : i32 to index
    %get3A_1117 = arith.constant 416 : index
    %get3A_1118 = tpu.vector_load %arg5[%get3A_1116, %get3A_1117] {strides = array<i32>} : memref<1x1024xf32, #tpu.memory_space<vmem>>, vector<1x16xf32>,
    %get3A_1119 = vector.shape_cast %get3A_1118 : vector<1x16xf32> to vector<16xf32>
    %get3A_1120 = arith.constant 0 : i32
    %get3A_1121 = arith.index_cast %get3A_1120 : i32 to index
    %get3A_1122 = arith.constant 416 : index
    %get3A_1123 = tpu.vector_load %arg6[%get3A_1121, %get3A_1122] {strides = array<i32>} : memref<4x1024xf32, #tpu.memory_space<vmem>>, vector<1x16xf32>,
    %get3A_1124 = vector.shape_cast %get3A_1123 : vector<1x16xf32> to vector<16xf32>
    %sub3A_1125 = arith.subf %get3A_1119, %get3A_1124 : vector<16xf32>
    %mul3A_1126 = arith.mulf %sub3A_1125, %sub3A_1125 : vector<16xf32>
    %gather3A_1127 = vector.shape_cast %reshape3A : vector<16x1xi32> to vector<16xi32>
    %gather3A_1128 = tpu.dynamic_gather %mul3A_1126[%gather3A_1127] in [0] : vector<16xf32>, vector<16xi32> -> vector<16xf32>
    %add3A_1129 = arith.addf %mul3A_1126, %gather3A_1128 : vector<16xf32>
    %get3A_1130 = arith.constant 1 : i32
    %get3A_1131 = arith.index_cast %get3A_1130 : i32 to index
    %get3A_1132 = arith.constant 416 : index
    %get3A_1133 = tpu.vector_load %arg6[%get3A_1131, %get3A_1132] {strides = array<i32>} : memref<4x1024xf32, #tpu.memory_space<vmem>>, vector<1x16xf32>,
    %get3A_1134 = vector.shape_cast %get3A_1133 : vector<1x16xf32> to vector<16xf32>
    %sub3A_1135 = arith.subf %get3A_1119, %get3A_1134 : vector<16xf32>
    %mul3A_1136 = arith.mulf %sub3A_1135, %sub3A_1135 : vector<16xf32>
    %gather3A_1137 = vector.shape_cast %reshape3A : vector<16x1xi32> to vector<16xi32>
    %gather3A_1138 = tpu.dynamic_gather %mul3A_1136[%gather3A_1137] in [0] : vector<16xf32>, vector<16xi32> -> vector<16xf32>
    %add3A_1139 = arith.addf %mul3A_1136, %gather3A_1138 : vector<16xf32>
    %lt3A_1140 = arith.cmpf olt, %add3A_1139, %add3A_1129 : vector<16xf32>
    %get3A_1141 = arith.constant 3 : i32
    %get3A_1142 = arith.index_cast %get3A_1141 : i32 to index
    %get3A_1143 = arith.constant 416 : index
    %get3A_1144 = tpu.vector_load %arg6[%get3A_1142, %get3A_1143] {strides = array<i32>} : memref<4x1024xf32, #tpu.memory_space<vmem>>, vector<1x16xf32>,
    %get3A_1145 = vector.shape_cast %get3A_1144 : vector<1x16xf32> to vector<16xf32>
    %get3A_1146 = arith.constant 2 : i32
    %get3A_1147 = arith.index_cast %get3A_1146 : i32 to index
    %get3A_1148 = arith.constant 416 : index
    %get3A_1149 = tpu.vector_load %arg6[%get3A_1147, %get3A_1148] {strides = array<i32>} : memref<4x1024xf32, #tpu.memory_space<vmem>>, vector<1x16xf32>,
    %get3A_1150 = vector.shape_cast %get3A_1149 : vector<1x16xf32> to vector<16xf32>
    %select_n3A_1151 = arith.select %lt3A_1140, %get3A_1145, %get3A_1150 : vector<16xi1>, vector<16xf32>
    %swap3A_1152 = arith.constant 0 : i32
    %swap3A_1153 = arith.index_cast %swap3A_1152 : i32 to index
    %swap3A_1154 = arith.constant 416 : index
    %swap3A_1155 = tpu.vector_load %arg7[%swap3A_1153, %swap3A_1154] {strides = array<i32>} : memref<1x1024xf32, #tpu.memory_space<vmem>>, vector<1x16xf32>,
    %swap3A_1156 = vector.shape_cast %swap3A_1155 : vector<1x16xf32> to vector<16xf32>
    %swap3A_1157 = vector.shape_cast %select_n3A_1151 : vector<16xf32> to vector<1x16xf32>
    tpu.vector_store %arg7[%swap3A_1153, %swap3A_1154], %swap3A_1157 {strides = array<i32>} : memref<1x1024xf32, #tpu.memory_space<vmem>>, vector<1x16xf32>,
    %get3A_1158 = arith.constant 0 : i32
    %get3A_1159 = arith.index_cast %get3A_1158 : i32 to index
    %get3A_1160 = arith.constant 432 : index
    %get3A_1161 = tpu.vector_load %arg5[%get3A_1159, %get3A_1160] {strides = array<i32>} : memref<1x1024xf32, #tpu.memory_space<vmem>>, vector<1x16xf32>,
    %get3A_1162 = vector.shape_cast %get3A_1161 : vector<1x16xf32> to vector<16xf32>
    %get3A_1163 = arith.constant 0 : i32
    %get3A_1164 = arith.index_cast %get3A_1163 : i32 to index
    %get3A_1165 = arith.constant 432 : index
    %get3A_1166 = tpu.vector_load %arg6[%get3A_1164, %get3A_1165] {strides = array<i32>} : memref<4x1024xf32, #tpu.memory_space<vmem>>, vector<1x16xf32>,
    %get3A_1167 = vector.shape_cast %get3A_1166 : vector<1x16xf32> to vector<16xf32>
    %sub3A_1168 = arith.subf %get3A_1162, %get3A_1167 : vector<16xf32>
    %mul3A_1169 = arith.mulf %sub3A_1168, %sub3A_1168 : vector<16xf32>
    %gather3A_1170 = vector.shape_cast %reshape3A : vector<16x1xi32> to vector<16xi32>
    %gather3A_1171 = tpu.dynamic_gather %mul3A_1169[%gather3A_1170] in [0] : vector<16xf32>, vector<16xi32> -> vector<16xf32>
    %add3A_1172 = arith.addf %mul3A_1169, %gather3A_1171 : vector<16xf32>
    %get3A_1173 = arith.constant 1 : i32
    %get3A_1174 = arith.index_cast %get3A_1173 : i32 to index
    %get3A_1175 = arith.constant 432 : index
    %get3A_1176 = tpu.vector_load %arg6[%get3A_1174, %get3A_1175] {strides = array<i32>} : memref<4x1024xf32, #tpu.memory_space<vmem>>, vector<1x16xf32>,
    %get3A_1177 = vector.shape_cast %get3A_1176 : vector<1x16xf32> to vector<16xf32>
    %sub3A_1178 = arith.subf %get3A_1162, %get3A_1177 : vector<16xf32>
    %mul3A_1179 = arith.mulf %sub3A_1178, %sub3A_1178 : vector<16xf32>
    %gather3A_1180 = vector.shape_cast %reshape3A : vector<16x1xi32> to vector<16xi32>
    %gather3A_1181 = tpu.dynamic_gather %mul3A_1179[%gather3A_1180] in [0] : vector<16xf32>, vector<16xi32> -> vector<16xf32>
    %add3A_1182 = arith.addf %mul3A_1179, %gather3A_1181 : vector<16xf32>
    %lt3A_1183 = arith.cmpf olt, %add3A_1182, %add3A_1172 : vector<16xf32>
    %get3A_1184 = arith.constant 3 : i32
    %get3A_1185 = arith.index_cast %get3A_1184 : i32 to index
    %get3A_1186 = arith.constant 432 : index
    %get3A_1187 = tpu.vector_load %arg6[%get3A_1185, %get3A_1186] {strides = array<i32>} : memref<4x1024xf32, #tpu.memory_space<vmem>>, vector<1x16xf32>,
    %get3A_1188 = vector.shape_cast %get3A_1187 : vector<1x16xf32> to vector<16xf32>
    %get3A_1189 = arith.constant 2 : i32
    %get3A_1190 = arith.index_cast %get3A_1189 : i32 to index
    %get3A_1191 = arith.constant 432 : index
    %get3A_1192 = tpu.vector_load %arg6[%get3A_1190, %get3A_1191] {strides = array<i32>} : memref<4x1024xf32, #tpu.memory_space<vmem>>, vector<1x16xf32>,
    %get3A_1193 = vector.shape_cast %get3A_1192 : vector<1x16xf32> to vector<16xf32>
    %select_n3A_1194 = arith.select %lt3A_1183, %get3A_1188, %get3A_1193 : vector<16xi1>, vector<16xf32>
    %swap3A_1195 = arith.constant 0 : i32
    %swap3A_1196 = arith.index_cast %swap3A_1195 : i32 to index
    %swap3A_1197 = arith.constant 432 : index
    %swap3A_1198 = tpu.vector_load %arg7[%swap3A_1196, %swap3A_1197] {strides = array<i32>} : memref<1x1024xf32, #tpu.memory_space<vmem>>, vector<1x16xf32>,
    %swap3A_1199 = vector.shape_cast %swap3A_1198 : vector<1x16xf32> to vector<16xf32>
    %swap3A_1200 = vector.shape_cast %select_n3A_1194 : vector<16xf32> to vector<1x16xf32>
    tpu.vector_store %arg7[%swap3A_1196, %swap3A_1197], %swap3A_1200 {strides = array<i32>} : memref<1x1024xf32, #tpu.memory_space<vmem>>, vector<1x16xf32>,
    %get3A_1201 = arith.constant 0 : i32
    %get3A_1202 = arith.index_cast %get3A_1201 : i32 to index
    %get3A_1203 = arith.constant 448 : index
    %get3A_1204 = tpu.vector_load %arg5[%get3A_1202, %get3A_1203] {strides = array<i32>} : memref<1x1024xf32, #tpu.memory_space<vmem>>, vector<1x16xf32>,
    %get3A_1205 = vector.shape_cast %get3A_1204 : vector<1x16xf32> to vector<16xf32>
    %get3A_1206 = arith.constant 0 : i32
    %get3A_1207 = arith.index_cast %get3A_1206 : i32 to index
    %get3A_1208 = arith.constant 448 : index
    %get3A_1209 = tpu.vector_load %arg6[%get3A_1207, %get3A_1208] {strides = array<i32>} : memref<4x1024xf32, #tpu.memory_space<vmem>>, vector<1x16xf32>,
    %get3A_1210 = vector.shape_cast %get3A_1209 : vector<1x16xf32> to vector<16xf32>
    %sub3A_1211 = arith.subf %get3A_1205, %get3A_1210 : vector<16xf32>
    %mul3A_1212 = arith.mulf %sub3A_1211, %sub3A_1211 : vector<16xf32>
    %gather3A_1213 = vector.shape_cast %reshape3A : vector<16x1xi32> to vector<16xi32>
    %gather3A_1214 = tpu.dynamic_gather %mul3A_1212[%gather3A_1213] in [0] : vector<16xf32>, vector<16xi32> -> vector<16xf32>
    %add3A_1215 = arith.addf %mul3A_1212, %gather3A_1214 : vector<16xf32>
    %get3A_1216 = arith.constant 1 : i32
    %get3A_1217 = arith.index_cast %get3A_1216 : i32 to index
    %get3A_1218 = arith.constant 448 : index
    %get3A_1219 = tpu.vector_load %arg6[%get3A_1217, %get3A_1218] {strides = array<i32>} : memref<4x1024xf32, #tpu.memory_space<vmem>>, vector<1x16xf32>,
    %get3A_1220 = vector.shape_cast %get3A_1219 : vector<1x16xf32> to vector<16xf32>
    %sub3A_1221 = arith.subf %get3A_1205, %get3A_1220 : vector<16xf32>
    %mul3A_1222 = arith.mulf %sub3A_1221, %sub3A_1221 : vector<16xf32>
    %gather3A_1223 = vector.shape_cast %reshape3A : vector<16x1xi32> to vector<16xi32>
    %gather3A_1224 = tpu.dynamic_gather %mul3A_1222[%gather3A_1223] in [0] : vector<16xf32>, vector<16xi32> -> vector<16xf32>
    %add3A_1225 = arith.addf %mul3A_1222, %gather3A_1224 : vector<16xf32>
    %lt3A_1226 = arith.cmpf olt, %add3A_1225, %add3A_1215 : vector<16xf32>
    %get3A_1227 = arith.constant 3 : i32
    %get3A_1228 = arith.index_cast %get3A_1227 : i32 to index
    %get3A_1229 = arith.constant 448 : index
    %get3A_1230 = tpu.vector_load %arg6[%get3A_1228, %get3A_1229] {strides = array<i32>} : memref<4x1024xf32, #tpu.memory_space<vmem>>, vector<1x16xf32>,
    %get3A_1231 = vector.shape_cast %get3A_1230 : vector<1x16xf32> to vector<16xf32>
    %get3A_1232 = arith.constant 2 : i32
    %get3A_1233 = arith.index_cast %get3A_1232 : i32 to index
    %get3A_1234 = arith.constant 448 : index
    %get3A_1235 = tpu.vector_load %arg6[%get3A_1233, %get3A_1234] {strides = array<i32>} : memref<4x1024xf32, #tpu.memory_space<vmem>>, vector<1x16xf32>,
    %get3A_1236 = vector.shape_cast %get3A_1235 : vector<1x16xf32> to vector<16xf32>
    %select_n3A_1237 = arith.select %lt3A_1226, %get3A_1231, %get3A_1236 : vector<16xi1>, vector<16xf32>
    %swap3A_1238 = arith.constant 0 : i32
    %swap3A_1239 = arith.index_cast %swap3A_1238 : i32 to index
    %swap3A_1240 = arith.constant 448 : index
    %swap3A_1241 = tpu.vector_load %arg7[%swap3A_1239, %swap3A_1240] {strides = array<i32>} : memref<1x1024xf32, #tpu.memory_space<vmem>>, vector<1x16xf32>,
    %swap3A_1242 = vector.shape_cast %swap3A_1241 : vector<1x16xf32> to vector<16xf32>
    %swap3A_1243 = vector.shape_cast %select_n3A_1237 : vector<16xf32> to vector<1x16xf32>
    tpu.vector_store %arg7[%swap3A_1239, %swap3A_1240], %swap3A_1243 {strides = array<i32>} : memref<1x1024xf32, #tpu.memory_space<vmem>>, vector<1x16xf32>,
    %get3A_1244 = arith.constant 0 : i32
    %get3A_1245 = arith.index_cast %get3A_1244 : i32 to index
    %get3A_1246 = arith.constant 464 : index
    %get3A_1247 = tpu.vector_load %arg5[%get3A_1245, %get3A_1246] {strides = array<i32>} : memref<1x1024xf32, #tpu.memory_space<vmem>>, vector<1x16xf32>,
    %get3A_1248 = vector.shape_cast %get3A_1247 : vector<1x16xf32> to vector<16xf32>
    %get3A_1249 = arith.constant 0 : i32
    %get3A_1250 = arith.index_cast %get3A_1249 : i32 to index
    %get3A_1251 = arith.constant 464 : index
    %get3A_1252 = tpu.vector_load %arg6[%get3A_1250, %get3A_1251] {strides = array<i32>} : memref<4x1024xf32, #tpu.memory_space<vmem>>, vector<1x16xf32>,
    %get3A_1253 = vector.shape_cast %get3A_1252 : vector<1x16xf32> to vector<16xf32>
    %sub3A_1254 = arith.subf %get3A_1248, %get3A_1253 : vector<16xf32>
    %mul3A_1255 = arith.mulf %sub3A_1254, %sub3A_1254 : vector<16xf32>
    %gather3A_1256 = vector.shape_cast %reshape3A : vector<16x1xi32> to vector<16xi32>
    %gather3A_1257 = tpu.dynamic_gather %mul3A_1255[%gather3A_1256] in [0] : vector<16xf32>, vector<16xi32> -> vector<16xf32>
    %add3A_1258 = arith.addf %mul3A_1255, %gather3A_1257 : vector<16xf32>
    %get3A_1259 = arith.constant 1 : i32
    %get3A_1260 = arith.index_cast %get3A_1259 : i32 to index
    %get3A_1261 = arith.constant 464 : index
    %get3A_1262 = tpu.vector_load %arg6[%get3A_1260, %get3A_1261] {strides = array<i32>} : memref<4x1024xf32, #tpu.memory_space<vmem>>, vector<1x16xf32>,
    %get3A_1263 = vector.shape_cast %get3A_1262 : vector<1x16xf32> to vector<16xf32>
    %sub3A_1264 = arith.subf %get3A_1248, %get3A_1263 : vector<16xf32>
    %mul3A_1265 = arith.mulf %sub3A_1264, %sub3A_1264 : vector<16xf32>
    %gather3A_1266 = vector.shape_cast %reshape3A : vector<16x1xi32> to vector<16xi32>
    %gather3A_1267 = tpu.dynamic_gather %mul3A_1265[%gather3A_1266] in [0] : vector<16xf32>, vector<16xi32> -> vector<16xf32>
    %add3A_1268 = arith.addf %mul3A_1265, %gather3A_1267 : vector<16xf32>
    %lt3A_1269 = arith.cmpf olt, %add3A_1268, %add3A_1258 : vector<16xf32>
    %get3A_1270 = arith.constant 3 : i32
    %get3A_1271 = arith.index_cast %get3A_1270 : i32 to index
    %get3A_1272 = arith.constant 464 : index
    %get3A_1273 = tpu.vector_load %arg6[%get3A_1271, %get3A_1272] {strides = array<i32>} : memref<4x1024xf32, #tpu.memory_space<vmem>>, vector<1x16xf32>,
    %get3A_1274 = vector.shape_cast %get3A_1273 : vector<1x16xf32> to vector<16xf32>
    %get3A_1275 = arith.constant 2 : i32
    %get3A_1276 = arith.index_cast %get3A_1275 : i32 to index
    %get3A_1277 = arith.constant 464 : index
    %get3A_1278 = tpu.vector_load %arg6[%get3A_1276, %get3A_1277] {strides = array<i32>} : memref<4x1024xf32, #tpu.memory_space<vmem>>, vector<1x16xf32>,
    %get3A_1279 = vector.shape_cast %get3A_1278 : vector<1x16xf32> to vector<16xf32>
    %select_n3A_1280 = arith.select %lt3A_1269, %get3A_1274, %get3A_1279 : vector<16xi1>, vector<16xf32>
    %swap3A_1281 = arith.constant 0 : i32
    %swap3A_1282 = arith.index_cast %swap3A_1281 : i32 to index
    %swap3A_1283 = arith.constant 464 : index
    %swap3A_1284 = tpu.vector_load %arg7[%swap3A_1282, %swap3A_1283] {strides = array<i32>} : memref<1x1024xf32, #tpu.memory_space<vmem>>, vector<1x16xf32>,
    %swap3A_1285 = vector.shape_cast %swap3A_1284 : vector<1x16xf32> to vector<16xf32>
    %swap3A_1286 = vector.shape_cast %select_n3A_1280 : vector<16xf32> to vector<1x16xf32>
    tpu.vector_store %arg7[%swap3A_1282, %swap3A_1283], %swap3A_1286 {strides = array<i32>} : memref<1x1024xf32, #tpu.memory_space<vmem>>, vector<1x16xf32>,
    %get3A_1287 = arith.constant 0 : i32
    %get3A_1288 = arith.index_cast %get3A_1287 : i32 to index
    %get3A_1289 = arith.constant 480 : index
    %get3A_1290 = tpu.vector_load %arg5[%get3A_1288, %get3A_1289] {strides = array<i32>} : memref<1x1024xf32, #tpu.memory_space<vmem>>, vector<1x16xf32>,
    %get3A_1291 = vector.shape_cast %get3A_1290 : vector<1x16xf32> to vector<16xf32>
    %get3A_1292 = arith.constant 0 : i32
    %get3A_1293 = arith.index_cast %get3A_1292 : i32 to index
    %get3A_1294 = arith.constant 480 : index
    %get3A_1295 = tpu.vector_load %arg6[%get3A_1293, %get3A_1294] {strides = array<i32>} : memref<4x1024xf32, #tpu.memory_space<vmem>>, vector<1x16xf32>,
    %get3A_1296 = vector.shape_cast %get3A_1295 : vector<1x16xf32> to vector<16xf32>
    %sub3A_1297 = arith.subf %get3A_1291, %get3A_1296 : vector<16xf32>
    %mul3A_1298 = arith.mulf %sub3A_1297, %sub3A_1297 : vector<16xf32>
    %gather3A_1299 = vector.shape_cast %reshape3A : vector<16x1xi32> to vector<16xi32>
    %gather3A_1300 = tpu.dynamic_gather %mul3A_1298[%gather3A_1299] in [0] : vector<16xf32>, vector<16xi32> -> vector<16xf32>
    %add3A_1301 = arith.addf %mul3A_1298, %gather3A_1300 : vector<16xf32>
    %get3A_1302 = arith.constant 1 : i32
    %get3A_1303 = arith.index_cast %get3A_1302 : i32 to index
    %get3A_1304 = arith.constant 480 : index
    %get3A_1305 = tpu.vector_load %arg6[%get3A_1303, %get3A_1304] {strides = array<i32>} : memref<4x1024xf32, #tpu.memory_space<vmem>>, vector<1x16xf32>,
    %get3A_1306 = vector.shape_cast %get3A_1305 : vector<1x16xf32> to vector<16xf32>
    %sub3A_1307 = arith.subf %get3A_1291, %get3A_1306 : vector<16xf32>
    %mul3A_1308 = arith.mulf %sub3A_1307, %sub3A_1307 : vector<16xf32>
    %gather3A_1309 = vector.shape_cast %reshape3A : vector<16x1xi32> to vector<16xi32>
    %gather3A_1310 = tpu.dynamic_gather %mul3A_1308[%gather3A_1309] in [0] : vector<16xf32>, vector<16xi32> -> vector<16xf32>
    %add3A_1311 = arith.addf %mul3A_1308, %gather3A_1310 : vector<16xf32>
    %lt3A_1312 = arith.cmpf olt, %add3A_1311, %add3A_1301 : vector<16xf32>
    %get3A_1313 = arith.constant 3 : i32
    %get3A_1314 = arith.index_cast %get3A_1313 : i32 to index
    %get3A_1315 = arith.constant 480 : index
    %get3A_1316 = tpu.vector_load %arg6[%get3A_1314, %get3A_1315] {strides = array<i32>} : memref<4x1024xf32, #tpu.memory_space<vmem>>, vector<1x16xf32>,
    %get3A_1317 = vector.shape_cast %get3A_1316 : vector<1x16xf32> to vector<16xf32>
    %get3A_1318 = arith.constant 2 : i32
    %get3A_1319 = arith.index_cast %get3A_1318 : i32 to index
    %get3A_1320 = arith.constant 480 : index
    %get3A_1321 = tpu.vector_load %arg6[%get3A_1319, %get3A_1320] {strides = array<i32>} : memref<4x1024xf32, #tpu.memory_space<vmem>>, vector<1x16xf32>,
    %get3A_1322 = vector.shape_cast %get3A_1321 : vector<1x16xf32> to vector<16xf32>
    %select_n3A_1323 = arith.select %lt3A_1312, %get3A_1317, %get3A_1322 : vector<16xi1>, vector<16xf32>
    %swap3A_1324 = arith.constant 0 : i32
    %swap3A_1325 = arith.index_cast %swap3A_1324 : i32 to index
    %swap3A_1326 = arith.constant 480 : index
    %swap3A_1327 = tpu.vector_load %arg7[%swap3A_1325, %swap3A_1326] {strides = array<i32>} : memref<1x1024xf32, #tpu.memory_space<vmem>>, vector<1x16xf32>,
    %swap3A_1328 = vector.shape_cast %swap3A_1327 : vector<1x16xf32> to vector<16xf32>
    %swap3A_1329 = vector.shape_cast %select_n3A_1323 : vector<16xf32> to vector<1x16xf32>
    tpu.vector_store %arg7[%swap3A_1325, %swap3A_1326], %swap3A_1329 {strides = array<i32>} : memref<1x1024xf32, #tpu.memory_space<vmem>>, vector<1x16xf32>,
    %get3A_1330 = arith.constant 0 : i32
    %get3A_1331 = arith.index_cast %get3A_1330 : i32 to index
    %get3A_1332 = arith.constant 496 : index
    %get3A_1333 = tpu.vector_load %arg5[%get3A_1331, %get3A_1332] {strides = array<i32>} : memref<1x1024xf32, #tpu.memory_space<vmem>>, vector<1x16xf32>,
    %get3A_1334 = vector.shape_cast %get3A_1333 : vector<1x16xf32> to vector<16xf32>
    %get3A_1335 = arith.constant 0 : i32
    %get3A_1336 = arith.index_cast %get3A_1335 : i32 to index
    %get3A_1337 = arith.constant 496 : index
    %get3A_1338 = tpu.vector_load %arg6[%get3A_1336, %get3A_1337] {strides = array<i32>} : memref<4x1024xf32, #tpu.memory_space<vmem>>, vector<1x16xf32>,
    %get3A_1339 = vector.shape_cast %get3A_1338 : vector<1x16xf32> to vector<16xf32>
    %sub3A_1340 = arith.subf %get3A_1334, %get3A_1339 : vector<16xf32>
    %mul3A_1341 = arith.mulf %sub3A_1340, %sub3A_1340 : vector<16xf32>
    %gather3A_1342 = vector.shape_cast %reshape3A : vector<16x1xi32> to vector<16xi32>
    %gather3A_1343 = tpu.dynamic_gather %mul3A_1341[%gather3A_1342] in [0] : vector<16xf32>, vector<16xi32> -> vector<16xf32>
    %add3A_1344 = arith.addf %mul3A_1341, %gather3A_1343 : vector<16xf32>
    %get3A_1345 = arith.constant 1 : i32
    %get3A_1346 = arith.index_cast %get3A_1345 : i32 to index
    %get3A_1347 = arith.constant 496 : index
    %get3A_1348 = tpu.vector_load %arg6[%get3A_1346, %get3A_1347] {strides = array<i32>} : memref<4x1024xf32, #tpu.memory_space<vmem>>, vector<1x16xf32>,
    %get3A_1349 = vector.shape_cast %get3A_1348 : vector<1x16xf32> to vector<16xf32>
    %sub3A_1350 = arith.subf %get3A_1334, %get3A_1349 : vector<16xf32>
    %mul3A_1351 = arith.mulf %sub3A_1350, %sub3A_1350 : vector<16xf32>
    %gather3A_1352 = vector.shape_cast %reshape3A : vector<16x1xi32> to vector<16xi32>
    %gather3A_1353 = tpu.dynamic_gather %mul3A_1351[%gather3A_1352] in [0] : vector<16xf32>, vector<16xi32> -> vector<16xf32>
    %add3A_1354 = arith.addf %mul3A_1351, %gather3A_1353 : vector<16xf32>
    %lt3A_1355 = arith.cmpf olt, %add3A_1354, %add3A_1344 : vector<16xf32>
    %get3A_1356 = arith.constant 3 : i32
    %get3A_1357 = arith.index_cast %get3A_1356 : i32 to index
    %get3A_1358 = arith.constant 496 : index
    %get3A_1359 = tpu.vector_load %arg6[%get3A_1357, %get3A_1358] {strides = array<i32>} : memref<4x1024xf32, #tpu.memory_space<vmem>>, vector<1x16xf32>,
    %get3A_1360 = vector.shape_cast %get3A_1359 : vector<1x16xf32> to vector<16xf32>
    %get3A_1361 = arith.constant 2 : i32
    %get3A_1362 = arith.index_cast %get3A_1361 : i32 to index
    %get3A_1363 = arith.constant 496 : index
    %get3A_1364 = tpu.vector_load %arg6[%get3A_1362, %get3A_1363] {strides = array<i32>} : memref<4x1024xf32, #tpu.memory_space<vmem>>, vector<1x16xf32>,
    %get3A_1365 = vector.shape_cast %get3A_1364 : vector<1x16xf32> to vector<16xf32>
    %select_n3A_1366 = arith.select %lt3A_1355, %get3A_1360, %get3A_1365 : vector<16xi1>, vector<16xf32>
    %swap3A_1367 = arith.constant 0 : i32
    %swap3A_1368 = arith.index_cast %swap3A_1367 : i32 to index
    %swap3A_1369 = arith.constant 496 : index
    %swap3A_1370 = tpu.vector_load %arg7[%swap3A_1368, %swap3A_1369] {strides = array<i32>} : memref<1x1024xf32, #tpu.memory_space<vmem>>, vector<1x16xf32>,
    %swap3A_1371 = vector.shape_cast %swap3A_1370 : vector<1x16xf32> to vector<16xf32>
    %swap3A_1372 = vector.shape_cast %select_n3A_1366 : vector<16xf32> to vector<1x16xf32>
    tpu.vector_store %arg7[%swap3A_1368, %swap3A_1369], %swap3A_1372 {strides = array<i32>} : memref<1x1024xf32, #tpu.memory_space<vmem>>, vector<1x16xf32>,
    %get3A_1373 = arith.constant 0 : i32
    %get3A_1374 = arith.index_cast %get3A_1373 : i32 to index
    %get3A_1375 = arith.constant 512 : index
    %get3A_1376 = tpu.vector_load %arg5[%get3A_1374, %get3A_1375] {strides = array<i32>} : memref<1x1024xf32, #tpu.memory_space<vmem>>, vector<1x16xf32>,
    %get3A_1377 = vector.shape_cast %get3A_1376 : vector<1x16xf32> to vector<16xf32>
    %get3A_1378 = arith.constant 0 : i32
    %get3A_1379 = arith.index_cast %get3A_1378 : i32 to index
    %get3A_1380 = arith.constant 512 : index
    %get3A_1381 = tpu.vector_load %arg6[%get3A_1379, %get3A_1380] {strides = array<i32>} : memref<4x1024xf32, #tpu.memory_space<vmem>>, vector<1x16xf32>,
    %get3A_1382 = vector.shape_cast %get3A_1381 : vector<1x16xf32> to vector<16xf32>
    %sub3A_1383 = arith.subf %get3A_1377, %get3A_1382 : vector<16xf32>
    %mul3A_1384 = arith.mulf %sub3A_1383, %sub3A_1383 : vector<16xf32>
    %gather3A_1385 = vector.shape_cast %reshape3A : vector<16x1xi32> to vector<16xi32>
    %gather3A_1386 = tpu.dynamic_gather %mul3A_1384[%gather3A_1385] in [0] : vector<16xf32>, vector<16xi32> -> vector<16xf32>
    %add3A_1387 = arith.addf %mul3A_1384, %gather3A_1386 : vector<16xf32>
    %get3A_1388 = arith.constant 1 : i32
    %get3A_1389 = arith.index_cast %get3A_1388 : i32 to index
    %get3A_1390 = arith.constant 512 : index
    %get3A_1391 = tpu.vector_load %arg6[%get3A_1389, %get3A_1390] {strides = array<i32>} : memref<4x1024xf32, #tpu.memory_space<vmem>>, vector<1x16xf32>,
    %get3A_1392 = vector.shape_cast %get3A_1391 : vector<1x16xf32> to vector<16xf32>
    %sub3A_1393 = arith.subf %get3A_1377, %get3A_1392 : vector<16xf32>
    %mul3A_1394 = arith.mulf %sub3A_1393, %sub3A_1393 : vector<16xf32>
    %gather3A_1395 = vector.shape_cast %reshape3A : vector<16x1xi32> to vector<16xi32>
    %gather3A_1396 = tpu.dynamic_gather %mul3A_1394[%gather3A_1395] in [0] : vector<16xf32>, vector<16xi32> -> vector<16xf32>
    %add3A_1397 = arith.addf %mul3A_1394, %gather3A_1396 : vector<16xf32>
    %lt3A_1398 = arith.cmpf olt, %add3A_1397, %add3A_1387 : vector<16xf32>
    %get3A_1399 = arith.constant 3 : i32
    %get3A_1400 = arith.index_cast %get3A_1399 : i32 to index
    %get3A_1401 = arith.constant 512 : index
    %get3A_1402 = tpu.vector_load %arg6[%get3A_1400, %get3A_1401] {strides = array<i32>} : memref<4x1024xf32, #tpu.memory_space<vmem>>, vector<1x16xf32>,
    %get3A_1403 = vector.shape_cast %get3A_1402 : vector<1x16xf32> to vector<16xf32>
    %get3A_1404 = arith.constant 2 : i32
    %get3A_1405 = arith.index_cast %get3A_1404 : i32 to index
    %get3A_1406 = arith.constant 512 : index
    %get3A_1407 = tpu.vector_load %arg6[%get3A_1405, %get3A_1406] {strides = array<i32>} : memref<4x1024xf32, #tpu.memory_space<vmem>>, vector<1x16xf32>,
    %get3A_1408 = vector.shape_cast %get3A_1407 : vector<1x16xf32> to vector<16xf32>
    %select_n3A_1409 = arith.select %lt3A_1398, %get3A_1403, %get3A_1408 : vector<16xi1>, vector<16xf32>
    %swap3A_1410 = arith.constant 0 : i32
    %swap3A_1411 = arith.index_cast %swap3A_1410 : i32 to index
    %swap3A_1412 = arith.constant 512 : index
    %swap3A_1413 = tpu.vector_load %arg7[%swap3A_1411, %swap3A_1412] {strides = array<i32>} : memref<1x1024xf32, #tpu.memory_space<vmem>>, vector<1x16xf32>,
    %swap3A_1414 = vector.shape_cast %swap3A_1413 : vector<1x16xf32> to vector<16xf32>
    %swap3A_1415 = vector.shape_cast %select_n3A_1409 : vector<16xf32> to vector<1x16xf32>
    tpu.vector_store %arg7[%swap3A_1411, %swap3A_1412], %swap3A_1415 {strides = array<i32>} : memref<1x1024xf32, #tpu.memory_space<vmem>>, vector<1x16xf32>,
    %get3A_1416 = arith.constant 0 : i32
    %get3A_1417 = arith.index_cast %get3A_1416 : i32 to index
    %get3A_1418 = arith.constant 528 : index
    %get3A_1419 = tpu.vector_load %arg5[%get3A_1417, %get3A_1418] {strides = array<i32>} : memref<1x1024xf32, #tpu.memory_space<vmem>>, vector<1x16xf32>,
    %get3A_1420 = vector.shape_cast %get3A_1419 : vector<1x16xf32> to vector<16xf32>
    %get3A_1421 = arith.constant 0 : i32
    %get3A_1422 = arith.index_cast %get3A_1421 : i32 to index
    %get3A_1423 = arith.constant 528 : index
    %get3A_1424 = tpu.vector_load %arg6[%get3A_1422, %get3A_1423] {strides = array<i32>} : memref<4x1024xf32, #tpu.memory_space<vmem>>, vector<1x16xf32>,
    %get3A_1425 = vector.shape_cast %get3A_1424 : vector<1x16xf32> to vector<16xf32>
    %sub3A_1426 = arith.subf %get3A_1420, %get3A_1425 : vector<16xf32>
    %mul3A_1427 = arith.mulf %sub3A_1426, %sub3A_1426 : vector<16xf32>
    %gather3A_1428 = vector.shape_cast %reshape3A : vector<16x1xi32> to vector<16xi32>
    %gather3A_1429 = tpu.dynamic_gather %mul3A_1427[%gather3A_1428] in [0] : vector<16xf32>, vector<16xi32> -> vector<16xf32>
    %add3A_1430 = arith.addf %mul3A_1427, %gather3A_1429 : vector<16xf32>
    %get3A_1431 = arith.constant 1 : i32
    %get3A_1432 = arith.index_cast %get3A_1431 : i32 to index
    %get3A_1433 = arith.constant 528 : index
    %get3A_1434 = tpu.vector_load %arg6[%get3A_1432, %get3A_1433] {strides = array<i32>} : memref<4x1024xf32, #tpu.memory_space<vmem>>, vector<1x16xf32>,
    %get3A_1435 = vector.shape_cast %get3A_1434 : vector<1x16xf32> to vector<16xf32>
    %sub3A_1436 = arith.subf %get3A_1420, %get3A_1435 : vector<16xf32>
    %mul3A_1437 = arith.mulf %sub3A_1436, %sub3A_1436 : vector<16xf32>
    %gather3A_1438 = vector.shape_cast %reshape3A : vector<16x1xi32> to vector<16xi32>
    %gather3A_1439 = tpu.dynamic_gather %mul3A_1437[%gather3A_1438] in [0] : vector<16xf32>, vector<16xi32> -> vector<16xf32>
    %add3A_1440 = arith.addf %mul3A_1437, %gather3A_1439 : vector<16xf32>
    %lt3A_1441 = arith.cmpf olt, %add3A_1440, %add3A_1430 : vector<16xf32>
    %get3A_1442 = arith.constant 3 : i32
    %get3A_1443 = arith.index_cast %get3A_1442 : i32 to index
    %get3A_1444 = arith.constant 528 : index
    %get3A_1445 = tpu.vector_load %arg6[%get3A_1443, %get3A_1444] {strides = array<i32>} : memref<4x1024xf32, #tpu.memory_space<vmem>>, vector<1x16xf32>,
    %get3A_1446 = vector.shape_cast %get3A_1445 : vector<1x16xf32> to vector<16xf32>
    %get3A_1447 = arith.constant 2 : i32
    %get3A_1448 = arith.index_cast %get3A_1447 : i32 to index
    %get3A_1449 = arith.constant 528 : index
    %get3A_1450 = tpu.vector_load %arg6[%get3A_1448, %get3A_1449] {strides = array<i32>} : memref<4x1024xf32, #tpu.memory_space<vmem>>, vector<1x16xf32>,
    %get3A_1451 = vector.shape_cast %get3A_1450 : vector<1x16xf32> to vector<16xf32>
    %select_n3A_1452 = arith.select %lt3A_1441, %get3A_1446, %get3A_1451 : vector<16xi1>, vector<16xf32>
    %swap3A_1453 = arith.constant 0 : i32
    %swap3A_1454 = arith.index_cast %swap3A_1453 : i32 to index
    %swap3A_1455 = arith.constant 528 : index
    %swap3A_1456 = tpu.vector_load %arg7[%swap3A_1454, %swap3A_1455] {strides = array<i32>} : memref<1x1024xf32, #tpu.memory_space<vmem>>, vector<1x16xf32>,
    %swap3A_1457 = vector.shape_cast %swap3A_1456 : vector<1x16xf32> to vector<16xf32>
    %swap3A_1458 = vector.shape_cast %select_n3A_1452 : vector<16xf32> to vector<1x16xf32>
    tpu.vector_store %arg7[%swap3A_1454, %swap3A_1455], %swap3A_1458 {strides = array<i32>} : memref<1x1024xf32, #tpu.memory_space<vmem>>, vector<1x16xf32>,
    %get3A_1459 = arith.constant 0 : i32
    %get3A_1460 = arith.index_cast %get3A_1459 : i32 to index
    %get3A_1461 = arith.constant 544 : index
    %get3A_1462 = tpu.vector_load %arg5[%get3A_1460, %get3A_1461] {strides = array<i32>} : memref<1x1024xf32, #tpu.memory_space<vmem>>, vector<1x16xf32>,
    %get3A_1463 = vector.shape_cast %get3A_1462 : vector<1x16xf32> to vector<16xf32>
    %get3A_1464 = arith.constant 0 : i32
    %get3A_1465 = arith.index_cast %get3A_1464 : i32 to index
    %get3A_1466 = arith.constant 544 : index
    %get3A_1467 = tpu.vector_load %arg6[%get3A_1465, %get3A_1466] {strides = array<i32>} : memref<4x1024xf32, #tpu.memory_space<vmem>>, vector<1x16xf32>,
    %get3A_1468 = vector.shape_cast %get3A_1467 : vector<1x16xf32> to vector<16xf32>
    %sub3A_1469 = arith.subf %get3A_1463, %get3A_1468 : vector<16xf32>
    %mul3A_1470 = arith.mulf %sub3A_1469, %sub3A_1469 : vector<16xf32>
    %gather3A_1471 = vector.shape_cast %reshape3A : vector<16x1xi32> to vector<16xi32>
    %gather3A_1472 = tpu.dynamic_gather %mul3A_1470[%gather3A_1471] in [0] : vector<16xf32>, vector<16xi32> -> vector<16xf32>
    %add3A_1473 = arith.addf %mul3A_1470, %gather3A_1472 : vector<16xf32>
    %get3A_1474 = arith.constant 1 : i32
    %get3A_1475 = arith.index_cast %get3A_1474 : i32 to index
    %get3A_1476 = arith.constant 544 : index
    %get3A_1477 = tpu.vector_load %arg6[%get3A_1475, %get3A_1476] {strides = array<i32>} : memref<4x1024xf32, #tpu.memory_space<vmem>>, vector<1x16xf32>,
    %get3A_1478 = vector.shape_cast %get3A_1477 : vector<1x16xf32> to vector<16xf32>
    %sub3A_1479 = arith.subf %get3A_1463, %get3A_1478 : vector<16xf32>
    %mul3A_1480 = arith.mulf %sub3A_1479, %sub3A_1479 : vector<16xf32>
    %gather3A_1481 = vector.shape_cast %reshape3A : vector<16x1xi32> to vector<16xi32>
    %gather3A_1482 = tpu.dynamic_gather %mul3A_1480[%gather3A_1481] in [0] : vector<16xf32>, vector<16xi32> -> vector<16xf32>
    %add3A_1483 = arith.addf %mul3A_1480, %gather3A_1482 : vector<16xf32>
    %lt3A_1484 = arith.cmpf olt, %add3A_1483, %add3A_1473 : vector<16xf32>
    %get3A_1485 = arith.constant 3 : i32
    %get3A_1486 = arith.index_cast %get3A_1485 : i32 to index
    %get3A_1487 = arith.constant 544 : index
    %get3A_1488 = tpu.vector_load %arg6[%get3A_1486, %get3A_1487] {strides = array<i32>} : memref<4x1024xf32, #tpu.memory_space<vmem>>, vector<1x16xf32>,
    %get3A_1489 = vector.shape_cast %get3A_1488 : vector<1x16xf32> to vector<16xf32>
    %get3A_1490 = arith.constant 2 : i32
    %get3A_1491 = arith.index_cast %get3A_1490 : i32 to index
    %get3A_1492 = arith.constant 544 : index
    %get3A_1493 = tpu.vector_load %arg6[%get3A_1491, %get3A_1492] {strides = array<i32>} : memref<4x1024xf32, #tpu.memory_space<vmem>>, vector<1x16xf32>,
    %get3A_1494 = vector.shape_cast %get3A_1493 : vector<1x16xf32> to vector<16xf32>
    %select_n3A_1495 = arith.select %lt3A_1484, %get3A_1489, %get3A_1494 : vector<16xi1>, vector<16xf32>
    %swap3A_1496 = arith.constant 0 : i32
    %swap3A_1497 = arith.index_cast %swap3A_1496 : i32 to index
    %swap3A_1498 = arith.constant 544 : index
    %swap3A_1499 = tpu.vector_load %arg7[%swap3A_1497, %swap3A_1498] {strides = array<i32>} : memref<1x1024xf32, #tpu.memory_space<vmem>>, vector<1x16xf32>,
    %swap3A_1500 = vector.shape_cast %swap3A_1499 : vector<1x16xf32> to vector<16xf32>
    %swap3A_1501 = vector.shape_cast %select_n3A_1495 : vector<16xf32> to vector<1x16xf32>
    tpu.vector_store %arg7[%swap3A_1497, %swap3A_1498], %swap3A_1501 {strides = array<i32>} : memref<1x1024xf32, #tpu.memory_space<vmem>>, vector<1x16xf32>,
    %get3A_1502 = arith.constant 0 : i32
    %get3A_1503 = arith.index_cast %get3A_1502 : i32 to index
    %get3A_1504 = arith.constant 560 : index
    %get3A_1505 = tpu.vector_load %arg5[%get3A_1503, %get3A_1504] {strides = array<i32>} : memref<1x1024xf32, #tpu.memory_space<vmem>>, vector<1x16xf32>,
    %get3A_1506 = vector.shape_cast %get3A_1505 : vector<1x16xf32> to vector<16xf32>
    %get3A_1507 = arith.constant 0 : i32
    %get3A_1508 = arith.index_cast %get3A_1507 : i32 to index
    %get3A_1509 = arith.constant 560 : index
    %get3A_1510 = tpu.vector_load %arg6[%get3A_1508, %get3A_1509] {strides = array<i32>} : memref<4x1024xf32, #tpu.memory_space<vmem>>, vector<1x16xf32>,
    %get3A_1511 = vector.shape_cast %get3A_1510 : vector<1x16xf32> to vector<16xf32>
    %sub3A_1512 = arith.subf %get3A_1506, %get3A_1511 : vector<16xf32>
    %mul3A_1513 = arith.mulf %sub3A_1512, %sub3A_1512 : vector<16xf32>
    %gather3A_1514 = vector.shape_cast %reshape3A : vector<16x1xi32> to vector<16xi32>
    %gather3A_1515 = tpu.dynamic_gather %mul3A_1513[%gather3A_1514] in [0] : vector<16xf32>, vector<16xi32> -> vector<16xf32>
    %add3A_1516 = arith.addf %mul3A_1513, %gather3A_1515 : vector<16xf32>
    %get3A_1517 = arith.constant 1 : i32
    %get3A_1518 = arith.index_cast %get3A_1517 : i32 to index
    %get3A_1519 = arith.constant 560 : index
    %get3A_1520 = tpu.vector_load %arg6[%get3A_1518, %get3A_1519] {strides = array<i32>} : memref<4x1024xf32, #tpu.memory_space<vmem>>, vector<1x16xf32>,
    %get3A_1521 = vector.shape_cast %get3A_1520 : vector<1x16xf32> to vector<16xf32>
    %sub3A_1522 = arith.subf %get3A_1506, %get3A_1521 : vector<16xf32>
    %mul3A_1523 = arith.mulf %sub3A_1522, %sub3A_1522 : vector<16xf32>
    %gather3A_1524 = vector.shape_cast %reshape3A : vector<16x1xi32> to vector<16xi32>
    %gather3A_1525 = tpu.dynamic_gather %mul3A_1523[%gather3A_1524] in [0] : vector<16xf32>, vector<16xi32> -> vector<16xf32>
    %add3A_1526 = arith.addf %mul3A_1523, %gather3A_1525 : vector<16xf32>
    %lt3A_1527 = arith.cmpf olt, %add3A_1526, %add3A_1516 : vector<16xf32>
    %get3A_1528 = arith.constant 3 : i32
    %get3A_1529 = arith.index_cast %get3A_1528 : i32 to index
    %get3A_1530 = arith.constant 560 : index
    %get3A_1531 = tpu.vector_load %arg6[%get3A_1529, %get3A_1530] {strides = array<i32>} : memref<4x1024xf32, #tpu.memory_space<vmem>>, vector<1x16xf32>,
    %get3A_1532 = vector.shape_cast %get3A_1531 : vector<1x16xf32> to vector<16xf32>
    %get3A_1533 = arith.constant 2 : i32
    %get3A_1534 = arith.index_cast %get3A_1533 : i32 to index
    %get3A_1535 = arith.constant 560 : index
    %get3A_1536 = tpu.vector_load %arg6[%get3A_1534, %get3A_1535] {strides = array<i32>} : memref<4x1024xf32, #tpu.memory_space<vmem>>, vector<1x16xf32>,
    %get3A_1537 = vector.shape_cast %get3A_1536 : vector<1x16xf32> to vector<16xf32>
    %select_n3A_1538 = arith.select %lt3A_1527, %get3A_1532, %get3A_1537 : vector<16xi1>, vector<16xf32>
    %swap3A_1539 = arith.constant 0 : i32
    %swap3A_1540 = arith.index_cast %swap3A_1539 : i32 to index
    %swap3A_1541 = arith.constant 560 : index
    %swap3A_1542 = tpu.vector_load %arg7[%swap3A_1540, %swap3A_1541] {strides = array<i32>} : memref<1x1024xf32, #tpu.memory_space<vmem>>, vector<1x16xf32>,
    %swap3A_1543 = vector.shape_cast %swap3A_1542 : vector<1x16xf32> to vector<16xf32>
    %swap3A_1544 = vector.shape_cast %select_n3A_1538 : vector<16xf32> to vector<1x16xf32>
    tpu.vector_store %arg7[%swap3A_1540, %swap3A_1541], %swap3A_1544 {strides = array<i32>} : memref<1x1024xf32, #tpu.memory_space<vmem>>, vector<1x16xf32>,
    %get3A_1545 = arith.constant 0 : i32
    %get3A_1546 = arith.index_cast %get3A_1545 : i32 to index
    %get3A_1547 = arith.constant 576 : index
    %get3A_1548 = tpu.vector_load %arg5[%get3A_1546, %get3A_1547] {strides = array<i32>} : memref<1x1024xf32, #tpu.memory_space<vmem>>, vector<1x16xf32>,
    %get3A_1549 = vector.shape_cast %get3A_1548 : vector<1x16xf32> to vector<16xf32>
    %get3A_1550 = arith.constant 0 : i32
    %get3A_1551 = arith.index_cast %get3A_1550 : i32 to index
    %get3A_1552 = arith.constant 576 : index
    %get3A_1553 = tpu.vector_load %arg6[%get3A_1551, %get3A_1552] {strides = array<i32>} : memref<4x1024xf32, #tpu.memory_space<vmem>>, vector<1x16xf32>,
    %get3A_1554 = vector.shape_cast %get3A_1553 : vector<1x16xf32> to vector<16xf32>
    %sub3A_1555 = arith.subf %get3A_1549, %get3A_1554 : vector<16xf32>
    %mul3A_1556 = arith.mulf %sub3A_1555, %sub3A_1555 : vector<16xf32>
    %gather3A_1557 = vector.shape_cast %reshape3A : vector<16x1xi32> to vector<16xi32>
    %gather3A_1558 = tpu.dynamic_gather %mul3A_1556[%gather3A_1557] in [0] : vector<16xf32>, vector<16xi32> -> vector<16xf32>
    %add3A_1559 = arith.addf %mul3A_1556, %gather3A_1558 : vector<16xf32>
    %get3A_1560 = arith.constant 1 : i32
    %get3A_1561 = arith.index_cast %get3A_1560 : i32 to index
    %get3A_1562 = arith.constant 576 : index
    %get3A_1563 = tpu.vector_load %arg6[%get3A_1561, %get3A_1562] {strides = array<i32>} : memref<4x1024xf32, #tpu.memory_space<vmem>>, vector<1x16xf32>,
    %get3A_1564 = vector.shape_cast %get3A_1563 : vector<1x16xf32> to vector<16xf32>
    %sub3A_1565 = arith.subf %get3A_1549, %get3A_1564 : vector<16xf32>
    %mul3A_1566 = arith.mulf %sub3A_1565, %sub3A_1565 : vector<16xf32>
    %gather3A_1567 = vector.shape_cast %reshape3A : vector<16x1xi32> to vector<16xi32>
    %gather3A_1568 = tpu.dynamic_gather %mul3A_1566[%gather3A_1567] in [0] : vector<16xf32>, vector<16xi32> -> vector<16xf32>
    %add3A_1569 = arith.addf %mul3A_1566, %gather3A_1568 : vector<16xf32>
    %lt3A_1570 = arith.cmpf olt, %add3A_1569, %add3A_1559 : vector<16xf32>
    %get3A_1571 = arith.constant 3 : i32
    %get3A_1572 = arith.index_cast %get3A_1571 : i32 to index
    %get3A_1573 = arith.constant 576 : index
    %get3A_1574 = tpu.vector_load %arg6[%get3A_1572, %get3A_1573] {strides = array<i32>} : memref<4x1024xf32, #tpu.memory_space<vmem>>, vector<1x16xf32>,
    %get3A_1575 = vector.shape_cast %get3A_1574 : vector<1x16xf32> to vector<16xf32>
    %get3A_1576 = arith.constant 2 : i32
    %get3A_1577 = arith.index_cast %get3A_1576 : i32 to index
    %get3A_1578 = arith.constant 576 : index
    %get3A_1579 = tpu.vector_load %arg6[%get3A_1577, %get3A_1578] {strides = array<i32>} : memref<4x1024xf32, #tpu.memory_space<vmem>>, vector<1x16xf32>,
    %get3A_1580 = vector.shape_cast %get3A_1579 : vector<1x16xf32> to vector<16xf32>
    %select_n3A_1581 = arith.select %lt3A_1570, %get3A_1575, %get3A_1580 : vector<16xi1>, vector<16xf32>
    %swap3A_1582 = arith.constant 0 : i32
    %swap3A_1583 = arith.index_cast %swap3A_1582 : i32 to index
    %swap3A_1584 = arith.constant 576 : index
    %swap3A_1585 = tpu.vector_load %arg7[%swap3A_1583, %swap3A_1584] {strides = array<i32>} : memref<1x1024xf32, #tpu.memory_space<vmem>>, vector<1x16xf32>,
    %swap3A_1586 = vector.shape_cast %swap3A_1585 : vector<1x16xf32> to vector<16xf32>
    %swap3A_1587 = vector.shape_cast %select_n3A_1581 : vector<16xf32> to vector<1x16xf32>
    tpu.vector_store %arg7[%swap3A_1583, %swap3A_1584], %swap3A_1587 {strides = array<i32>} : memref<1x1024xf32, #tpu.memory_space<vmem>>, vector<1x16xf32>,
    %get3A_1588 = arith.constant 0 : i32
    %get3A_1589 = arith.index_cast %get3A_1588 : i32 to index
    %get3A_1590 = arith.constant 592 : index
    %get3A_1591 = tpu.vector_load %arg5[%get3A_1589, %get3A_1590] {strides = array<i32>} : memref<1x1024xf32, #tpu.memory_space<vmem>>, vector<1x16xf32>,
    %get3A_1592 = vector.shape_cast %get3A_1591 : vector<1x16xf32> to vector<16xf32>
    %get3A_1593 = arith.constant 0 : i32
    %get3A_1594 = arith.index_cast %get3A_1593 : i32 to index
    %get3A_1595 = arith.constant 592 : index
    %get3A_1596 = tpu.vector_load %arg6[%get3A_1594, %get3A_1595] {strides = array<i32>} : memref<4x1024xf32, #tpu.memory_space<vmem>>, vector<1x16xf32>,
    %get3A_1597 = vector.shape_cast %get3A_1596 : vector<1x16xf32> to vector<16xf32>
    %sub3A_1598 = arith.subf %get3A_1592, %get3A_1597 : vector<16xf32>
    %mul3A_1599 = arith.mulf %sub3A_1598, %sub3A_1598 : vector<16xf32>
    %gather3A_1600 = vector.shape_cast %reshape3A : vector<16x1xi32> to vector<16xi32>
    %gather3A_1601 = tpu.dynamic_gather %mul3A_1599[%gather3A_1600] in [0] : vector<16xf32>, vector<16xi32> -> vector<16xf32>
    %add3A_1602 = arith.addf %mul3A_1599, %gather3A_1601 : vector<16xf32>
    %get3A_1603 = arith.constant 1 : i32
    %get3A_1604 = arith.index_cast %get3A_1603 : i32 to index
    %get3A_1605 = arith.constant 592 : index
    %get3A_1606 = tpu.vector_load %arg6[%get3A_1604, %get3A_1605] {strides = array<i32>} : memref<4x1024xf32, #tpu.memory_space<vmem>>, vector<1x16xf32>,
    %get3A_1607 = vector.shape_cast %get3A_1606 : vector<1x16xf32> to vector<16xf32>
    %sub3A_1608 = arith.subf %get3A_1592, %get3A_1607 : vector<16xf32>
    %mul3A_1609 = arith.mulf %sub3A_1608, %sub3A_1608 : vector<16xf32>
    %gather3A_1610 = vector.shape_cast %reshape3A : vector<16x1xi32> to vector<16xi32>
    %gather3A_1611 = tpu.dynamic_gather %mul3A_1609[%gather3A_1610] in [0] : vector<16xf32>, vector<16xi32> -> vector<16xf32>
    %add3A_1612 = arith.addf %mul3A_1609, %gather3A_1611 : vector<16xf32>
    %lt3A_1613 = arith.cmpf olt, %add3A_1612, %add3A_1602 : vector<16xf32>
    %get3A_1614 = arith.constant 3 : i32
    %get3A_1615 = arith.index_cast %get3A_1614 : i32 to index
    %get3A_1616 = arith.constant 592 : index
    %get3A_1617 = tpu.vector_load %arg6[%get3A_1615, %get3A_1616] {strides = array<i32>} : memref<4x1024xf32, #tpu.memory_space<vmem>>, vector<1x16xf32>,
    %get3A_1618 = vector.shape_cast %get3A_1617 : vector<1x16xf32> to vector<16xf32>
    %get3A_1619 = arith.constant 2 : i32
    %get3A_1620 = arith.index_cast %get3A_1619 : i32 to index
    %get3A_1621 = arith.constant 592 : index
    %get3A_1622 = tpu.vector_load %arg6[%get3A_1620, %get3A_1621] {strides = array<i32>} : memref<4x1024xf32, #tpu.memory_space<vmem>>, vector<1x16xf32>,
    %get3A_1623 = vector.shape_cast %get3A_1622 : vector<1x16xf32> to vector<16xf32>
    %select_n3A_1624 = arith.select %lt3A_1613, %get3A_1618, %get3A_1623 : vector<16xi1>, vector<16xf32>
    %swap3A_1625 = arith.constant 0 : i32
    %swap3A_1626 = arith.index_cast %swap3A_1625 : i32 to index
    %swap3A_1627 = arith.constant 592 : index
    %swap3A_1628 = tpu.vector_load %arg7[%swap3A_1626, %swap3A_1627] {strides = array<i32>} : memref<1x1024xf32, #tpu.memory_space<vmem>>, vector<1x16xf32>,
    %swap3A_1629 = vector.shape_cast %swap3A_1628 : vector<1x16xf32> to vector<16xf32>
    %swap3A_1630 = vector.shape_cast %select_n3A_1624 : vector<16xf32> to vector<1x16xf32>
    tpu.vector_store %arg7[%swap3A_1626, %swap3A_1627], %swap3A_1630 {strides = array<i32>} : memref<1x1024xf32, #tpu.memory_space<vmem>>, vector<1x16xf32>,
    %get3A_1631 = arith.constant 0 : i32
    %get3A_1632 = arith.index_cast %get3A_1631 : i32 to index
    %get3A_1633 = arith.constant 608 : index
    %get3A_1634 = tpu.vector_load %arg5[%get3A_1632, %get3A_1633] {strides = array<i32>} : memref<1x1024xf32, #tpu.memory_space<vmem>>, vector<1x16xf32>,
    %get3A_1635 = vector.shape_cast %get3A_1634 : vector<1x16xf32> to vector<16xf32>
    %get3A_1636 = arith.constant 0 : i32
    %get3A_1637 = arith.index_cast %get3A_1636 : i32 to index
    %get3A_1638 = arith.constant 608 : index
    %get3A_1639 = tpu.vector_load %arg6[%get3A_1637, %get3A_1638] {strides = array<i32>} : memref<4x1024xf32, #tpu.memory_space<vmem>>, vector<1x16xf32>,
    %get3A_1640 = vector.shape_cast %get3A_1639 : vector<1x16xf32> to vector<16xf32>
    %sub3A_1641 = arith.subf %get3A_1635, %get3A_1640 : vector<16xf32>
    %mul3A_1642 = arith.mulf %sub3A_1641, %sub3A_1641 : vector<16xf32>
    %gather3A_1643 = vector.shape_cast %reshape3A : vector<16x1xi32> to vector<16xi32>
    %gather3A_1644 = tpu.dynamic_gather %mul3A_1642[%gather3A_1643] in [0] : vector<16xf32>, vector<16xi32> -> vector<16xf32>
    %add3A_1645 = arith.addf %mul3A_1642, %gather3A_1644 : vector<16xf32>
    %get3A_1646 = arith.constant 1 : i32
    %get3A_1647 = arith.index_cast %get3A_1646 : i32 to index
    %get3A_1648 = arith.constant 608 : index
    %get3A_1649 = tpu.vector_load %arg6[%get3A_1647, %get3A_1648] {strides = array<i32>} : memref<4x1024xf32, #tpu.memory_space<vmem>>, vector<1x16xf32>,
    %get3A_1650 = vector.shape_cast %get3A_1649 : vector<1x16xf32> to vector<16xf32>
    %sub3A_1651 = arith.subf %get3A_1635, %get3A_1650 : vector<16xf32>
    %mul3A_1652 = arith.mulf %sub3A_1651, %sub3A_1651 : vector<16xf32>
    %gather3A_1653 = vector.shape_cast %reshape3A : vector<16x1xi32> to vector<16xi32>
    %gather3A_1654 = tpu.dynamic_gather %mul3A_1652[%gather3A_1653] in [0] : vector<16xf32>, vector<16xi32> -> vector<16xf32>
    %add3A_1655 = arith.addf %mul3A_1652, %gather3A_1654 : vector<16xf32>
    %lt3A_1656 = arith.cmpf olt, %add3A_1655, %add3A_1645 : vector<16xf32>
    %get3A_1657 = arith.constant 3 : i32
    %get3A_1658 = arith.index_cast %get3A_1657 : i32 to index
    %get3A_1659 = arith.constant 608 : index
    %get3A_1660 = tpu.vector_load %arg6[%get3A_1658, %get3A_1659] {strides = array<i32>} : memref<4x1024xf32, #tpu.memory_space<vmem>>, vector<1x16xf32>,
    %get3A_1661 = vector.shape_cast %get3A_1660 : vector<1x16xf32> to vector<16xf32>
    %get3A_1662 = arith.constant 2 : i32
    %get3A_1663 = arith.index_cast %get3A_1662 : i32 to index
    %get3A_1664 = arith.constant 608 : index
    %get3A_1665 = tpu.vector_load %arg6[%get3A_1663, %get3A_1664] {strides = array<i32>} : memref<4x1024xf32, #tpu.memory_space<vmem>>, vector<1x16xf32>,
    %get3A_1666 = vector.shape_cast %get3A_1665 : vector<1x16xf32> to vector<16xf32>
    %select_n3A_1667 = arith.select %lt3A_1656, %get3A_1661, %get3A_1666 : vector<16xi1>, vector<16xf32>
    %swap3A_1668 = arith.constant 0 : i32
    %swap3A_1669 = arith.index_cast %swap3A_1668 : i32 to index
    %swap3A_1670 = arith.constant 608 : index
    %swap3A_1671 = tpu.vector_load %arg7[%swap3A_1669, %swap3A_1670] {strides = array<i32>} : memref<1x1024xf32, #tpu.memory_space<vmem>>, vector<1x16xf32>,
    %swap3A_1672 = vector.shape_cast %swap3A_1671 : vector<1x16xf32> to vector<16xf32>
    %swap3A_1673 = vector.shape_cast %select_n3A_1667 : vector<16xf32> to vector<1x16xf32>
    tpu.vector_store %arg7[%swap3A_1669, %swap3A_1670], %swap3A_1673 {strides = array<i32>} : memref<1x1024xf32, #tpu.memory_space<vmem>>, vector<1x16xf32>,
    %get3A_1674 = arith.constant 0 : i32
    %get3A_1675 = arith.index_cast %get3A_1674 : i32 to index
    %get3A_1676 = arith.constant 624 : index
    %get3A_1677 = tpu.vector_load %arg5[%get3A_1675, %get3A_1676] {strides = array<i32>} : memref<1x1024xf32, #tpu.memory_space<vmem>>, vector<1x16xf32>,
    %get3A_1678 = vector.shape_cast %get3A_1677 : vector<1x16xf32> to vector<16xf32>
    %get3A_1679 = arith.constant 0 : i32
    %get3A_1680 = arith.index_cast %get3A_1679 : i32 to index
    %get3A_1681 = arith.constant 624 : index
    %get3A_1682 = tpu.vector_load %arg6[%get3A_1680, %get3A_1681] {strides = array<i32>} : memref<4x1024xf32, #tpu.memory_space<vmem>>, vector<1x16xf32>,
    %get3A_1683 = vector.shape_cast %get3A_1682 : vector<1x16xf32> to vector<16xf32>
    %sub3A_1684 = arith.subf %get3A_1678, %get3A_1683 : vector<16xf32>
    %mul3A_1685 = arith.mulf %sub3A_1684, %sub3A_1684 : vector<16xf32>
    %gather3A_1686 = vector.shape_cast %reshape3A : vector<16x1xi32> to vector<16xi32>
    %gather3A_1687 = tpu.dynamic_gather %mul3A_1685[%gather3A_1686] in [0] : vector<16xf32>, vector<16xi32> -> vector<16xf32>
    %add3A_1688 = arith.addf %mul3A_1685, %gather3A_1687 : vector<16xf32>
    %get3A_1689 = arith.constant 1 : i32
    %get3A_1690 = arith.index_cast %get3A_1689 : i32 to index
    %get3A_1691 = arith.constant 624 : index
    %get3A_1692 = tpu.vector_load %arg6[%get3A_1690, %get3A_1691] {strides = array<i32>} : memref<4x1024xf32, #tpu.memory_space<vmem>>, vector<1x16xf32>,
    %get3A_1693 = vector.shape_cast %get3A_1692 : vector<1x16xf32> to vector<16xf32>
    %sub3A_1694 = arith.subf %get3A_1678, %get3A_1693 : vector<16xf32>
    %mul3A_1695 = arith.mulf %sub3A_1694, %sub3A_1694 : vector<16xf32>
    %gather3A_1696 = vector.shape_cast %reshape3A : vector<16x1xi32> to vector<16xi32>
    %gather3A_1697 = tpu.dynamic_gather %mul3A_1695[%gather3A_1696] in [0] : vector<16xf32>, vector<16xi32> -> vector<16xf32>
    %add3A_1698 = arith.addf %mul3A_1695, %gather3A_1697 : vector<16xf32>
    %lt3A_1699 = arith.cmpf olt, %add3A_1698, %add3A_1688 : vector<16xf32>
    %get3A_1700 = arith.constant 3 : i32
    %get3A_1701 = arith.index_cast %get3A_1700 : i32 to index
    %get3A_1702 = arith.constant 624 : index
    %get3A_1703 = tpu.vector_load %arg6[%get3A_1701, %get3A_1702] {strides = array<i32>} : memref<4x1024xf32, #tpu.memory_space<vmem>>, vector<1x16xf32>,
    %get3A_1704 = vector.shape_cast %get3A_1703 : vector<1x16xf32> to vector<16xf32>
    %get3A_1705 = arith.constant 2 : i32
    %get3A_1706 = arith.index_cast %get3A_1705 : i32 to index
    %get3A_1707 = arith.constant 624 : index
    %get3A_1708 = tpu.vector_load %arg6[%get3A_1706, %get3A_1707] {strides = array<i32>} : memref<4x1024xf32, #tpu.memory_space<vmem>>, vector<1x16xf32>,
    %get3A_1709 = vector.shape_cast %get3A_1708 : vector<1x16xf32> to vector<16xf32>
    %select_n3A_1710 = arith.select %lt3A_1699, %get3A_1704, %get3A_1709 : vector<16xi1>, vector<16xf32>
    %swap3A_1711 = arith.constant 0 : i32
    %swap3A_1712 = arith.index_cast %swap3A_1711 : i32 to index
    %swap3A_1713 = arith.constant 624 : index
    %swap3A_1714 = tpu.vector_load %arg7[%swap3A_1712, %swap3A_1713] {strides = array<i32>} : memref<1x1024xf32, #tpu.memory_space<vmem>>, vector<1x16xf32>,
    %swap3A_1715 = vector.shape_cast %swap3A_1714 : vector<1x16xf32> to vector<16xf32>
    %swap3A_1716 = vector.shape_cast %select_n3A_1710 : vector<16xf32> to vector<1x16xf32>
    tpu.vector_store %arg7[%swap3A_1712, %swap3A_1713], %swap3A_1716 {strides = array<i32>} : memref<1x1024xf32, #tpu.memory_space<vmem>>, vector<1x16xf32>,
    %get3A_1717 = arith.constant 0 : i32
    %get3A_1718 = arith.index_cast %get3A_1717 : i32 to index
    %get3A_1719 = arith.constant 640 : index
    %get3A_1720 = tpu.vector_load %arg5[%get3A_1718, %get3A_1719] {strides = array<i32>} : memref<1x1024xf32, #tpu.memory_space<vmem>>, vector<1x16xf32>,
    %get3A_1721 = vector.shape_cast %get3A_1720 : vector<1x16xf32> to vector<16xf32>
    %get3A_1722 = arith.constant 0 : i32
    %get3A_1723 = arith.index_cast %get3A_1722 : i32 to index
    %get3A_1724 = arith.constant 640 : index
    %get3A_1725 = tpu.vector_load %arg6[%get3A_1723, %get3A_1724] {strides = array<i32>} : memref<4x1024xf32, #tpu.memory_space<vmem>>, vector<1x16xf32>,
    %get3A_1726 = vector.shape_cast %get3A_1725 : vector<1x16xf32> to vector<16xf32>
    %sub3A_1727 = arith.subf %get3A_1721, %get3A_1726 : vector<16xf32>
    %mul3A_1728 = arith.mulf %sub3A_1727, %sub3A_1727 : vector<16xf32>
    %gather3A_1729 = vector.shape_cast %reshape3A : vector<16x1xi32> to vector<16xi32>
    %gather3A_1730 = tpu.dynamic_gather %mul3A_1728[%gather3A_1729] in [0] : vector<16xf32>, vector<16xi32> -> vector<16xf32>
    %add3A_1731 = arith.addf %mul3A_1728, %gather3A_1730 : vector<16xf32>
    %get3A_1732 = arith.constant 1 : i32
    %get3A_1733 = arith.index_cast %get3A_1732 : i32 to index
    %get3A_1734 = arith.constant 640 : index
    %get3A_1735 = tpu.vector_load %arg6[%get3A_1733, %get3A_1734] {strides = array<i32>} : memref<4x1024xf32, #tpu.memory_space<vmem>>, vector<1x16xf32>,
    %get3A_1736 = vector.shape_cast %get3A_1735 : vector<1x16xf32> to vector<16xf32>
    %sub3A_1737 = arith.subf %get3A_1721, %get3A_1736 : vector<16xf32>
    %mul3A_1738 = arith.mulf %sub3A_1737, %sub3A_1737 : vector<16xf32>
    %gather3A_1739 = vector.shape_cast %reshape3A : vector<16x1xi32> to vector<16xi32>
    %gather3A_1740 = tpu.dynamic_gather %mul3A_1738[%gather3A_1739] in [0] : vector<16xf32>, vector<16xi32> -> vector<16xf32>
    %add3A_1741 = arith.addf %mul3A_1738, %gather3A_1740 : vector<16xf32>
    %lt3A_1742 = arith.cmpf olt, %add3A_1741, %add3A_1731 : vector<16xf32>
    %get3A_1743 = arith.constant 3 : i32
    %get3A_1744 = arith.index_cast %get3A_1743 : i32 to index
    %get3A_1745 = arith.constant 640 : index
    %get3A_1746 = tpu.vector_load %arg6[%get3A_1744, %get3A_1745] {strides = array<i32>} : memref<4x1024xf32, #tpu.memory_space<vmem>>, vector<1x16xf32>,
    %get3A_1747 = vector.shape_cast %get3A_1746 : vector<1x16xf32> to vector<16xf32>
    %get3A_1748 = arith.constant 2 : i32
    %get3A_1749 = arith.index_cast %get3A_1748 : i32 to index
    %get3A_1750 = arith.constant 640 : index
    %get3A_1751 = tpu.vector_load %arg6[%get3A_1749, %get3A_1750] {strides = array<i32>} : memref<4x1024xf32, #tpu.memory_space<vmem>>, vector<1x16xf32>,
    %get3A_1752 = vector.shape_cast %get3A_1751 : vector<1x16xf32> to vector<16xf32>
    %select_n3A_1753 = arith.select %lt3A_1742, %get3A_1747, %get3A_1752 : vector<16xi1>, vector<16xf32>
    %swap3A_1754 = arith.constant 0 : i32
    %swap3A_1755 = arith.index_cast %swap3A_1754 : i32 to index
    %swap3A_1756 = arith.constant 640 : index
    %swap3A_1757 = tpu.vector_load %arg7[%swap3A_1755, %swap3A_1756] {strides = array<i32>} : memref<1x1024xf32, #tpu.memory_space<vmem>>, vector<1x16xf32>,
    %swap3A_1758 = vector.shape_cast %swap3A_1757 : vector<1x16xf32> to vector<16xf32>
    %swap3A_1759 = vector.shape_cast %select_n3A_1753 : vector<16xf32> to vector<1x16xf32>
    tpu.vector_store %arg7[%swap3A_1755, %swap3A_1756], %swap3A_1759 {strides = array<i32>} : memref<1x1024xf32, #tpu.memory_space<vmem>>, vector<1x16xf32>,
    %get3A_1760 = arith.constant 0 : i32
    %get3A_1761 = arith.index_cast %get3A_1760 : i32 to index
    %get3A_1762 = arith.constant 656 : index
    %get3A_1763 = tpu.vector_load %arg5[%get3A_1761, %get3A_1762] {strides = array<i32>} : memref<1x1024xf32, #tpu.memory_space<vmem>>, vector<1x16xf32>,
    %get3A_1764 = vector.shape_cast %get3A_1763 : vector<1x16xf32> to vector<16xf32>
    %get3A_1765 = arith.constant 0 : i32
    %get3A_1766 = arith.index_cast %get3A_1765 : i32 to index
    %get3A_1767 = arith.constant 656 : index
    %get3A_1768 = tpu.vector_load %arg6[%get3A_1766, %get3A_1767] {strides = array<i32>} : memref<4x1024xf32, #tpu.memory_space<vmem>>, vector<1x16xf32>,
    %get3A_1769 = vector.shape_cast %get3A_1768 : vector<1x16xf32> to vector<16xf32>
    %sub3A_1770 = arith.subf %get3A_1764, %get3A_1769 : vector<16xf32>
    %mul3A_1771 = arith.mulf %sub3A_1770, %sub3A_1770 : vector<16xf32>
    %gather3A_1772 = vector.shape_cast %reshape3A : vector<16x1xi32> to vector<16xi32>
    %gather3A_1773 = tpu.dynamic_gather %mul3A_1771[%gather3A_1772] in [0] : vector<16xf32>, vector<16xi32> -> vector<16xf32>
    %add3A_1774 = arith.addf %mul3A_1771, %gather3A_1773 : vector<16xf32>
    %get3A_1775 = arith.constant 1 : i32
    %get3A_1776 = arith.index_cast %get3A_1775 : i32 to index
    %get3A_1777 = arith.constant 656 : index
    %get3A_1778 = tpu.vector_load %arg6[%get3A_1776, %get3A_1777] {strides = array<i32>} : memref<4x1024xf32, #tpu.memory_space<vmem>>, vector<1x16xf32>,
    %get3A_1779 = vector.shape_cast %get3A_1778 : vector<1x16xf32> to vector<16xf32>
    %sub3A_1780 = arith.subf %get3A_1764, %get3A_1779 : vector<16xf32>
    %mul3A_1781 = arith.mulf %sub3A_1780, %sub3A_1780 : vector<16xf32>
    %gather3A_1782 = vector.shape_cast %reshape3A : vector<16x1xi32> to vector<16xi32>
    %gather3A_1783 = tpu.dynamic_gather %mul3A_1781[%gather3A_1782] in [0] : vector<16xf32>, vector<16xi32> -> vector<16xf32>
    %add3A_1784 = arith.addf %mul3A_1781, %gather3A_1783 : vector<16xf32>
    %lt3A_1785 = arith.cmpf olt, %add3A_1784, %add3A_1774 : vector<16xf32>
    %get3A_1786 = arith.constant 3 : i32
    %get3A_1787 = arith.index_cast %get3A_1786 : i32 to index
    %get3A_1788 = arith.constant 656 : index
    %get3A_1789 = tpu.vector_load %arg6[%get3A_1787, %get3A_1788] {strides = array<i32>} : memref<4x1024xf32, #tpu.memory_space<vmem>>, vector<1x16xf32>,
    %get3A_1790 = vector.shape_cast %get3A_1789 : vector<1x16xf32> to vector<16xf32>
    %get3A_1791 = arith.constant 2 : i32
    %get3A_1792 = arith.index_cast %get3A_1791 : i32 to index
    %get3A_1793 = arith.constant 656 : index
    %get3A_1794 = tpu.vector_load %arg6[%get3A_1792, %get3A_1793] {strides = array<i32>} : memref<4x1024xf32, #tpu.memory_space<vmem>>, vector<1x16xf32>,
    %get3A_1795 = vector.shape_cast %get3A_1794 : vector<1x16xf32> to vector<16xf32>
    %select_n3A_1796 = arith.select %lt3A_1785, %get3A_1790, %get3A_1795 : vector<16xi1>, vector<16xf32>
    %swap3A_1797 = arith.constant 0 : i32
    %swap3A_1798 = arith.index_cast %swap3A_1797 : i32 to index
    %swap3A_1799 = arith.constant 656 : index
    %swap3A_1800 = tpu.vector_load %arg7[%swap3A_1798, %swap3A_1799] {strides = array<i32>} : memref<1x1024xf32, #tpu.memory_space<vmem>>, vector<1x16xf32>,
    %swap3A_1801 = vector.shape_cast %swap3A_1800 : vector<1x16xf32> to vector<16xf32>
    %swap3A_1802 = vector.shape_cast %select_n3A_1796 : vector<16xf32> to vector<1x16xf32>
    tpu.vector_store %arg7[%swap3A_1798, %swap3A_1799], %swap3A_1802 {strides = array<i32>} : memref<1x1024xf32, #tpu.memory_space<vmem>>, vector<1x16xf32>,
    %get3A_1803 = arith.constant 0 : i32
    %get3A_1804 = arith.index_cast %get3A_1803 : i32 to index
    %get3A_1805 = arith.constant 672 : index
    %get3A_1806 = tpu.vector_load %arg5[%get3A_1804, %get3A_1805] {strides = array<i32>} : memref<1x1024xf32, #tpu.memory_space<vmem>>, vector<1x16xf32>,
    %get3A_1807 = vector.shape_cast %get3A_1806 : vector<1x16xf32> to vector<16xf32>
    %get3A_1808 = arith.constant 0 : i32
    %get3A_1809 = arith.index_cast %get3A_1808 : i32 to index
    %get3A_1810 = arith.constant 672 : index
    %get3A_1811 = tpu.vector_load %arg6[%get3A_1809, %get3A_1810] {strides = array<i32>} : memref<4x1024xf32, #tpu.memory_space<vmem>>, vector<1x16xf32>,
    %get3A_1812 = vector.shape_cast %get3A_1811 : vector<1x16xf32> to vector<16xf32>
    %sub3A_1813 = arith.subf %get3A_1807, %get3A_1812 : vector<16xf32>
    %mul3A_1814 = arith.mulf %sub3A_1813, %sub3A_1813 : vector<16xf32>
    %gather3A_1815 = vector.shape_cast %reshape3A : vector<16x1xi32> to vector<16xi32>
    %gather3A_1816 = tpu.dynamic_gather %mul3A_1814[%gather3A_1815] in [0] : vector<16xf32>, vector<16xi32> -> vector<16xf32>
    %add3A_1817 = arith.addf %mul3A_1814, %gather3A_1816 : vector<16xf32>
    %get3A_1818 = arith.constant 1 : i32
    %get3A_1819 = arith.index_cast %get3A_1818 : i32 to index
    %get3A_1820 = arith.constant 672 : index
    %get3A_1821 = tpu.vector_load %arg6[%get3A_1819, %get3A_1820] {strides = array<i32>} : memref<4x1024xf32, #tpu.memory_space<vmem>>, vector<1x16xf32>,
    %get3A_1822 = vector.shape_cast %get3A_1821 : vector<1x16xf32> to vector<16xf32>
    %sub3A_1823 = arith.subf %get3A_1807, %get3A_1822 : vector<16xf32>
    %mul3A_1824 = arith.mulf %sub3A_1823, %sub3A_1823 : vector<16xf32>
    %gather3A_1825 = vector.shape_cast %reshape3A : vector<16x1xi32> to vector<16xi32>
    %gather3A_1826 = tpu.dynamic_gather %mul3A_1824[%gather3A_1825] in [0] : vector<16xf32>, vector<16xi32> -> vector<16xf32>
    %add3A_1827 = arith.addf %mul3A_1824, %gather3A_1826 : vector<16xf32>
    %lt3A_1828 = arith.cmpf olt, %add3A_1827, %add3A_1817 : vector<16xf32>
    %get3A_1829 = arith.constant 3 : i32
    %get3A_1830 = arith.index_cast %get3A_1829 : i32 to index
    %get3A_1831 = arith.constant 672 : index
    %get3A_1832 = tpu.vector_load %arg6[%get3A_1830, %get3A_1831] {strides = array<i32>} : memref<4x1024xf32, #tpu.memory_space<vmem>>, vector<1x16xf32>,
    %get3A_1833 = vector.shape_cast %get3A_1832 : vector<1x16xf32> to vector<16xf32>
    %get3A_1834 = arith.constant 2 : i32
    %get3A_1835 = arith.index_cast %get3A_1834 : i32 to index
    %get3A_1836 = arith.constant 672 : index
    %get3A_1837 = tpu.vector_load %arg6[%get3A_1835, %get3A_1836] {strides = array<i32>} : memref<4x1024xf32, #tpu.memory_space<vmem>>, vector<1x16xf32>,
    %get3A_1838 = vector.shape_cast %get3A_1837 : vector<1x16xf32> to vector<16xf32>
    %select_n3A_1839 = arith.select %lt3A_1828, %get3A_1833, %get3A_1838 : vector<16xi1>, vector<16xf32>
    %swap3A_1840 = arith.constant 0 : i32
    %swap3A_1841 = arith.index_cast %swap3A_1840 : i32 to index
    %swap3A_1842 = arith.constant 672 : index
    %swap3A_1843 = tpu.vector_load %arg7[%swap3A_1841, %swap3A_1842] {strides = array<i32>} : memref<1x1024xf32, #tpu.memory_space<vmem>>, vector<1x16xf32>,
    %swap3A_1844 = vector.shape_cast %swap3A_1843 : vector<1x16xf32> to vector<16xf32>
    %swap3A_1845 = vector.shape_cast %select_n3A_1839 : vector<16xf32> to vector<1x16xf32>
    tpu.vector_store %arg7[%swap3A_1841, %swap3A_1842], %swap3A_1845 {strides = array<i32>} : memref<1x1024xf32, #tpu.memory_space<vmem>>, vector<1x16xf32>,
    %get3A_1846 = arith.constant 0 : i32
    %get3A_1847 = arith.index_cast %get3A_1846 : i32 to index
    %get3A_1848 = arith.constant 688 : index
    %get3A_1849 = tpu.vector_load %arg5[%get3A_1847, %get3A_1848] {strides = array<i32>} : memref<1x1024xf32, #tpu.memory_space<vmem>>, vector<1x16xf32>,
    %get3A_1850 = vector.shape_cast %get3A_1849 : vector<1x16xf32> to vector<16xf32>
    %get3A_1851 = arith.constant 0 : i32
    %get3A_1852 = arith.index_cast %get3A_1851 : i32 to index
    %get3A_1853 = arith.constant 688 : index
    %get3A_1854 = tpu.vector_load %arg6[%get3A_1852, %get3A_1853] {strides = array<i32>} : memref<4x1024xf32, #tpu.memory_space<vmem>>, vector<1x16xf32>,
    %get3A_1855 = vector.shape_cast %get3A_1854 : vector<1x16xf32> to vector<16xf32>
    %sub3A_1856 = arith.subf %get3A_1850, %get3A_1855 : vector<16xf32>
    %mul3A_1857 = arith.mulf %sub3A_1856, %sub3A_1856 : vector<16xf32>
    %gather3A_1858 = vector.shape_cast %reshape3A : vector<16x1xi32> to vector<16xi32>
    %gather3A_1859 = tpu.dynamic_gather %mul3A_1857[%gather3A_1858] in [0] : vector<16xf32>, vector<16xi32> -> vector<16xf32>
    %add3A_1860 = arith.addf %mul3A_1857, %gather3A_1859 : vector<16xf32>
    %get3A_1861 = arith.constant 1 : i32
    %get3A_1862 = arith.index_cast %get3A_1861 : i32 to index
    %get3A_1863 = arith.constant 688 : index
    %get3A_1864 = tpu.vector_load %arg6[%get3A_1862, %get3A_1863] {strides = array<i32>} : memref<4x1024xf32, #tpu.memory_space<vmem>>, vector<1x16xf32>,
    %get3A_1865 = vector.shape_cast %get3A_1864 : vector<1x16xf32> to vector<16xf32>
    %sub3A_1866 = arith.subf %get3A_1850, %get3A_1865 : vector<16xf32>
    %mul3A_1867 = arith.mulf %sub3A_1866, %sub3A_1866 : vector<16xf32>
    %gather3A_1868 = vector.shape_cast %reshape3A : vector<16x1xi32> to vector<16xi32>
    %gather3A_1869 = tpu.dynamic_gather %mul3A_1867[%gather3A_1868] in [0] : vector<16xf32>, vector<16xi32> -> vector<16xf32>
    %add3A_1870 = arith.addf %mul3A_1867, %gather3A_1869 : vector<16xf32>
    %lt3A_1871 = arith.cmpf olt, %add3A_1870, %add3A_1860 : vector<16xf32>
    %get3A_1872 = arith.constant 3 : i32
    %get3A_1873 = arith.index_cast %get3A_1872 : i32 to index
    %get3A_1874 = arith.constant 688 : index
    %get3A_1875 = tpu.vector_load %arg6[%get3A_1873, %get3A_1874] {strides = array<i32>} : memref<4x1024xf32, #tpu.memory_space<vmem>>, vector<1x16xf32>,
    %get3A_1876 = vector.shape_cast %get3A_1875 : vector<1x16xf32> to vector<16xf32>
    %get3A_1877 = arith.constant 2 : i32
    %get3A_1878 = arith.index_cast %get3A_1877 : i32 to index
    %get3A_1879 = arith.constant 688 : index
    %get3A_1880 = tpu.vector_load %arg6[%get3A_1878, %get3A_1879] {strides = array<i32>} : memref<4x1024xf32, #tpu.memory_space<vmem>>, vector<1x16xf32>,
    %get3A_1881 = vector.shape_cast %get3A_1880 : vector<1x16xf32> to vector<16xf32>
    %select_n3A_1882 = arith.select %lt3A_1871, %get3A_1876, %get3A_1881 : vector<16xi1>, vector<16xf32>
    %swap3A_1883 = arith.constant 0 : i32
    %swap3A_1884 = arith.index_cast %swap3A_1883 : i32 to index
    %swap3A_1885 = arith.constant 688 : index
    %swap3A_1886 = tpu.vector_load %arg7[%swap3A_1884, %swap3A_1885] {strides = array<i32>} : memref<1x1024xf32, #tpu.memory_space<vmem>>, vector<1x16xf32>,
    %swap3A_1887 = vector.shape_cast %swap3A_1886 : vector<1x16xf32> to vector<16xf32>
    %swap3A_1888 = vector.shape_cast %select_n3A_1882 : vector<16xf32> to vector<1x16xf32>
    tpu.vector_store %arg7[%swap3A_1884, %swap3A_1885], %swap3A_1888 {strides = array<i32>} : memref<1x1024xf32, #tpu.memory_space<vmem>>, vector<1x16xf32>,
    %get3A_1889 = arith.constant 0 : i32
    %get3A_1890 = arith.index_cast %get3A_1889 : i32 to index
    %get3A_1891 = arith.constant 704 : index
    %get3A_1892 = tpu.vector_load %arg5[%get3A_1890, %get3A_1891] {strides = array<i32>} : memref<1x1024xf32, #tpu.memory_space<vmem>>, vector<1x16xf32>,
    %get3A_1893 = vector.shape_cast %get3A_1892 : vector<1x16xf32> to vector<16xf32>
    %get3A_1894 = arith.constant 0 : i32
    %get3A_1895 = arith.index_cast %get3A_1894 : i32 to index
    %get3A_1896 = arith.constant 704 : index
    %get3A_1897 = tpu.vector_load %arg6[%get3A_1895, %get3A_1896] {strides = array<i32>} : memref<4x1024xf32, #tpu.memory_space<vmem>>, vector<1x16xf32>,
    %get3A_1898 = vector.shape_cast %get3A_1897 : vector<1x16xf32> to vector<16xf32>
    %sub3A_1899 = arith.subf %get3A_1893, %get3A_1898 : vector<16xf32>
    %mul3A_1900 = arith.mulf %sub3A_1899, %sub3A_1899 : vector<16xf32>
    %gather3A_1901 = vector.shape_cast %reshape3A : vector<16x1xi32> to vector<16xi32>
    %gather3A_1902 = tpu.dynamic_gather %mul3A_1900[%gather3A_1901] in [0] : vector<16xf32>, vector<16xi32> -> vector<16xf32>
    %add3A_1903 = arith.addf %mul3A_1900, %gather3A_1902 : vector<16xf32>
    %get3A_1904 = arith.constant 1 : i32
    %get3A_1905 = arith.index_cast %get3A_1904 : i32 to index
    %get3A_1906 = arith.constant 704 : index
    %get3A_1907 = tpu.vector_load %arg6[%get3A_1905, %get3A_1906] {strides = array<i32>} : memref<4x1024xf32, #tpu.memory_space<vmem>>, vector<1x16xf32>,
    %get3A_1908 = vector.shape_cast %get3A_1907 : vector<1x16xf32> to vector<16xf32>
    %sub3A_1909 = arith.subf %get3A_1893, %get3A_1908 : vector<16xf32>
    %mul3A_1910 = arith.mulf %sub3A_1909, %sub3A_1909 : vector<16xf32>
    %gather3A_1911 = vector.shape_cast %reshape3A : vector<16x1xi32> to vector<16xi32>
    %gather3A_1912 = tpu.dynamic_gather %mul3A_1910[%gather3A_1911] in [0] : vector<16xf32>, vector<16xi32> -> vector<16xf32>
    %add3A_1913 = arith.addf %mul3A_1910, %gather3A_1912 : vector<16xf32>
    %lt3A_1914 = arith.cmpf olt, %add3A_1913, %add3A_1903 : vector<16xf32>
    %get3A_1915 = arith.constant 3 : i32
    %get3A_1916 = arith.index_cast %get3A_1915 : i32 to index
    %get3A_1917 = arith.constant 704 : index
    %get3A_1918 = tpu.vector_load %arg6[%get3A_1916, %get3A_1917] {strides = array<i32>} : memref<4x1024xf32, #tpu.memory_space<vmem>>, vector<1x16xf32>,
    %get3A_1919 = vector.shape_cast %get3A_1918 : vector<1x16xf32> to vector<16xf32>
    %get3A_1920 = arith.constant 2 : i32
    %get3A_1921 = arith.index_cast %get3A_1920 : i32 to index
    %get3A_1922 = arith.constant 704 : index
    %get3A_1923 = tpu.vector_load %arg6[%get3A_1921, %get3A_1922] {strides = array<i32>} : memref<4x1024xf32, #tpu.memory_space<vmem>>, vector<1x16xf32>,
    %get3A_1924 = vector.shape_cast %get3A_1923 : vector<1x16xf32> to vector<16xf32>
    %select_n3A_1925 = arith.select %lt3A_1914, %get3A_1919, %get3A_1924 : vector<16xi1>, vector<16xf32>
    %swap3A_1926 = arith.constant 0 : i32
    %swap3A_1927 = arith.index_cast %swap3A_1926 : i32 to index
    %swap3A_1928 = arith.constant 704 : index
    %swap3A_1929 = tpu.vector_load %arg7[%swap3A_1927, %swap3A_1928] {strides = array<i32>} : memref<1x1024xf32, #tpu.memory_space<vmem>>, vector<1x16xf32>,
    %swap3A_1930 = vector.shape_cast %swap3A_1929 : vector<1x16xf32> to vector<16xf32>
    %swap3A_1931 = vector.shape_cast %select_n3A_1925 : vector<16xf32> to vector<1x16xf32>
    tpu.vector_store %arg7[%swap3A_1927, %swap3A_1928], %swap3A_1931 {strides = array<i32>} : memref<1x1024xf32, #tpu.memory_space<vmem>>, vector<1x16xf32>,
    %get3A_1932 = arith.constant 0 : i32
    %get3A_1933 = arith.index_cast %get3A_1932 : i32 to index
    %get3A_1934 = arith.constant 720 : index
    %get3A_1935 = tpu.vector_load %arg5[%get3A_1933, %get3A_1934] {strides = array<i32>} : memref<1x1024xf32, #tpu.memory_space<vmem>>, vector<1x16xf32>,
    %get3A_1936 = vector.shape_cast %get3A_1935 : vector<1x16xf32> to vector<16xf32>
    %get3A_1937 = arith.constant 0 : i32
    %get3A_1938 = arith.index_cast %get3A_1937 : i32 to index
    %get3A_1939 = arith.constant 720 : index
    %get3A_1940 = tpu.vector_load %arg6[%get3A_1938, %get3A_1939] {strides = array<i32>} : memref<4x1024xf32, #tpu.memory_space<vmem>>, vector<1x16xf32>,
    %get3A_1941 = vector.shape_cast %get3A_1940 : vector<1x16xf32> to vector<16xf32>
    %sub3A_1942 = arith.subf %get3A_1936, %get3A_1941 : vector<16xf32>
    %mul3A_1943 = arith.mulf %sub3A_1942, %sub3A_1942 : vector<16xf32>
    %gather3A_1944 = vector.shape_cast %reshape3A : vector<16x1xi32> to vector<16xi32>
    %gather3A_1945 = tpu.dynamic_gather %mul3A_1943[%gather3A_1944] in [0] : vector<16xf32>, vector<16xi32> -> vector<16xf32>
    %add3A_1946 = arith.addf %mul3A_1943, %gather3A_1945 : vector<16xf32>
    %get3A_1947 = arith.constant 1 : i32
    %get3A_1948 = arith.index_cast %get3A_1947 : i32 to index
    %get3A_1949 = arith.constant 720 : index
    %get3A_1950 = tpu.vector_load %arg6[%get3A_1948, %get3A_1949] {strides = array<i32>} : memref<4x1024xf32, #tpu.memory_space<vmem>>, vector<1x16xf32>,
    %get3A_1951 = vector.shape_cast %get3A_1950 : vector<1x16xf32> to vector<16xf32>
    %sub3A_1952 = arith.subf %get3A_1936, %get3A_1951 : vector<16xf32>
    %mul3A_1953 = arith.mulf %sub3A_1952, %sub3A_1952 : vector<16xf32>
    %gather3A_1954 = vector.shape_cast %reshape3A : vector<16x1xi32> to vector<16xi32>
    %gather3A_1955 = tpu.dynamic_gather %mul3A_1953[%gather3A_1954] in [0] : vector<16xf32>, vector<16xi32> -> vector<16xf32>
    %add3A_1956 = arith.addf %mul3A_1953, %gather3A_1955 : vector<16xf32>
    %lt3A_1957 = arith.cmpf olt, %add3A_1956, %add3A_1946 : vector<16xf32>
    %get3A_1958 = arith.constant 3 : i32
    %get3A_1959 = arith.index_cast %get3A_1958 : i32 to index
    %get3A_1960 = arith.constant 720 : index
    %get3A_1961 = tpu.vector_load %arg6[%get3A_1959, %get3A_1960] {strides = array<i32>} : memref<4x1024xf32, #tpu.memory_space<vmem>>, vector<1x16xf32>,
    %get3A_1962 = vector.shape_cast %get3A_1961 : vector<1x16xf32> to vector<16xf32>
    %get3A_1963 = arith.constant 2 : i32
    %get3A_1964 = arith.index_cast %get3A_1963 : i32 to index
    %get3A_1965 = arith.constant 720 : index
    %get3A_1966 = tpu.vector_load %arg6[%get3A_1964, %get3A_1965] {strides = array<i32>} : memref<4x1024xf32, #tpu.memory_space<vmem>>, vector<1x16xf32>,
    %get3A_1967 = vector.shape_cast %get3A_1966 : vector<1x16xf32> to vector<16xf32>
    %select_n3A_1968 = arith.select %lt3A_1957, %get3A_1962, %get3A_1967 : vector<16xi1>, vector<16xf32>
    %swap3A_1969 = arith.constant 0 : i32
    %swap3A_1970 = arith.index_cast %swap3A_1969 : i32 to index
    %swap3A_1971 = arith.constant 720 : index
    %swap3A_1972 = tpu.vector_load %arg7[%swap3A_1970, %swap3A_1971] {strides = array<i32>} : memref<1x1024xf32, #tpu.memory_space<vmem>>, vector<1x16xf32>,
    %swap3A_1973 = vector.shape_cast %swap3A_1972 : vector<1x16xf32> to vector<16xf32>
    %swap3A_1974 = vector.shape_cast %select_n3A_1968 : vector<16xf32> to vector<1x16xf32>
    tpu.vector_store %arg7[%swap3A_1970, %swap3A_1971], %swap3A_1974 {strides = array<i32>} : memref<1x1024xf32, #tpu.memory_space<vmem>>, vector<1x16xf32>,
    %get3A_1975 = arith.constant 0 : i32
    %get3A_1976 = arith.index_cast %get3A_1975 : i32 to index
    %get3A_1977 = arith.constant 736 : index
    %get3A_1978 = tpu.vector_load %arg5[%get3A_1976, %get3A_1977] {strides = array<i32>} : memref<1x1024xf32, #tpu.memory_space<vmem>>, vector<1x16xf32>,
    %get3A_1979 = vector.shape_cast %get3A_1978 : vector<1x16xf32> to vector<16xf32>
    %get3A_1980 = arith.constant 0 : i32
    %get3A_1981 = arith.index_cast %get3A_1980 : i32 to index
    %get3A_1982 = arith.constant 736 : index
    %get3A_1983 = tpu.vector_load %arg6[%get3A_1981, %get3A_1982] {strides = array<i32>} : memref<4x1024xf32, #tpu.memory_space<vmem>>, vector<1x16xf32>,
    %get3A_1984 = vector.shape_cast %get3A_1983 : vector<1x16xf32> to vector<16xf32>
    %sub3A_1985 = arith.subf %get3A_1979, %get3A_1984 : vector<16xf32>
    %mul3A_1986 = arith.mulf %sub3A_1985, %sub3A_1985 : vector<16xf32>
    %gather3A_1987 = vector.shape_cast %reshape3A : vector<16x1xi32> to vector<16xi32>
    %gather3A_1988 = tpu.dynamic_gather %mul3A_1986[%gather3A_1987] in [0] : vector<16xf32>, vector<16xi32> -> vector<16xf32>
    %add3A_1989 = arith.addf %mul3A_1986, %gather3A_1988 : vector<16xf32>
    %get3A_1990 = arith.constant 1 : i32
    %get3A_1991 = arith.index_cast %get3A_1990 : i32 to index
    %get3A_1992 = arith.constant 736 : index
    %get3A_1993 = tpu.vector_load %arg6[%get3A_1991, %get3A_1992] {strides = array<i32>} : memref<4x1024xf32, #tpu.memory_space<vmem>>, vector<1x16xf32>,
    %get3A_1994 = vector.shape_cast %get3A_1993 : vector<1x16xf32> to vector<16xf32>
    %sub3A_1995 = arith.subf %get3A_1979, %get3A_1994 : vector<16xf32>
    %mul3A_1996 = arith.mulf %sub3A_1995, %sub3A_1995 : vector<16xf32>
    %gather3A_1997 = vector.shape_cast %reshape3A : vector<16x1xi32> to vector<16xi32>
    %gather3A_1998 = tpu.dynamic_gather %mul3A_1996[%gather3A_1997] in [0] : vector<16xf32>, vector<16xi32> -> vector<16xf32>
    %add3A_1999 = arith.addf %mul3A_1996, %gather3A_1998 : vector<16xf32>
    %lt3A_2000 = arith.cmpf olt, %add3A_1999, %add3A_1989 : vector<16xf32>
    %get3A_2001 = arith.constant 3 : i32
    %get3A_2002 = arith.index_cast %get3A_2001 : i32 to index
    %get3A_2003 = arith.constant 736 : index
    %get3A_2004 = tpu.vector_load %arg6[%get3A_2002, %get3A_2003] {strides = array<i32>} : memref<4x1024xf32, #tpu.memory_space<vmem>>, vector<1x16xf32>,
    %get3A_2005 = vector.shape_cast %get3A_2004 : vector<1x16xf32> to vector<16xf32>
    %get3A_2006 = arith.constant 2 : i32
    %get3A_2007 = arith.index_cast %get3A_2006 : i32 to index
    %get3A_2008 = arith.constant 736 : index
    %get3A_2009 = tpu.vector_load %arg6[%get3A_2007, %get3A_2008] {strides = array<i32>} : memref<4x1024xf32, #tpu.memory_space<vmem>>, vector<1x16xf32>,
    %get3A_2010 = vector.shape_cast %get3A_2009 : vector<1x16xf32> to vector<16xf32>
    %select_n3A_2011 = arith.select %lt3A_2000, %get3A_2005, %get3A_2010 : vector<16xi1>, vector<16xf32>
    %swap3A_2012 = arith.constant 0 : i32
    %swap3A_2013 = arith.index_cast %swap3A_2012 : i32 to index
    %swap3A_2014 = arith.constant 736 : index
    %swap3A_2015 = tpu.vector_load %arg7[%swap3A_2013, %swap3A_2014] {strides = array<i32>} : memref<1x1024xf32, #tpu.memory_space<vmem>>, vector<1x16xf32>,
    %swap3A_2016 = vector.shape_cast %swap3A_2015 : vector<1x16xf32> to vector<16xf32>
    %swap3A_2017 = vector.shape_cast %select_n3A_2011 : vector<16xf32> to vector<1x16xf32>
    tpu.vector_store %arg7[%swap3A_2013, %swap3A_2014], %swap3A_2017 {strides = array<i32>} : memref<1x1024xf32, #tpu.memory_space<vmem>>, vector<1x16xf32>,
    %get3A_2018 = arith.constant 0 : i32
    %get3A_2019 = arith.index_cast %get3A_2018 : i32 to index
    %get3A_2020 = arith.constant 752 : index
    %get3A_2021 = tpu.vector_load %arg5[%get3A_2019, %get3A_2020] {strides = array<i32>} : memref<1x1024xf32, #tpu.memory_space<vmem>>, vector<1x16xf32>,
    %get3A_2022 = vector.shape_cast %get3A_2021 : vector<1x16xf32> to vector<16xf32>
    %get3A_2023 = arith.constant 0 : i32
    %get3A_2024 = arith.index_cast %get3A_2023 : i32 to index
    %get3A_2025 = arith.constant 752 : index
    %get3A_2026 = tpu.vector_load %arg6[%get3A_2024, %get3A_2025] {strides = array<i32>} : memref<4x1024xf32, #tpu.memory_space<vmem>>, vector<1x16xf32>,
    %get3A_2027 = vector.shape_cast %get3A_2026 : vector<1x16xf32> to vector<16xf32>
    %sub3A_2028 = arith.subf %get3A_2022, %get3A_2027 : vector<16xf32>
    %mul3A_2029 = arith.mulf %sub3A_2028, %sub3A_2028 : vector<16xf32>
    %gather3A_2030 = vector.shape_cast %reshape3A : vector<16x1xi32> to vector<16xi32>
    %gather3A_2031 = tpu.dynamic_gather %mul3A_2029[%gather3A_2030] in [0] : vector<16xf32>, vector<16xi32> -> vector<16xf32>
    %add3A_2032 = arith.addf %mul3A_2029, %gather3A_2031 : vector<16xf32>
    %get3A_2033 = arith.constant 1 : i32
    %get3A_2034 = arith.index_cast %get3A_2033 : i32 to index
    %get3A_2035 = arith.constant 752 : index
    %get3A_2036 = tpu.vector_load %arg6[%get3A_2034, %get3A_2035] {strides = array<i32>} : memref<4x1024xf32, #tpu.memory_space<vmem>>, vector<1x16xf32>,
    %get3A_2037 = vector.shape_cast %get3A_2036 : vector<1x16xf32> to vector<16xf32>
    %sub3A_2038 = arith.subf %get3A_2022, %get3A_2037 : vector<16xf32>
    %mul3A_2039 = arith.mulf %sub3A_2038, %sub3A_2038 : vector<16xf32>
    %gather3A_2040 = vector.shape_cast %reshape3A : vector<16x1xi32> to vector<16xi32>
    %gather3A_2041 = tpu.dynamic_gather %mul3A_2039[%gather3A_2040] in [0] : vector<16xf32>, vector<16xi32> -> vector<16xf32>
    %add3A_2042 = arith.addf %mul3A_2039, %gather3A_2041 : vector<16xf32>
    %lt3A_2043 = arith.cmpf olt, %add3A_2042, %add3A_2032 : vector<16xf32>
    %get3A_2044 = arith.constant 3 : i32
    %get3A_2045 = arith.index_cast %get3A_2044 : i32 to index
    %get3A_2046 = arith.constant 752 : index
    %get3A_2047 = tpu.vector_load %arg6[%get3A_2045, %get3A_2046] {strides = array<i32>} : memref<4x1024xf32, #tpu.memory_space<vmem>>, vector<1x16xf32>,
    %get3A_2048 = vector.shape_cast %get3A_2047 : vector<1x16xf32> to vector<16xf32>
    %get3A_2049 = arith.constant 2 : i32
    %get3A_2050 = arith.index_cast %get3A_2049 : i32 to index
    %get3A_2051 = arith.constant 752 : index
    %get3A_2052 = tpu.vector_load %arg6[%get3A_2050, %get3A_2051] {strides = array<i32>} : memref<4x1024xf32, #tpu.memory_space<vmem>>, vector<1x16xf32>,
    %get3A_2053 = vector.shape_cast %get3A_2052 : vector<1x16xf32> to vector<16xf32>
    %select_n3A_2054 = arith.select %lt3A_2043, %get3A_2048, %get3A_2053 : vector<16xi1>, vector<16xf32>
    %swap3A_2055 = arith.constant 0 : i32
    %swap3A_2056 = arith.index_cast %swap3A_2055 : i32 to index
    %swap3A_2057 = arith.constant 752 : index
    %swap3A_2058 = tpu.vector_load %arg7[%swap3A_2056, %swap3A_2057] {strides = array<i32>} : memref<1x1024xf32, #tpu.memory_space<vmem>>, vector<1x16xf32>,
    %swap3A_2059 = vector.shape_cast %swap3A_2058 : vector<1x16xf32> to vector<16xf32>
    %swap3A_2060 = vector.shape_cast %select_n3A_2054 : vector<16xf32> to vector<1x16xf32>
    tpu.vector_store %arg7[%swap3A_2056, %swap3A_2057], %swap3A_2060 {strides = array<i32>} : memref<1x1024xf32, #tpu.memory_space<vmem>>, vector<1x16xf32>,
    %get3A_2061 = arith.constant 0 : i32
    %get3A_2062 = arith.index_cast %get3A_2061 : i32 to index
    %get3A_2063 = arith.constant 768 : index
    %get3A_2064 = tpu.vector_load %arg5[%get3A_2062, %get3A_2063] {strides = array<i32>} : memref<1x1024xf32, #tpu.memory_space<vmem>>, vector<1x16xf32>,
    %get3A_2065 = vector.shape_cast %get3A_2064 : vector<1x16xf32> to vector<16xf32>
    %get3A_2066 = arith.constant 0 : i32
    %get3A_2067 = arith.index_cast %get3A_2066 : i32 to index
    %get3A_2068 = arith.constant 768 : index
    %get3A_2069 = tpu.vector_load %arg6[%get3A_2067, %get3A_2068] {strides = array<i32>} : memref<4x1024xf32, #tpu.memory_space<vmem>>, vector<1x16xf32>,
    %get3A_2070 = vector.shape_cast %get3A_2069 : vector<1x16xf32> to vector<16xf32>
    %sub3A_2071 = arith.subf %get3A_2065, %get3A_2070 : vector<16xf32>
    %mul3A_2072 = arith.mulf %sub3A_2071, %sub3A_2071 : vector<16xf32>
    %gather3A_2073 = vector.shape_cast %reshape3A : vector<16x1xi32> to vector<16xi32>
    %gather3A_2074 = tpu.dynamic_gather %mul3A_2072[%gather3A_2073] in [0] : vector<16xf32>, vector<16xi32> -> vector<16xf32>
    %add3A_2075 = arith.addf %mul3A_2072, %gather3A_2074 : vector<16xf32>
    %get3A_2076 = arith.constant 1 : i32
    %get3A_2077 = arith.index_cast %get3A_2076 : i32 to index
    %get3A_2078 = arith.constant 768 : index
    %get3A_2079 = tpu.vector_load %arg6[%get3A_2077, %get3A_2078] {strides = array<i32>} : memref<4x1024xf32, #tpu.memory_space<vmem>>, vector<1x16xf32>,
    %get3A_2080 = vector.shape_cast %get3A_2079 : vector<1x16xf32> to vector<16xf32>
    %sub3A_2081 = arith.subf %get3A_2065, %get3A_2080 : vector<16xf32>
    %mul3A_2082 = arith.mulf %sub3A_2081, %sub3A_2081 : vector<16xf32>
    %gather3A_2083 = vector.shape_cast %reshape3A : vector<16x1xi32> to vector<16xi32>
    %gather3A_2084 = tpu.dynamic_gather %mul3A_2082[%gather3A_2083] in [0] : vector<16xf32>, vector<16xi32> -> vector<16xf32>
    %add3A_2085 = arith.addf %mul3A_2082, %gather3A_2084 : vector<16xf32>
    %lt3A_2086 = arith.cmpf olt, %add3A_2085, %add3A_2075 : vector<16xf32>
    %get3A_2087 = arith.constant 3 : i32
    %get3A_2088 = arith.index_cast %get3A_2087 : i32 to index
    %get3A_2089 = arith.constant 768 : index
    %get3A_2090 = tpu.vector_load %arg6[%get3A_2088, %get3A_2089] {strides = array<i32>} : memref<4x1024xf32, #tpu.memory_space<vmem>>, vector<1x16xf32>,
    %get3A_2091 = vector.shape_cast %get3A_2090 : vector<1x16xf32> to vector<16xf32>
    %get3A_2092 = arith.constant 2 : i32
    %get3A_2093 = arith.index_cast %get3A_2092 : i32 to index
    %get3A_2094 = arith.constant 768 : index
    %get3A_2095 = tpu.vector_load %arg6[%get3A_2093, %get3A_2094] {strides = array<i32>} : memref<4x1024xf32, #tpu.memory_space<vmem>>, vector<1x16xf32>,
    %get3A_2096 = vector.shape_cast %get3A_2095 : vector<1x16xf32> to vector<16xf32>
    %select_n3A_2097 = arith.select %lt3A_2086, %get3A_2091, %get3A_2096 : vector<16xi1>, vector<16xf32>
    %swap3A_2098 = arith.constant 0 : i32
    %swap3A_2099 = arith.index_cast %swap3A_2098 : i32 to index
    %swap3A_2100 = arith.constant 768 : index
    %swap3A_2101 = tpu.vector_load %arg7[%swap3A_2099, %swap3A_2100] {strides = array<i32>} : memref<1x1024xf32, #tpu.memory_space<vmem>>, vector<1x16xf32>,
    %swap3A_2102 = vector.shape_cast %swap3A_2101 : vector<1x16xf32> to vector<16xf32>
    %swap3A_2103 = vector.shape_cast %select_n3A_2097 : vector<16xf32> to vector<1x16xf32>
    tpu.vector_store %arg7[%swap3A_2099, %swap3A_2100], %swap3A_2103 {strides = array<i32>} : memref<1x1024xf32, #tpu.memory_space<vmem>>, vector<1x16xf32>,
    %get3A_2104 = arith.constant 0 : i32
    %get3A_2105 = arith.index_cast %get3A_2104 : i32 to index
    %get3A_2106 = arith.constant 784 : index
    %get3A_2107 = tpu.vector_load %arg5[%get3A_2105, %get3A_2106] {strides = array<i32>} : memref<1x1024xf32, #tpu.memory_space<vmem>>, vector<1x16xf32>,
    %get3A_2108 = vector.shape_cast %get3A_2107 : vector<1x16xf32> to vector<16xf32>
    %get3A_2109 = arith.constant 0 : i32
    %get3A_2110 = arith.index_cast %get3A_2109 : i32 to index
    %get3A_2111 = arith.constant 784 : index
    %get3A_2112 = tpu.vector_load %arg6[%get3A_2110, %get3A_2111] {strides = array<i32>} : memref<4x1024xf32, #tpu.memory_space<vmem>>, vector<1x16xf32>,
    %get3A_2113 = vector.shape_cast %get3A_2112 : vector<1x16xf32> to vector<16xf32>
    %sub3A_2114 = arith.subf %get3A_2108, %get3A_2113 : vector<16xf32>
    %mul3A_2115 = arith.mulf %sub3A_2114, %sub3A_2114 : vector<16xf32>
    %gather3A_2116 = vector.shape_cast %reshape3A : vector<16x1xi32> to vector<16xi32>
    %gather3A_2117 = tpu.dynamic_gather %mul3A_2115[%gather3A_2116] in [0] : vector<16xf32>, vector<16xi32> -> vector<16xf32>
    %add3A_2118 = arith.addf %mul3A_2115, %gather3A_2117 : vector<16xf32>
    %get3A_2119 = arith.constant 1 : i32
    %get3A_2120 = arith.index_cast %get3A_2119 : i32 to index
    %get3A_2121 = arith.constant 784 : index
    %get3A_2122 = tpu.vector_load %arg6[%get3A_2120, %get3A_2121] {strides = array<i32>} : memref<4x1024xf32, #tpu.memory_space<vmem>>, vector<1x16xf32>,
    %get3A_2123 = vector.shape_cast %get3A_2122 : vector<1x16xf32> to vector<16xf32>
    %sub3A_2124 = arith.subf %get3A_2108, %get3A_2123 : vector<16xf32>
    %mul3A_2125 = arith.mulf %sub3A_2124, %sub3A_2124 : vector<16xf32>
    %gather3A_2126 = vector.shape_cast %reshape3A : vector<16x1xi32> to vector<16xi32>
    %gather3A_2127 = tpu.dynamic_gather %mul3A_2125[%gather3A_2126] in [0] : vector<16xf32>, vector<16xi32> -> vector<16xf32>
    %add3A_2128 = arith.addf %mul3A_2125, %gather3A_2127 : vector<16xf32>
    %lt3A_2129 = arith.cmpf olt, %add3A_2128, %add3A_2118 : vector<16xf32>
    %get3A_2130 = arith.constant 3 : i32
    %get3A_2131 = arith.index_cast %get3A_2130 : i32 to index
    %get3A_2132 = arith.constant 784 : index
    %get3A_2133 = tpu.vector_load %arg6[%get3A_2131, %get3A_2132] {strides = array<i32>} : memref<4x1024xf32, #tpu.memory_space<vmem>>, vector<1x16xf32>,
    %get3A_2134 = vector.shape_cast %get3A_2133 : vector<1x16xf32> to vector<16xf32>
    %get3A_2135 = arith.constant 2 : i32
    %get3A_2136 = arith.index_cast %get3A_2135 : i32 to index
    %get3A_2137 = arith.constant 784 : index
    %get3A_2138 = tpu.vector_load %arg6[%get3A_2136, %get3A_2137] {strides = array<i32>} : memref<4x1024xf32, #tpu.memory_space<vmem>>, vector<1x16xf32>,
    %get3A_2139 = vector.shape_cast %get3A_2138 : vector<1x16xf32> to vector<16xf32>
    %select_n3A_2140 = arith.select %lt3A_2129, %get3A_2134, %get3A_2139 : vector<16xi1>, vector<16xf32>
    %swap3A_2141 = arith.constant 0 : i32
    %swap3A_2142 = arith.index_cast %swap3A_2141 : i32 to index
    %swap3A_2143 = arith.constant 784 : index
    %swap3A_2144 = tpu.vector_load %arg7[%swap3A_2142, %swap3A_2143] {strides = array<i32>} : memref<1x1024xf32, #tpu.memory_space<vmem>>, vector<1x16xf32>,
    %swap3A_2145 = vector.shape_cast %swap3A_2144 : vector<1x16xf32> to vector<16xf32>
    %swap3A_2146 = vector.shape_cast %select_n3A_2140 : vector<16xf32> to vector<1x16xf32>
    tpu.vector_store %arg7[%swap3A_2142, %swap3A_2143], %swap3A_2146 {strides = array<i32>} : memref<1x1024xf32, #tpu.memory_space<vmem>>, vector<1x16xf32>,
    %get3A_2147 = arith.constant 0 : i32
    %get3A_2148 = arith.index_cast %get3A_2147 : i32 to index
    %get3A_2149 = arith.constant 800 : index
    %get3A_2150 = tpu.vector_load %arg5[%get3A_2148, %get3A_2149] {strides = array<i32>} : memref<1x1024xf32, #tpu.memory_space<vmem>>, vector<1x16xf32>,
    %get3A_2151 = vector.shape_cast %get3A_2150 : vector<1x16xf32> to vector<16xf32>
    %get3A_2152 = arith.constant 0 : i32
    %get3A_2153 = arith.index_cast %get3A_2152 : i32 to index
    %get3A_2154 = arith.constant 800 : index
    %get3A_2155 = tpu.vector_load %arg6[%get3A_2153, %get3A_2154] {strides = array<i32>} : memref<4x1024xf32, #tpu.memory_space<vmem>>, vector<1x16xf32>,
    %get3A_2156 = vector.shape_cast %get3A_2155 : vector<1x16xf32> to vector<16xf32>
    %sub3A_2157 = arith.subf %get3A_2151, %get3A_2156 : vector<16xf32>
    %mul3A_2158 = arith.mulf %sub3A_2157, %sub3A_2157 : vector<16xf32>
    %gather3A_2159 = vector.shape_cast %reshape3A : vector<16x1xi32> to vector<16xi32>
    %gather3A_2160 = tpu.dynamic_gather %mul3A_2158[%gather3A_2159] in [0] : vector<16xf32>, vector<16xi32> -> vector<16xf32>
    %add3A_2161 = arith.addf %mul3A_2158, %gather3A_2160 : vector<16xf32>
    %get3A_2162 = arith.constant 1 : i32
    %get3A_2163 = arith.index_cast %get3A_2162 : i32 to index
    %get3A_2164 = arith.constant 800 : index
    %get3A_2165 = tpu.vector_load %arg6[%get3A_2163, %get3A_2164] {strides = array<i32>} : memref<4x1024xf32, #tpu.memory_space<vmem>>, vector<1x16xf32>,
    %get3A_2166 = vector.shape_cast %get3A_2165 : vector<1x16xf32> to vector<16xf32>
    %sub3A_2167 = arith.subf %get3A_2151, %get3A_2166 : vector<16xf32>
    %mul3A_2168 = arith.mulf %sub3A_2167, %sub3A_2167 : vector<16xf32>
    %gather3A_2169 = vector.shape_cast %reshape3A : vector<16x1xi32> to vector<16xi32>
    %gather3A_2170 = tpu.dynamic_gather %mul3A_2168[%gather3A_2169] in [0] : vector<16xf32>, vector<16xi32> -> vector<16xf32>
    %add3A_2171 = arith.addf %mul3A_2168, %gather3A_2170 : vector<16xf32>
    %lt3A_2172 = arith.cmpf olt, %add3A_2171, %add3A_2161 : vector<16xf32>
    %get3A_2173 = arith.constant 3 : i32
    %get3A_2174 = arith.index_cast %get3A_2173 : i32 to index
    %get3A_2175 = arith.constant 800 : index
    %get3A_2176 = tpu.vector_load %arg6[%get3A_2174, %get3A_2175] {strides = array<i32>} : memref<4x1024xf32, #tpu.memory_space<vmem>>, vector<1x16xf32>,
    %get3A_2177 = vector.shape_cast %get3A_2176 : vector<1x16xf32> to vector<16xf32>
    %get3A_2178 = arith.constant 2 : i32
    %get3A_2179 = arith.index_cast %get3A_2178 : i32 to index
    %get3A_2180 = arith.constant 800 : index
    %get3A_2181 = tpu.vector_load %arg6[%get3A_2179, %get3A_2180] {strides = array<i32>} : memref<4x1024xf32, #tpu.memory_space<vmem>>, vector<1x16xf32>,
    %get3A_2182 = vector.shape_cast %get3A_2181 : vector<1x16xf32> to vector<16xf32>
    %select_n3A_2183 = arith.select %lt3A_2172, %get3A_2177, %get3A_2182 : vector<16xi1>, vector<16xf32>
    %swap3A_2184 = arith.constant 0 : i32
    %swap3A_2185 = arith.index_cast %swap3A_2184 : i32 to index
    %swap3A_2186 = arith.constant 800 : index
    %swap3A_2187 = tpu.vector_load %arg7[%swap3A_2185, %swap3A_2186] {strides = array<i32>} : memref<1x1024xf32, #tpu.memory_space<vmem>>, vector<1x16xf32>,
    %swap3A_2188 = vector.shape_cast %swap3A_2187 : vector<1x16xf32> to vector<16xf32>
    %swap3A_2189 = vector.shape_cast %select_n3A_2183 : vector<16xf32> to vector<1x16xf32>
    tpu.vector_store %arg7[%swap3A_2185, %swap3A_2186], %swap3A_2189 {strides = array<i32>} : memref<1x1024xf32, #tpu.memory_space<vmem>>, vector<1x16xf32>,
    %get3A_2190 = arith.constant 0 : i32
    %get3A_2191 = arith.index_cast %get3A_2190 : i32 to index
    %get3A_2192 = arith.constant 816 : index
    %get3A_2193 = tpu.vector_load %arg5[%get3A_2191, %get3A_2192] {strides = array<i32>} : memref<1x1024xf32, #tpu.memory_space<vmem>>, vector<1x16xf32>,
    %get3A_2194 = vector.shape_cast %get3A_2193 : vector<1x16xf32> to vector<16xf32>
    %get3A_2195 = arith.constant 0 : i32
    %get3A_2196 = arith.index_cast %get3A_2195 : i32 to index
    %get3A_2197 = arith.constant 816 : index
    %get3A_2198 = tpu.vector_load %arg6[%get3A_2196, %get3A_2197] {strides = array<i32>} : memref<4x1024xf32, #tpu.memory_space<vmem>>, vector<1x16xf32>,
    %get3A_2199 = vector.shape_cast %get3A_2198 : vector<1x16xf32> to vector<16xf32>
    %sub3A_2200 = arith.subf %get3A_2194, %get3A_2199 : vector<16xf32>
    %mul3A_2201 = arith.mulf %sub3A_2200, %sub3A_2200 : vector<16xf32>
    %gather3A_2202 = vector.shape_cast %reshape3A : vector<16x1xi32> to vector<16xi32>
    %gather3A_2203 = tpu.dynamic_gather %mul3A_2201[%gather3A_2202] in [0] : vector<16xf32>, vector<16xi32> -> vector<16xf32>
    %add3A_2204 = arith.addf %mul3A_2201, %gather3A_2203 : vector<16xf32>
    %get3A_2205 = arith.constant 1 : i32
    %get3A_2206 = arith.index_cast %get3A_2205 : i32 to index
    %get3A_2207 = arith.constant 816 : index
    %get3A_2208 = tpu.vector_load %arg6[%get3A_2206, %get3A_2207] {strides = array<i32>} : memref<4x1024xf32, #tpu.memory_space<vmem>>, vector<1x16xf32>,
    %get3A_2209 = vector.shape_cast %get3A_2208 : vector<1x16xf32> to vector<16xf32>
    %sub3A_2210 = arith.subf %get3A_2194, %get3A_2209 : vector<16xf32>
    %mul3A_2211 = arith.mulf %sub3A_2210, %sub3A_2210 : vector<16xf32>
    %gather3A_2212 = vector.shape_cast %reshape3A : vector<16x1xi32> to vector<16xi32>
    %gather3A_2213 = tpu.dynamic_gather %mul3A_2211[%gather3A_2212] in [0] : vector<16xf32>, vector<16xi32> -> vector<16xf32>
    %add3A_2214 = arith.addf %mul3A_2211, %gather3A_2213 : vector<16xf32>
    %lt3A_2215 = arith.cmpf olt, %add3A_2214, %add3A_2204 : vector<16xf32>
    %get3A_2216 = arith.constant 3 : i32
    %get3A_2217 = arith.index_cast %get3A_2216 : i32 to index
    %get3A_2218 = arith.constant 816 : index
    %get3A_2219 = tpu.vector_load %arg6[%get3A_2217, %get3A_2218] {strides = array<i32>} : memref<4x1024xf32, #tpu.memory_space<vmem>>, vector<1x16xf32>,
    %get3A_2220 = vector.shape_cast %get3A_2219 : vector<1x16xf32> to vector<16xf32>
    %get3A_2221 = arith.constant 2 : i32
    %get3A_2222 = arith.index_cast %get3A_2221 : i32 to index
    %get3A_2223 = arith.constant 816 : index
    %get3A_2224 = tpu.vector_load %arg6[%get3A_2222, %get3A_2223] {strides = array<i32>} : memref<4x1024xf32, #tpu.memory_space<vmem>>, vector<1x16xf32>,
    %get3A_2225 = vector.shape_cast %get3A_2224 : vector<1x16xf32> to vector<16xf32>
    %select_n3A_2226 = arith.select %lt3A_2215, %get3A_2220, %get3A_2225 : vector<16xi1>, vector<16xf32>
    %swap3A_2227 = arith.constant 0 : i32
    %swap3A_2228 = arith.index_cast %swap3A_2227 : i32 to index
    %swap3A_2229 = arith.constant 816 : index
    %swap3A_2230 = tpu.vector_load %arg7[%swap3A_2228, %swap3A_2229] {strides = array<i32>} : memref<1x1024xf32, #tpu.memory_space<vmem>>, vector<1x16xf32>,
    %swap3A_2231 = vector.shape_cast %swap3A_2230 : vector<1x16xf32> to vector<16xf32>
    %swap3A_2232 = vector.shape_cast %select_n3A_2226 : vector<16xf32> to vector<1x16xf32>
    tpu.vector_store %arg7[%swap3A_2228, %swap3A_2229], %swap3A_2232 {strides = array<i32>} : memref<1x1024xf32, #tpu.memory_space<vmem>>, vector<1x16xf32>,
    %get3A_2233 = arith.constant 0 : i32
    %get3A_2234 = arith.index_cast %get3A_2233 : i32 to index
    %get3A_2235 = arith.constant 832 : index
    %get3A_2236 = tpu.vector_load %arg5[%get3A_2234, %get3A_2235] {strides = array<i32>} : memref<1x1024xf32, #tpu.memory_space<vmem>>, vector<1x16xf32>,
    %get3A_2237 = vector.shape_cast %get3A_2236 : vector<1x16xf32> to vector<16xf32>
    %get3A_2238 = arith.constant 0 : i32
    %get3A_2239 = arith.index_cast %get3A_2238 : i32 to index
    %get3A_2240 = arith.constant 832 : index
    %get3A_2241 = tpu.vector_load %arg6[%get3A_2239, %get3A_2240] {strides = array<i32>} : memref<4x1024xf32, #tpu.memory_space<vmem>>, vector<1x16xf32>,
    %get3A_2242 = vector.shape_cast %get3A_2241 : vector<1x16xf32> to vector<16xf32>
    %sub3A_2243 = arith.subf %get3A_2237, %get3A_2242 : vector<16xf32>
    %mul3A_2244 = arith.mulf %sub3A_2243, %sub3A_2243 : vector<16xf32>
    %gather3A_2245 = vector.shape_cast %reshape3A : vector<16x1xi32> to vector<16xi32>
    %gather3A_2246 = tpu.dynamic_gather %mul3A_2244[%gather3A_2245] in [0] : vector<16xf32>, vector<16xi32> -> vector<16xf32>
    %add3A_2247 = arith.addf %mul3A_2244, %gather3A_2246 : vector<16xf32>
    %get3A_2248 = arith.constant 1 : i32
    %get3A_2249 = arith.index_cast %get3A_2248 : i32 to index
    %get3A_2250 = arith.constant 832 : index
    %get3A_2251 = tpu.vector_load %arg6[%get3A_2249, %get3A_2250] {strides = array<i32>} : memref<4x1024xf32, #tpu.memory_space<vmem>>, vector<1x16xf32>,
    %get3A_2252 = vector.shape_cast %get3A_2251 : vector<1x16xf32> to vector<16xf32>
    %sub3A_2253 = arith.subf %get3A_2237, %get3A_2252 : vector<16xf32>
    %mul3A_2254 = arith.mulf %sub3A_2253, %sub3A_2253 : vector<16xf32>
    %gather3A_2255 = vector.shape_cast %reshape3A : vector<16x1xi32> to vector<16xi32>
    %gather3A_2256 = tpu.dynamic_gather %mul3A_2254[%gather3A_2255] in [0] : vector<16xf32>, vector<16xi32> -> vector<16xf32>
    %add3A_2257 = arith.addf %mul3A_2254, %gather3A_2256 : vector<16xf32>
    %lt3A_2258 = arith.cmpf olt, %add3A_2257, %add3A_2247 : vector<16xf32>
    %get3A_2259 = arith.constant 3 : i32
    %get3A_2260 = arith.index_cast %get3A_2259 : i32 to index
    %get3A_2261 = arith.constant 832 : index
    %get3A_2262 = tpu.vector_load %arg6[%get3A_2260, %get3A_2261] {strides = array<i32>} : memref<4x1024xf32, #tpu.memory_space<vmem>>, vector<1x16xf32>,
    %get3A_2263 = vector.shape_cast %get3A_2262 : vector<1x16xf32> to vector<16xf32>
    %get3A_2264 = arith.constant 2 : i32
    %get3A_2265 = arith.index_cast %get3A_2264 : i32 to index
    %get3A_2266 = arith.constant 832 : index
    %get3A_2267 = tpu.vector_load %arg6[%get3A_2265, %get3A_2266] {strides = array<i32>} : memref<4x1024xf32, #tpu.memory_space<vmem>>, vector<1x16xf32>,
    %get3A_2268 = vector.shape_cast %get3A_2267 : vector<1x16xf32> to vector<16xf32>
    %select_n3A_2269 = arith.select %lt3A_2258, %get3A_2263, %get3A_2268 : vector<16xi1>, vector<16xf32>
    %swap3A_2270 = arith.constant 0 : i32
    %swap3A_2271 = arith.index_cast %swap3A_2270 : i32 to index
    %swap3A_2272 = arith.constant 832 : index
    %swap3A_2273 = tpu.vector_load %arg7[%swap3A_2271, %swap3A_2272] {strides = array<i32>} : memref<1x1024xf32, #tpu.memory_space<vmem>>, vector<1x16xf32>,
    %swap3A_2274 = vector.shape_cast %swap3A_2273 : vector<1x16xf32> to vector<16xf32>
    %swap3A_2275 = vector.shape_cast %select_n3A_2269 : vector<16xf32> to vector<1x16xf32>
    tpu.vector_store %arg7[%swap3A_2271, %swap3A_2272], %swap3A_2275 {strides = array<i32>} : memref<1x1024xf32, #tpu.memory_space<vmem>>, vector<1x16xf32>,
    %get3A_2276 = arith.constant 0 : i32
    %get3A_2277 = arith.index_cast %get3A_2276 : i32 to index
    %get3A_2278 = arith.constant 848 : index
    %get3A_2279 = tpu.vector_load %arg5[%get3A_2277, %get3A_2278] {strides = array<i32>} : memref<1x1024xf32, #tpu.memory_space<vmem>>, vector<1x16xf32>,
    %get3A_2280 = vector.shape_cast %get3A_2279 : vector<1x16xf32> to vector<16xf32>
    %get3A_2281 = arith.constant 0 : i32
    %get3A_2282 = arith.index_cast %get3A_2281 : i32 to index
    %get3A_2283 = arith.constant 848 : index
    %get3A_2284 = tpu.vector_load %arg6[%get3A_2282, %get3A_2283] {strides = array<i32>} : memref<4x1024xf32, #tpu.memory_space<vmem>>, vector<1x16xf32>,
    %get3A_2285 = vector.shape_cast %get3A_2284 : vector<1x16xf32> to vector<16xf32>
    %sub3A_2286 = arith.subf %get3A_2280, %get3A_2285 : vector<16xf32>
    %mul3A_2287 = arith.mulf %sub3A_2286, %sub3A_2286 : vector<16xf32>
    %gather3A_2288 = vector.shape_cast %reshape3A : vector<16x1xi32> to vector<16xi32>
    %gather3A_2289 = tpu.dynamic_gather %mul3A_2287[%gather3A_2288] in [0] : vector<16xf32>, vector<16xi32> -> vector<16xf32>
    %add3A_2290 = arith.addf %mul3A_2287, %gather3A_2289 : vector<16xf32>
    %get3A_2291 = arith.constant 1 : i32
    %get3A_2292 = arith.index_cast %get3A_2291 : i32 to index
    %get3A_2293 = arith.constant 848 : index
    %get3A_2294 = tpu.vector_load %arg6[%get3A_2292, %get3A_2293] {strides = array<i32>} : memref<4x1024xf32, #tpu.memory_space<vmem>>, vector<1x16xf32>,
    %get3A_2295 = vector.shape_cast %get3A_2294 : vector<1x16xf32> to vector<16xf32>
    %sub3A_2296 = arith.subf %get3A_2280, %get3A_2295 : vector<16xf32>
    %mul3A_2297 = arith.mulf %sub3A_2296, %sub3A_2296 : vector<16xf32>
    %gather3A_2298 = vector.shape_cast %reshape3A : vector<16x1xi32> to vector<16xi32>
    %gather3A_2299 = tpu.dynamic_gather %mul3A_2297[%gather3A_2298] in [0] : vector<16xf32>, vector<16xi32> -> vector<16xf32>
    %add3A_2300 = arith.addf %mul3A_2297, %gather3A_2299 : vector<16xf32>
    %lt3A_2301 = arith.cmpf olt, %add3A_2300, %add3A_2290 : vector<16xf32>
    %get3A_2302 = arith.constant 3 : i32
    %get3A_2303 = arith.index_cast %get3A_2302 : i32 to index
    %get3A_2304 = arith.constant 848 : index
    %get3A_2305 = tpu.vector_load %arg6[%get3A_2303, %get3A_2304] {strides = array<i32>} : memref<4x1024xf32, #tpu.memory_space<vmem>>, vector<1x16xf32>,
    %get3A_2306 = vector.shape_cast %get3A_2305 : vector<1x16xf32> to vector<16xf32>
    %get3A_2307 = arith.constant 2 : i32
    %get3A_2308 = arith.index_cast %get3A_2307 : i32 to index
    %get3A_2309 = arith.constant 848 : index
    %get3A_2310 = tpu.vector_load %arg6[%get3A_2308, %get3A_2309] {strides = array<i32>} : memref<4x1024xf32, #tpu.memory_space<vmem>>, vector<1x16xf32>,
    %get3A_2311 = vector.shape_cast %get3A_2310 : vector<1x16xf32> to vector<16xf32>
    %select_n3A_2312 = arith.select %lt3A_2301, %get3A_2306, %get3A_2311 : vector<16xi1>, vector<16xf32>
    %swap3A_2313 = arith.constant 0 : i32
    %swap3A_2314 = arith.index_cast %swap3A_2313 : i32 to index
    %swap3A_2315 = arith.constant 848 : index
    %swap3A_2316 = tpu.vector_load %arg7[%swap3A_2314, %swap3A_2315] {strides = array<i32>} : memref<1x1024xf32, #tpu.memory_space<vmem>>, vector<1x16xf32>,
    %swap3A_2317 = vector.shape_cast %swap3A_2316 : vector<1x16xf32> to vector<16xf32>
    %swap3A_2318 = vector.shape_cast %select_n3A_2312 : vector<16xf32> to vector<1x16xf32>
    tpu.vector_store %arg7[%swap3A_2314, %swap3A_2315], %swap3A_2318 {strides = array<i32>} : memref<1x1024xf32, #tpu.memory_space<vmem>>, vector<1x16xf32>,
    %get3A_2319 = arith.constant 0 : i32
    %get3A_2320 = arith.index_cast %get3A_2319 : i32 to index
    %get3A_2321 = arith.constant 864 : index
    %get3A_2322 = tpu.vector_load %arg5[%get3A_2320, %get3A_2321] {strides = array<i32>} : memref<1x1024xf32, #tpu.memory_space<vmem>>, vector<1x16xf32>,
    %get3A_2323 = vector.shape_cast %get3A_2322 : vector<1x16xf32> to vector<16xf32>
    %get3A_2324 = arith.constant 0 : i32
    %get3A_2325 = arith.index_cast %get3A_2324 : i32 to index
    %get3A_2326 = arith.constant 864 : index
    %get3A_2327 = tpu.vector_load %arg6[%get3A_2325, %get3A_2326] {strides = array<i32>} : memref<4x1024xf32, #tpu.memory_space<vmem>>, vector<1x16xf32>,
    %get3A_2328 = vector.shape_cast %get3A_2327 : vector<1x16xf32> to vector<16xf32>
    %sub3A_2329 = arith.subf %get3A_2323, %get3A_2328 : vector<16xf32>
    %mul3A_2330 = arith.mulf %sub3A_2329, %sub3A_2329 : vector<16xf32>
    %gather3A_2331 = vector.shape_cast %reshape3A : vector<16x1xi32> to vector<16xi32>
    %gather3A_2332 = tpu.dynamic_gather %mul3A_2330[%gather3A_2331] in [0] : vector<16xf32>, vector<16xi32> -> vector<16xf32>
    %add3A_2333 = arith.addf %mul3A_2330, %gather3A_2332 : vector<16xf32>
    %get3A_2334 = arith.constant 1 : i32
    %get3A_2335 = arith.index_cast %get3A_2334 : i32 to index
    %get3A_2336 = arith.constant 864 : index
    %get3A_2337 = tpu.vector_load %arg6[%get3A_2335, %get3A_2336] {strides = array<i32>} : memref<4x1024xf32, #tpu.memory_space<vmem>>, vector<1x16xf32>,
    %get3A_2338 = vector.shape_cast %get3A_2337 : vector<1x16xf32> to vector<16xf32>
    %sub3A_2339 = arith.subf %get3A_2323, %get3A_2338 : vector<16xf32>
    %mul3A_2340 = arith.mulf %sub3A_2339, %sub3A_2339 : vector<16xf32>
    %gather3A_2341 = vector.shape_cast %reshape3A : vector<16x1xi32> to vector<16xi32>
    %gather3A_2342 = tpu.dynamic_gather %mul3A_2340[%gather3A_2341] in [0] : vector<16xf32>, vector<16xi32> -> vector<16xf32>
    %add3A_2343 = arith.addf %mul3A_2340, %gather3A_2342 : vector<16xf32>
    %lt3A_2344 = arith.cmpf olt, %add3A_2343, %add3A_2333 : vector<16xf32>
    %get3A_2345 = arith.constant 3 : i32
    %get3A_2346 = arith.index_cast %get3A_2345 : i32 to index
    %get3A_2347 = arith.constant 864 : index
    %get3A_2348 = tpu.vector_load %arg6[%get3A_2346, %get3A_2347] {strides = array<i32>} : memref<4x1024xf32, #tpu.memory_space<vmem>>, vector<1x16xf32>,
    %get3A_2349 = vector.shape_cast %get3A_2348 : vector<1x16xf32> to vector<16xf32>
    %get3A_2350 = arith.constant 2 : i32
    %get3A_2351 = arith.index_cast %get3A_2350 : i32 to index
    %get3A_2352 = arith.constant 864 : index
    %get3A_2353 = tpu.vector_load %arg6[%get3A_2351, %get3A_2352] {strides = array<i32>} : memref<4x1024xf32, #tpu.memory_space<vmem>>, vector<1x16xf32>,
    %get3A_2354 = vector.shape_cast %get3A_2353 : vector<1x16xf32> to vector<16xf32>
    %select_n3A_2355 = arith.select %lt3A_2344, %get3A_2349, %get3A_2354 : vector<16xi1>, vector<16xf32>
    %swap3A_2356 = arith.constant 0 : i32
    %swap3A_2357 = arith.index_cast %swap3A_2356 : i32 to index
    %swap3A_2358 = arith.constant 864 : index
    %swap3A_2359 = tpu.vector_load %arg7[%swap3A_2357, %swap3A_2358] {strides = array<i32>} : memref<1x1024xf32, #tpu.memory_space<vmem>>, vector<1x16xf32>,
    %swap3A_2360 = vector.shape_cast %swap3A_2359 : vector<1x16xf32> to vector<16xf32>
    %swap3A_2361 = vector.shape_cast %select_n3A_2355 : vector<16xf32> to vector<1x16xf32>
    tpu.vector_store %arg7[%swap3A_2357, %swap3A_2358], %swap3A_2361 {strides = array<i32>} : memref<1x1024xf32, #tpu.memory_space<vmem>>, vector<1x16xf32>,
    %get3A_2362 = arith.constant 0 : i32
    %get3A_2363 = arith.index_cast %get3A_2362 : i32 to index
    %get3A_2364 = arith.constant 880 : index
    %get3A_2365 = tpu.vector_load %arg5[%get3A_2363, %get3A_2364] {strides = array<i32>} : memref<1x1024xf32, #tpu.memory_space<vmem>>, vector<1x16xf32>,
    %get3A_2366 = vector.shape_cast %get3A_2365 : vector<1x16xf32> to vector<16xf32>
    %get3A_2367 = arith.constant 0 : i32
    %get3A_2368 = arith.index_cast %get3A_2367 : i32 to index
    %get3A_2369 = arith.constant 880 : index
    %get3A_2370 = tpu.vector_load %arg6[%get3A_2368, %get3A_2369] {strides = array<i32>} : memref<4x1024xf32, #tpu.memory_space<vmem>>, vector<1x16xf32>,
    %get3A_2371 = vector.shape_cast %get3A_2370 : vector<1x16xf32> to vector<16xf32>
    %sub3A_2372 = arith.subf %get3A_2366, %get3A_2371 : vector<16xf32>
    %mul3A_2373 = arith.mulf %sub3A_2372, %sub3A_2372 : vector<16xf32>
    %gather3A_2374 = vector.shape_cast %reshape3A : vector<16x1xi32> to vector<16xi32>
    %gather3A_2375 = tpu.dynamic_gather %mul3A_2373[%gather3A_2374] in [0] : vector<16xf32>, vector<16xi32> -> vector<16xf32>
    %add3A_2376 = arith.addf %mul3A_2373, %gather3A_2375 : vector<16xf32>
    %get3A_2377 = arith.constant 1 : i32
    %get3A_2378 = arith.index_cast %get3A_2377 : i32 to index
    %get3A_2379 = arith.constant 880 : index
    %get3A_2380 = tpu.vector_load %arg6[%get3A_2378, %get3A_2379] {strides = array<i32>} : memref<4x1024xf32, #tpu.memory_space<vmem>>, vector<1x16xf32>,
    %get3A_2381 = vector.shape_cast %get3A_2380 : vector<1x16xf32> to vector<16xf32>
    %sub3A_2382 = arith.subf %get3A_2366, %get3A_2381 : vector<16xf32>
    %mul3A_2383 = arith.mulf %sub3A_2382, %sub3A_2382 : vector<16xf32>
    %gather3A_2384 = vector.shape_cast %reshape3A : vector<16x1xi32> to vector<16xi32>
    %gather3A_2385 = tpu.dynamic_gather %mul3A_2383[%gather3A_2384] in [0] : vector<16xf32>, vector<16xi32> -> vector<16xf32>
    %add3A_2386 = arith.addf %mul3A_2383, %gather3A_2385 : vector<16xf32>
    %lt3A_2387 = arith.cmpf olt, %add3A_2386, %add3A_2376 : vector<16xf32>
    %get3A_2388 = arith.constant 3 : i32
    %get3A_2389 = arith.index_cast %get3A_2388 : i32 to index
    %get3A_2390 = arith.constant 880 : index
    %get3A_2391 = tpu.vector_load %arg6[%get3A_2389, %get3A_2390] {strides = array<i32>} : memref<4x1024xf32, #tpu.memory_space<vmem>>, vector<1x16xf32>,
    %get3A_2392 = vector.shape_cast %get3A_2391 : vector<1x16xf32> to vector<16xf32>
    %get3A_2393 = arith.constant 2 : i32
    %get3A_2394 = arith.index_cast %get3A_2393 : i32 to index
    %get3A_2395 = arith.constant 880 : index
    %get3A_2396 = tpu.vector_load %arg6[%get3A_2394, %get3A_2395] {strides = array<i32>} : memref<4x1024xf32, #tpu.memory_space<vmem>>, vector<1x16xf32>,
    %get3A_2397 = vector.shape_cast %get3A_2396 : vector<1x16xf32> to vector<16xf32>
    %select_n3A_2398 = arith.select %lt3A_2387, %get3A_2392, %get3A_2397 : vector<16xi1>, vector<16xf32>
    %swap3A_2399 = arith.constant 0 : i32
    %swap3A_2400 = arith.index_cast %swap3A_2399 : i32 to index
    %swap3A_2401 = arith.constant 880 : index
    %swap3A_2402 = tpu.vector_load %arg7[%swap3A_2400, %swap3A_2401] {strides = array<i32>} : memref<1x1024xf32, #tpu.memory_space<vmem>>, vector<1x16xf32>,
    %swap3A_2403 = vector.shape_cast %swap3A_2402 : vector<1x16xf32> to vector<16xf32>
    %swap3A_2404 = vector.shape_cast %select_n3A_2398 : vector<16xf32> to vector<1x16xf32>
    tpu.vector_store %arg7[%swap3A_2400, %swap3A_2401], %swap3A_2404 {strides = array<i32>} : memref<1x1024xf32, #tpu.memory_space<vmem>>, vector<1x16xf32>,
    %get3A_2405 = arith.constant 0 : i32
    %get3A_2406 = arith.index_cast %get3A_2405 : i32 to index
    %get3A_2407 = arith.constant 896 : index
    %get3A_2408 = tpu.vector_load %arg5[%get3A_2406, %get3A_2407] {strides = array<i32>} : memref<1x1024xf32, #tpu.memory_space<vmem>>, vector<1x16xf32>,
    %get3A_2409 = vector.shape_cast %get3A_2408 : vector<1x16xf32> to vector<16xf32>
    %get3A_2410 = arith.constant 0 : i32
    %get3A_2411 = arith.index_cast %get3A_2410 : i32 to index
    %get3A_2412 = arith.constant 896 : index
    %get3A_2413 = tpu.vector_load %arg6[%get3A_2411, %get3A_2412] {strides = array<i32>} : memref<4x1024xf32, #tpu.memory_space<vmem>>, vector<1x16xf32>,
    %get3A_2414 = vector.shape_cast %get3A_2413 : vector<1x16xf32> to vector<16xf32>
    %sub3A_2415 = arith.subf %get3A_2409, %get3A_2414 : vector<16xf32>
    %mul3A_2416 = arith.mulf %sub3A_2415, %sub3A_2415 : vector<16xf32>
    %gather3A_2417 = vector.shape_cast %reshape3A : vector<16x1xi32> to vector<16xi32>
    %gather3A_2418 = tpu.dynamic_gather %mul3A_2416[%gather3A_2417] in [0] : vector<16xf32>, vector<16xi32> -> vector<16xf32>
    %add3A_2419 = arith.addf %mul3A_2416, %gather3A_2418 : vector<16xf32>
    %get3A_2420 = arith.constant 1 : i32
    %get3A_2421 = arith.index_cast %get3A_2420 : i32 to index
    %get3A_2422 = arith.constant 896 : index
    %get3A_2423 = tpu.vector_load %arg6[%get3A_2421, %get3A_2422] {strides = array<i32>} : memref<4x1024xf32, #tpu.memory_space<vmem>>, vector<1x16xf32>,
    %get3A_2424 = vector.shape_cast %get3A_2423 : vector<1x16xf32> to vector<16xf32>
    %sub3A_2425 = arith.subf %get3A_2409, %get3A_2424 : vector<16xf32>
    %mul3A_2426 = arith.mulf %sub3A_2425, %sub3A_2425 : vector<16xf32>
    %gather3A_2427 = vector.shape_cast %reshape3A : vector<16x1xi32> to vector<16xi32>
    %gather3A_2428 = tpu.dynamic_gather %mul3A_2426[%gather3A_2427] in [0] : vector<16xf32>, vector<16xi32> -> vector<16xf32>
    %add3A_2429 = arith.addf %mul3A_2426, %gather3A_2428 : vector<16xf32>
    %lt3A_2430 = arith.cmpf olt, %add3A_2429, %add3A_2419 : vector<16xf32>
    %get3A_2431 = arith.constant 3 : i32
    %get3A_2432 = arith.index_cast %get3A_2431 : i32 to index
    %get3A_2433 = arith.constant 896 : index
    %get3A_2434 = tpu.vector_load %arg6[%get3A_2432, %get3A_2433] {strides = array<i32>} : memref<4x1024xf32, #tpu.memory_space<vmem>>, vector<1x16xf32>,
    %get3A_2435 = vector.shape_cast %get3A_2434 : vector<1x16xf32> to vector<16xf32>
    %get3A_2436 = arith.constant 2 : i32
    %get3A_2437 = arith.index_cast %get3A_2436 : i32 to index
    %get3A_2438 = arith.constant 896 : index
    %get3A_2439 = tpu.vector_load %arg6[%get3A_2437, %get3A_2438] {strides = array<i32>} : memref<4x1024xf32, #tpu.memory_space<vmem>>, vector<1x16xf32>,
    %get3A_2440 = vector.shape_cast %get3A_2439 : vector<1x16xf32> to vector<16xf32>
    %select_n3A_2441 = arith.select %lt3A_2430, %get3A_2435, %get3A_2440 : vector<16xi1>, vector<16xf32>
    %swap3A_2442 = arith.constant 0 : i32
    %swap3A_2443 = arith.index_cast %swap3A_2442 : i32 to index
    %swap3A_2444 = arith.constant 896 : index
    %swap3A_2445 = tpu.vector_load %arg7[%swap3A_2443, %swap3A_2444] {strides = array<i32>} : memref<1x1024xf32, #tpu.memory_space<vmem>>, vector<1x16xf32>,
    %swap3A_2446 = vector.shape_cast %swap3A_2445 : vector<1x16xf32> to vector<16xf32>
    %swap3A_2447 = vector.shape_cast %select_n3A_2441 : vector<16xf32> to vector<1x16xf32>
    tpu.vector_store %arg7[%swap3A_2443, %swap3A_2444], %swap3A_2447 {strides = array<i32>} : memref<1x1024xf32, #tpu.memory_space<vmem>>, vector<1x16xf32>,
    %get3A_2448 = arith.constant 0 : i32
    %get3A_2449 = arith.index_cast %get3A_2448 : i32 to index
    %get3A_2450 = arith.constant 912 : index
    %get3A_2451 = tpu.vector_load %arg5[%get3A_2449, %get3A_2450] {strides = array<i32>} : memref<1x1024xf32, #tpu.memory_space<vmem>>, vector<1x16xf32>,
    %get3A_2452 = vector.shape_cast %get3A_2451 : vector<1x16xf32> to vector<16xf32>
    %get3A_2453 = arith.constant 0 : i32
    %get3A_2454 = arith.index_cast %get3A_2453 : i32 to index
    %get3A_2455 = arith.constant 912 : index
    %get3A_2456 = tpu.vector_load %arg6[%get3A_2454, %get3A_2455] {strides = array<i32>} : memref<4x1024xf32, #tpu.memory_space<vmem>>, vector<1x16xf32>,
    %get3A_2457 = vector.shape_cast %get3A_2456 : vector<1x16xf32> to vector<16xf32>
    %sub3A_2458 = arith.subf %get3A_2452, %get3A_2457 : vector<16xf32>
    %mul3A_2459 = arith.mulf %sub3A_2458, %sub3A_2458 : vector<16xf32>
    %gather3A_2460 = vector.shape_cast %reshape3A : vector<16x1xi32> to vector<16xi32>
    %gather3A_2461 = tpu.dynamic_gather %mul3A_2459[%gather3A_2460] in [0] : vector<16xf32>, vector<16xi32> -> vector<16xf32>
    %add3A_2462 = arith.addf %mul3A_2459, %gather3A_2461 : vector<16xf32>
    %get3A_2463 = arith.constant 1 : i32
    %get3A_2464 = arith.index_cast %get3A_2463 : i32 to index
    %get3A_2465 = arith.constant 912 : index
    %get3A_2466 = tpu.vector_load %arg6[%get3A_2464, %get3A_2465] {strides = array<i32>} : memref<4x1024xf32, #tpu.memory_space<vmem>>, vector<1x16xf32>,
    %get3A_2467 = vector.shape_cast %get3A_2466 : vector<1x16xf32> to vector<16xf32>
    %sub3A_2468 = arith.subf %get3A_2452, %get3A_2467 : vector<16xf32>
    %mul3A_2469 = arith.mulf %sub3A_2468, %sub3A_2468 : vector<16xf32>
    %gather3A_2470 = vector.shape_cast %reshape3A : vector<16x1xi32> to vector<16xi32>
    %gather3A_2471 = tpu.dynamic_gather %mul3A_2469[%gather3A_2470] in [0] : vector<16xf32>, vector<16xi32> -> vector<16xf32>
    %add3A_2472 = arith.addf %mul3A_2469, %gather3A_2471 : vector<16xf32>
    %lt3A_2473 = arith.cmpf olt, %add3A_2472, %add3A_2462 : vector<16xf32>
    %get3A_2474 = arith.constant 3 : i32
    %get3A_2475 = arith.index_cast %get3A_2474 : i32 to index
    %get3A_2476 = arith.constant 912 : index
    %get3A_2477 = tpu.vector_load %arg6[%get3A_2475, %get3A_2476] {strides = array<i32>} : memref<4x1024xf32, #tpu.memory_space<vmem>>, vector<1x16xf32>,
    %get3A_2478 = vector.shape_cast %get3A_2477 : vector<1x16xf32> to vector<16xf32>
    %get3A_2479 = arith.constant 2 : i32
    %get3A_2480 = arith.index_cast %get3A_2479 : i32 to index
    %get3A_2481 = arith.constant 912 : index
    %get3A_2482 = tpu.vector_load %arg6[%get3A_2480, %get3A_2481] {strides = array<i32>} : memref<4x1024xf32, #tpu.memory_space<vmem>>, vector<1x16xf32>,
    %get3A_2483 = vector.shape_cast %get3A_2482 : vector<1x16xf32> to vector<16xf32>
    %select_n3A_2484 = arith.select %lt3A_2473, %get3A_2478, %get3A_2483 : vector<16xi1>, vector<16xf32>
    %swap3A_2485 = arith.constant 0 : i32
    %swap3A_2486 = arith.index_cast %swap3A_2485 : i32 to index
    %swap3A_2487 = arith.constant 912 : index
    %swap3A_2488 = tpu.vector_load %arg7[%swap3A_2486, %swap3A_2487] {strides = array<i32>} : memref<1x1024xf32, #tpu.memory_space<vmem>>, vector<1x16xf32>,
    %swap3A_2489 = vector.shape_cast %swap3A_2488 : vector<1x16xf32> to vector<16xf32>
    %swap3A_2490 = vector.shape_cast %select_n3A_2484 : vector<16xf32> to vector<1x16xf32>
    tpu.vector_store %arg7[%swap3A_2486, %swap3A_2487], %swap3A_2490 {strides = array<i32>} : memref<1x1024xf32, #tpu.memory_space<vmem>>, vector<1x16xf32>,
    %get3A_2491 = arith.constant 0 : i32
    %get3A_2492 = arith.index_cast %get3A_2491 : i32 to index
    %get3A_2493 = arith.constant 928 : index
    %get3A_2494 = tpu.vector_load %arg5[%get3A_2492, %get3A_2493] {strides = array<i32>} : memref<1x1024xf32, #tpu.memory_space<vmem>>, vector<1x16xf32>,
    %get3A_2495 = vector.shape_cast %get3A_2494 : vector<1x16xf32> to vector<16xf32>
    %get3A_2496 = arith.constant 0 : i32
    %get3A_2497 = arith.index_cast %get3A_2496 : i32 to index
    %get3A_2498 = arith.constant 928 : index
    %get3A_2499 = tpu.vector_load %arg6[%get3A_2497, %get3A_2498] {strides = array<i32>} : memref<4x1024xf32, #tpu.memory_space<vmem>>, vector<1x16xf32>,
    %get3A_2500 = vector.shape_cast %get3A_2499 : vector<1x16xf32> to vector<16xf32>
    %sub3A_2501 = arith.subf %get3A_2495, %get3A_2500 : vector<16xf32>
    %mul3A_2502 = arith.mulf %sub3A_2501, %sub3A_2501 : vector<16xf32>
    %gather3A_2503 = vector.shape_cast %reshape3A : vector<16x1xi32> to vector<16xi32>
    %gather3A_2504 = tpu.dynamic_gather %mul3A_2502[%gather3A_2503] in [0] : vector<16xf32>, vector<16xi32> -> vector<16xf32>
    %add3A_2505 = arith.addf %mul3A_2502, %gather3A_2504 : vector<16xf32>
    %get3A_2506 = arith.constant 1 : i32
    %get3A_2507 = arith.index_cast %get3A_2506 : i32 to index
    %get3A_2508 = arith.constant 928 : index
    %get3A_2509 = tpu.vector_load %arg6[%get3A_2507, %get3A_2508] {strides = array<i32>} : memref<4x1024xf32, #tpu.memory_space<vmem>>, vector<1x16xf32>,
    %get3A_2510 = vector.shape_cast %get3A_2509 : vector<1x16xf32> to vector<16xf32>
    %sub3A_2511 = arith.subf %get3A_2495, %get3A_2510 : vector<16xf32>
    %mul3A_2512 = arith.mulf %sub3A_2511, %sub3A_2511 : vector<16xf32>
    %gather3A_2513 = vector.shape_cast %reshape3A : vector<16x1xi32> to vector<16xi32>
    %gather3A_2514 = tpu.dynamic_gather %mul3A_2512[%gather3A_2513] in [0] : vector<16xf32>, vector<16xi32> -> vector<16xf32>
    %add3A_2515 = arith.addf %mul3A_2512, %gather3A_2514 : vector<16xf32>
    %lt3A_2516 = arith.cmpf olt, %add3A_2515, %add3A_2505 : vector<16xf32>
    %get3A_2517 = arith.constant 3 : i32
    %get3A_2518 = arith.index_cast %get3A_2517 : i32 to index
    %get3A_2519 = arith.constant 928 : index
    %get3A_2520 = tpu.vector_load %arg6[%get3A_2518, %get3A_2519] {strides = array<i32>} : memref<4x1024xf32, #tpu.memory_space<vmem>>, vector<1x16xf32>,
    %get3A_2521 = vector.shape_cast %get3A_2520 : vector<1x16xf32> to vector<16xf32>
    %get3A_2522 = arith.constant 2 : i32
    %get3A_2523 = arith.index_cast %get3A_2522 : i32 to index
    %get3A_2524 = arith.constant 928 : index
    %get3A_2525 = tpu.vector_load %arg6[%get3A_2523, %get3A_2524] {strides = array<i32>} : memref<4x1024xf32, #tpu.memory_space<vmem>>, vector<1x16xf32>,
    %get3A_2526 = vector.shape_cast %get3A_2525 : vector<1x16xf32> to vector<16xf32>
    %select_n3A_2527 = arith.select %lt3A_2516, %get3A_2521, %get3A_2526 : vector<16xi1>, vector<16xf32>
    %swap3A_2528 = arith.constant 0 : i32
    %swap3A_2529 = arith.index_cast %swap3A_2528 : i32 to index
    %swap3A_2530 = arith.constant 928 : index
    %swap3A_2531 = tpu.vector_load %arg7[%swap3A_2529, %swap3A_2530] {strides = array<i32>} : memref<1x1024xf32, #tpu.memory_space<vmem>>, vector<1x16xf32>,
    %swap3A_2532 = vector.shape_cast %swap3A_2531 : vector<1x16xf32> to vector<16xf32>
    %swap3A_2533 = vector.shape_cast %select_n3A_2527 : vector<16xf32> to vector<1x16xf32>
    tpu.vector_store %arg7[%swap3A_2529, %swap3A_2530], %swap3A_2533 {strides = array<i32>} : memref<1x1024xf32, #tpu.memory_space<vmem>>, vector<1x16xf32>,
    %get3A_2534 = arith.constant 0 : i32
    %get3A_2535 = arith.index_cast %get3A_2534 : i32 to index
    %get3A_2536 = arith.constant 944 : index
    %get3A_2537 = tpu.vector_load %arg5[%get3A_2535, %get3A_2536] {strides = array<i32>} : memref<1x1024xf32, #tpu.memory_space<vmem>>, vector<1x16xf32>,
    %get3A_2538 = vector.shape_cast %get3A_2537 : vector<1x16xf32> to vector<16xf32>
    %get3A_2539 = arith.constant 0 : i32
    %get3A_2540 = arith.index_cast %get3A_2539 : i32 to index
    %get3A_2541 = arith.constant 944 : index
    %get3A_2542 = tpu.vector_load %arg6[%get3A_2540, %get3A_2541] {strides = array<i32>} : memref<4x1024xf32, #tpu.memory_space<vmem>>, vector<1x16xf32>,
    %get3A_2543 = vector.shape_cast %get3A_2542 : vector<1x16xf32> to vector<16xf32>
    %sub3A_2544 = arith.subf %get3A_2538, %get3A_2543 : vector<16xf32>
    %mul3A_2545 = arith.mulf %sub3A_2544, %sub3A_2544 : vector<16xf32>
    %gather3A_2546 = vector.shape_cast %reshape3A : vector<16x1xi32> to vector<16xi32>
    %gather3A_2547 = tpu.dynamic_gather %mul3A_2545[%gather3A_2546] in [0] : vector<16xf32>, vector<16xi32> -> vector<16xf32>
    %add3A_2548 = arith.addf %mul3A_2545, %gather3A_2547 : vector<16xf32>
    %get3A_2549 = arith.constant 1 : i32
    %get3A_2550 = arith.index_cast %get3A_2549 : i32 to index
    %get3A_2551 = arith.constant 944 : index
    %get3A_2552 = tpu.vector_load %arg6[%get3A_2550, %get3A_2551] {strides = array<i32>} : memref<4x1024xf32, #tpu.memory_space<vmem>>, vector<1x16xf32>,
    %get3A_2553 = vector.shape_cast %get3A_2552 : vector<1x16xf32> to vector<16xf32>
    %sub3A_2554 = arith.subf %get3A_2538, %get3A_2553 : vector<16xf32>
    %mul3A_2555 = arith.mulf %sub3A_2554, %sub3A_2554 : vector<16xf32>
    %gather3A_2556 = vector.shape_cast %reshape3A : vector<16x1xi32> to vector<16xi32>
    %gather3A_2557 = tpu.dynamic_gather %mul3A_2555[%gather3A_2556] in [0] : vector<16xf32>, vector<16xi32> -> vector<16xf32>
    %add3A_2558 = arith.addf %mul3A_2555, %gather3A_2557 : vector<16xf32>
    %lt3A_2559 = arith.cmpf olt, %add3A_2558, %add3A_2548 : vector<16xf32>
    %get3A_2560 = arith.constant 3 : i32
    %get3A_2561 = arith.index_cast %get3A_2560 : i32 to index
    %get3A_2562 = arith.constant 944 : index
    %get3A_2563 = tpu.vector_load %arg6[%get3A_2561, %get3A_2562] {strides = array<i32>} : memref<4x1024xf32, #tpu.memory_space<vmem>>, vector<1x16xf32>,
    %get3A_2564 = vector.shape_cast %get3A_2563 : vector<1x16xf32> to vector<16xf32>
    %get3A_2565 = arith.constant 2 : i32
    %get3A_2566 = arith.index_cast %get3A_2565 : i32 to index
    %get3A_2567 = arith.constant 944 : index
    %get3A_2568 = tpu.vector_load %arg6[%get3A_2566, %get3A_2567] {strides = array<i32>} : memref<4x1024xf32, #tpu.memory_space<vmem>>, vector<1x16xf32>,
    %get3A_2569 = vector.shape_cast %get3A_2568 : vector<1x16xf32> to vector<16xf32>
    %select_n3A_2570 = arith.select %lt3A_2559, %get3A_2564, %get3A_2569 : vector<16xi1>, vector<16xf32>
    %swap3A_2571 = arith.constant 0 : i32
    %swap3A_2572 = arith.index_cast %swap3A_2571 : i32 to index
    %swap3A_2573 = arith.constant 944 : index
    %swap3A_2574 = tpu.vector_load %arg7[%swap3A_2572, %swap3A_2573] {strides = array<i32>} : memref<1x1024xf32, #tpu.memory_space<vmem>>, vector<1x16xf32>,
    %swap3A_2575 = vector.shape_cast %swap3A_2574 : vector<1x16xf32> to vector<16xf32>
    %swap3A_2576 = vector.shape_cast %select_n3A_2570 : vector<16xf32> to vector<1x16xf32>
    tpu.vector_store %arg7[%swap3A_2572, %swap3A_2573], %swap3A_2576 {strides = array<i32>} : memref<1x1024xf32, #tpu.memory_space<vmem>>, vector<1x16xf32>,
    %get3A_2577 = arith.constant 0 : i32
    %get3A_2578 = arith.index_cast %get3A_2577 : i32 to index
    %get3A_2579 = arith.constant 960 : index
    %get3A_2580 = tpu.vector_load %arg5[%get3A_2578, %get3A_2579] {strides = array<i32>} : memref<1x1024xf32, #tpu.memory_space<vmem>>, vector<1x16xf32>,
    %get3A_2581 = vector.shape_cast %get3A_2580 : vector<1x16xf32> to vector<16xf32>
    %get3A_2582 = arith.constant 0 : i32
    %get3A_2583 = arith.index_cast %get3A_2582 : i32 to index
    %get3A_2584 = arith.constant 960 : index
    %get3A_2585 = tpu.vector_load %arg6[%get3A_2583, %get3A_2584] {strides = array<i32>} : memref<4x1024xf32, #tpu.memory_space<vmem>>, vector<1x16xf32>,
    %get3A_2586 = vector.shape_cast %get3A_2585 : vector<1x16xf32> to vector<16xf32>
    %sub3A_2587 = arith.subf %get3A_2581, %get3A_2586 : vector<16xf32>
    %mul3A_2588 = arith.mulf %sub3A_2587, %sub3A_2587 : vector<16xf32>
    %gather3A_2589 = vector.shape_cast %reshape3A : vector<16x1xi32> to vector<16xi32>
    %gather3A_2590 = tpu.dynamic_gather %mul3A_2588[%gather3A_2589] in [0] : vector<16xf32>, vector<16xi32> -> vector<16xf32>
    %add3A_2591 = arith.addf %mul3A_2588, %gather3A_2590 : vector<16xf32>
    %get3A_2592 = arith.constant 1 : i32
    %get3A_2593 = arith.index_cast %get3A_2592 : i32 to index
    %get3A_2594 = arith.constant 960 : index
    %get3A_2595 = tpu.vector_load %arg6[%get3A_2593, %get3A_2594] {strides = array<i32>} : memref<4x1024xf32, #tpu.memory_space<vmem>>, vector<1x16xf32>,
    %get3A_2596 = vector.shape_cast %get3A_2595 : vector<1x16xf32> to vector<16xf32>
    %sub3A_2597 = arith.subf %get3A_2581, %get3A_2596 : vector<16xf32>
    %mul3A_2598 = arith.mulf %sub3A_2597, %sub3A_2597 : vector<16xf32>
    %gather3A_2599 = vector.shape_cast %reshape3A : vector<16x1xi32> to vector<16xi32>
    %gather3A_2600 = tpu.dynamic_gather %mul3A_2598[%gather3A_2599] in [0] : vector<16xf32>, vector<16xi32> -> vector<16xf32>
    %add3A_2601 = arith.addf %mul3A_2598, %gather3A_2600 : vector<16xf32>
    %lt3A_2602 = arith.cmpf olt, %add3A_2601, %add3A_2591 : vector<16xf32>
    %get3A_2603 = arith.constant 3 : i32
    %get3A_2604 = arith.index_cast %get3A_2603 : i32 to index
    %get3A_2605 = arith.constant 960 : index
    %get3A_2606 = tpu.vector_load %arg6[%get3A_2604, %get3A_2605] {strides = array<i32>} : memref<4x1024xf32, #tpu.memory_space<vmem>>, vector<1x16xf32>,
    %get3A_2607 = vector.shape_cast %get3A_2606 : vector<1x16xf32> to vector<16xf32>
    %get3A_2608 = arith.constant 2 : i32
    %get3A_2609 = arith.index_cast %get3A_2608 : i32 to index
    %get3A_2610 = arith.constant 960 : index
    %get3A_2611 = tpu.vector_load %arg6[%get3A_2609, %get3A_2610] {strides = array<i32>} : memref<4x1024xf32, #tpu.memory_space<vmem>>, vector<1x16xf32>,
    %get3A_2612 = vector.shape_cast %get3A_2611 : vector<1x16xf32> to vector<16xf32>
    %select_n3A_2613 = arith.select %lt3A_2602, %get3A_2607, %get3A_2612 : vector<16xi1>, vector<16xf32>
    %swap3A_2614 = arith.constant 0 : i32
    %swap3A_2615 = arith.index_cast %swap3A_2614 : i32 to index
    %swap3A_2616 = arith.constant 960 : index
    %swap3A_2617 = tpu.vector_load %arg7[%swap3A_2615, %swap3A_2616] {strides = array<i32>} : memref<1x1024xf32, #tpu.memory_space<vmem>>, vector<1x16xf32>,
    %swap3A_2618 = vector.shape_cast %swap3A_2617 : vector<1x16xf32> to vector<16xf32>
    %swap3A_2619 = vector.shape_cast %select_n3A_2613 : vector<16xf32> to vector<1x16xf32>
    tpu.vector_store %arg7[%swap3A_2615, %swap3A_2616], %swap3A_2619 {strides = array<i32>} : memref<1x1024xf32, #tpu.memory_space<vmem>>, vector<1x16xf32>,
    %get3A_2620 = arith.constant 0 : i32
    %get3A_2621 = arith.index_cast %get3A_2620 : i32 to index
    %get3A_2622 = arith.constant 976 : index
    %get3A_2623 = tpu.vector_load %arg5[%get3A_2621, %get3A_2622] {strides = array<i32>} : memref<1x1024xf32, #tpu.memory_space<vmem>>, vector<1x16xf32>,
    %get3A_2624 = vector.shape_cast %get3A_2623 : vector<1x16xf32> to vector<16xf32>
    %get3A_2625 = arith.constant 0 : i32
    %get3A_2626 = arith.index_cast %get3A_2625 : i32 to index
    %get3A_2627 = arith.constant 976 : index
    %get3A_2628 = tpu.vector_load %arg6[%get3A_2626, %get3A_2627] {strides = array<i32>} : memref<4x1024xf32, #tpu.memory_space<vmem>>, vector<1x16xf32>,
    %get3A_2629 = vector.shape_cast %get3A_2628 : vector<1x16xf32> to vector<16xf32>
    %sub3A_2630 = arith.subf %get3A_2624, %get3A_2629 : vector<16xf32>
    %mul3A_2631 = arith.mulf %sub3A_2630, %sub3A_2630 : vector<16xf32>
    %gather3A_2632 = vector.shape_cast %reshape3A : vector<16x1xi32> to vector<16xi32>
    %gather3A_2633 = tpu.dynamic_gather %mul3A_2631[%gather3A_2632] in [0] : vector<16xf32>, vector<16xi32> -> vector<16xf32>
    %add3A_2634 = arith.addf %mul3A_2631, %gather3A_2633 : vector<16xf32>
    %get3A_2635 = arith.constant 1 : i32
    %get3A_2636 = arith.index_cast %get3A_2635 : i32 to index
    %get3A_2637 = arith.constant 976 : index
    %get3A_2638 = tpu.vector_load %arg6[%get3A_2636, %get3A_2637] {strides = array<i32>} : memref<4x1024xf32, #tpu.memory_space<vmem>>, vector<1x16xf32>,
    %get3A_2639 = vector.shape_cast %get3A_2638 : vector<1x16xf32> to vector<16xf32>
    %sub3A_2640 = arith.subf %get3A_2624, %get3A_2639 : vector<16xf32>
    %mul3A_2641 = arith.mulf %sub3A_2640, %sub3A_2640 : vector<16xf32>
    %gather3A_2642 = vector.shape_cast %reshape3A : vector<16x1xi32> to vector<16xi32>
    %gather3A_2643 = tpu.dynamic_gather %mul3A_2641[%gather3A_2642] in [0] : vector<16xf32>, vector<16xi32> -> vector<16xf32>
    %add3A_2644 = arith.addf %mul3A_2641, %gather3A_2643 : vector<16xf32>
    %lt3A_2645 = arith.cmpf olt, %add3A_2644, %add3A_2634 : vector<16xf32>
    %get3A_2646 = arith.constant 3 : i32
    %get3A_2647 = arith.index_cast %get3A_2646 : i32 to index
    %get3A_2648 = arith.constant 976 : index
    %get3A_2649 = tpu.vector_load %arg6[%get3A_2647, %get3A_2648] {strides = array<i32>} : memref<4x1024xf32, #tpu.memory_space<vmem>>, vector<1x16xf32>,
    %get3A_2650 = vector.shape_cast %get3A_2649 : vector<1x16xf32> to vector<16xf32>
    %get3A_2651 = arith.constant 2 : i32
    %get3A_2652 = arith.index_cast %get3A_2651 : i32 to index
    %get3A_2653 = arith.constant 976 : index
    %get3A_2654 = tpu.vector_load %arg6[%get3A_2652, %get3A_2653] {strides = array<i32>} : memref<4x1024xf32, #tpu.memory_space<vmem>>, vector<1x16xf32>,
    %get3A_2655 = vector.shape_cast %get3A_2654 : vector<1x16xf32> to vector<16xf32>
    %select_n3A_2656 = arith.select %lt3A_2645, %get3A_2650, %get3A_2655 : vector<16xi1>, vector<16xf32>
    %swap3A_2657 = arith.constant 0 : i32
    %swap3A_2658 = arith.index_cast %swap3A_2657 : i32 to index
    %swap3A_2659 = arith.constant 976 : index
    %swap3A_2660 = tpu.vector_load %arg7[%swap3A_2658, %swap3A_2659] {strides = array<i32>} : memref<1x1024xf32, #tpu.memory_space<vmem>>, vector<1x16xf32>,
    %swap3A_2661 = vector.shape_cast %swap3A_2660 : vector<1x16xf32> to vector<16xf32>
    %swap3A_2662 = vector.shape_cast %select_n3A_2656 : vector<16xf32> to vector<1x16xf32>
    tpu.vector_store %arg7[%swap3A_2658, %swap3A_2659], %swap3A_2662 {strides = array<i32>} : memref<1x1024xf32, #tpu.memory_space<vmem>>, vector<1x16xf32>,
    %get3A_2663 = arith.constant 0 : i32
    %get3A_2664 = arith.index_cast %get3A_2663 : i32 to index
    %get3A_2665 = arith.constant 992 : index
    %get3A_2666 = tpu.vector_load %arg5[%get3A_2664, %get3A_2665] {strides = array<i32>} : memref<1x1024xf32, #tpu.memory_space<vmem>>, vector<1x16xf32>,
    %get3A_2667 = vector.shape_cast %get3A_2666 : vector<1x16xf32> to vector<16xf32>
    %get3A_2668 = arith.constant 0 : i32
    %get3A_2669 = arith.index_cast %get3A_2668 : i32 to index
    %get3A_2670 = arith.constant 992 : index
    %get3A_2671 = tpu.vector_load %arg6[%get3A_2669, %get3A_2670] {strides = array<i32>} : memref<4x1024xf32, #tpu.memory_space<vmem>>, vector<1x16xf32>,
    %get3A_2672 = vector.shape_cast %get3A_2671 : vector<1x16xf32> to vector<16xf32>
    %sub3A_2673 = arith.subf %get3A_2667, %get3A_2672 : vector<16xf32>
    %mul3A_2674 = arith.mulf %sub3A_2673, %sub3A_2673 : vector<16xf32>
    %gather3A_2675 = vector.shape_cast %reshape3A : vector<16x1xi32> to vector<16xi32>
    %gather3A_2676 = tpu.dynamic_gather %mul3A_2674[%gather3A_2675] in [0] : vector<16xf32>, vector<16xi32> -> vector<16xf32>
    %add3A_2677 = arith.addf %mul3A_2674, %gather3A_2676 : vector<16xf32>
    %get3A_2678 = arith.constant 1 : i32
    %get3A_2679 = arith.index_cast %get3A_2678 : i32 to index
    %get3A_2680 = arith.constant 992 : index
    %get3A_2681 = tpu.vector_load %arg6[%get3A_2679, %get3A_2680] {strides = array<i32>} : memref<4x1024xf32, #tpu.memory_space<vmem>>, vector<1x16xf32>,
    %get3A_2682 = vector.shape_cast %get3A_2681 : vector<1x16xf32> to vector<16xf32>
    %sub3A_2683 = arith.subf %get3A_2667, %get3A_2682 : vector<16xf32>
    %mul3A_2684 = arith.mulf %sub3A_2683, %sub3A_2683 : vector<16xf32>
    %gather3A_2685 = vector.shape_cast %reshape3A : vector<16x1xi32> to vector<16xi32>
    %gather3A_2686 = tpu.dynamic_gather %mul3A_2684[%gather3A_2685] in [0] : vector<16xf32>, vector<16xi32> -> vector<16xf32>
    %add3A_2687 = arith.addf %mul3A_2684, %gather3A_2686 : vector<16xf32>
    %lt3A_2688 = arith.cmpf olt, %add3A_2687, %add3A_2677 : vector<16xf32>
    %get3A_2689 = arith.constant 3 : i32
    %get3A_2690 = arith.index_cast %get3A_2689 : i32 to index
    %get3A_2691 = arith.constant 992 : index
    %get3A_2692 = tpu.vector_load %arg6[%get3A_2690, %get3A_2691] {strides = array<i32>} : memref<4x1024xf32, #tpu.memory_space<vmem>>, vector<1x16xf32>,
    %get3A_2693 = vector.shape_cast %get3A_2692 : vector<1x16xf32> to vector<16xf32>
    %get3A_2694 = arith.constant 2 : i32
    %get3A_2695 = arith.index_cast %get3A_2694 : i32 to index
    %get3A_2696 = arith.constant 992 : index
    %get3A_2697 = tpu.vector_load %arg6[%get3A_2695, %get3A_2696] {strides = array<i32>} : memref<4x1024xf32, #tpu.memory_space<vmem>>, vector<1x16xf32>,
    %get3A_2698 = vector.shape_cast %get3A_2697 : vector<1x16xf32> to vector<16xf32>
    %select_n3A_2699 = arith.select %lt3A_2688, %get3A_2693, %get3A_2698 : vector<16xi1>, vector<16xf32>
    %swap3A_2700 = arith.constant 0 : i32
    %swap3A_2701 = arith.index_cast %swap3A_2700 : i32 to index
    %swap3A_2702 = arith.constant 992 : index
    %swap3A_2703 = tpu.vector_load %arg7[%swap3A_2701, %swap3A_2702] {strides = array<i32>} : memref<1x1024xf32, #tpu.memory_space<vmem>>, vector<1x16xf32>,
    %swap3A_2704 = vector.shape_cast %swap3A_2703 : vector<1x16xf32> to vector<16xf32>
    %swap3A_2705 = vector.shape_cast %select_n3A_2699 : vector<16xf32> to vector<1x16xf32>
    tpu.vector_store %arg7[%swap3A_2701, %swap3A_2702], %swap3A_2705 {strides = array<i32>} : memref<1x1024xf32, #tpu.memory_space<vmem>>, vector<1x16xf32>,
    %get3A_2706 = arith.constant 0 : i32
    %get3A_2707 = arith.index_cast %get3A_2706 : i32 to index
    %get3A_2708 = arith.constant 1008 : index
    %get3A_2709 = tpu.vector_load %arg5[%get3A_2707, %get3A_2708] {strides = array<i32>} : memref<1x1024xf32, #tpu.memory_space<vmem>>, vector<1x16xf32>,
    %get3A_2710 = vector.shape_cast %get3A_2709 : vector<1x16xf32> to vector<16xf32>
    %get3A_2711 = arith.constant 0 : i32
    %get3A_2712 = arith.index_cast %get3A_2711 : i32 to index
    %get3A_2713 = arith.constant 1008 : index
    %get3A_2714 = tpu.vector_load %arg6[%get3A_2712, %get3A_2713] {strides = array<i32>} : memref<4x1024xf32, #tpu.memory_space<vmem>>, vector<1x16xf32>,
    %get3A_2715 = vector.shape_cast %get3A_2714 : vector<1x16xf32> to vector<16xf32>
    %sub3A_2716 = arith.subf %get3A_2710, %get3A_2715 : vector<16xf32>
    %mul3A_2717 = arith.mulf %sub3A_2716, %sub3A_2716 : vector<16xf32>
    %gather3A_2718 = vector.shape_cast %reshape3A : vector<16x1xi32> to vector<16xi32>
    %gather3A_2719 = tpu.dynamic_gather %mul3A_2717[%gather3A_2718] in [0] : vector<16xf32>, vector<16xi32> -> vector<16xf32>
    %add3A_2720 = arith.addf %mul3A_2717, %gather3A_2719 : vector<16xf32>
    %get3A_2721 = arith.constant 1 : i32
    %get3A_2722 = arith.index_cast %get3A_2721 : i32 to index
    %get3A_2723 = arith.constant 1008 : index
    %get3A_2724 = tpu.vector_load %arg6[%get3A_2722, %get3A_2723] {strides = array<i32>} : memref<4x1024xf32, #tpu.memory_space<vmem>>, vector<1x16xf32>,
    %get3A_2725 = vector.shape_cast %get3A_2724 : vector<1x16xf32> to vector<16xf32>
    %sub3A_2726 = arith.subf %get3A_2710, %get3A_2725 : vector<16xf32>
    %mul3A_2727 = arith.mulf %sub3A_2726, %sub3A_2726 : vector<16xf32>
    %gather3A_2728 = vector.shape_cast %reshape3A : vector<16x1xi32> to vector<16xi32>
    %gather3A_2729 = tpu.dynamic_gather %mul3A_2727[%gather3A_2728] in [0] : vector<16xf32>, vector<16xi32> -> vector<16xf32>
    %add3A_2730 = arith.addf %mul3A_2727, %gather3A_2729 : vector<16xf32>
    %lt3A_2731 = arith.cmpf olt, %add3A_2730, %add3A_2720 : vector<16xf32>
    %get3A_2732 = arith.constant 3 : i32
    %get3A_2733 = arith.index_cast %get3A_2732 : i32 to index
    %get3A_2734 = arith.constant 1008 : index
    %get3A_2735 = tpu.vector_load %arg6[%get3A_2733, %get3A_2734] {strides = array<i32>} : memref<4x1024xf32, #tpu.memory_space<vmem>>, vector<1x16xf32>,
    %get3A_2736 = vector.shape_cast %get3A_2735 : vector<1x16xf32> to vector<16xf32>
    %get3A_2737 = arith.constant 2 : i32
    %get3A_2738 = arith.index_cast %get3A_2737 : i32 to index
    %get3A_2739 = arith.constant 1008 : index
    %get3A_2740 = tpu.vector_load %arg6[%get3A_2738, %get3A_2739] {strides = array<i32>} : memref<4x1024xf32, #tpu.memory_space<vmem>>, vector<1x16xf32>,
    %get3A_2741 = vector.shape_cast %get3A_2740 : vector<1x16xf32> to vector<16xf32>
    %select_n3A_2742 = arith.select %lt3A_2731, %get3A_2736, %get3A_2741 : vector<16xi1>, vector<16xf32>
    %swap3A_2743 = arith.constant 0 : i32
    %swap3A_2744 = arith.index_cast %swap3A_2743 : i32 to index
    %swap3A_2745 = arith.constant 1008 : index
    %swap3A_2746 = tpu.vector_load %arg7[%swap3A_2744, %swap3A_2745] {strides = array<i32>} : memref<1x1024xf32, #tpu.memory_space<vmem>>, vector<1x16xf32>,
    %swap3A_2747 = vector.shape_cast %swap3A_2746 : vector<1x16xf32> to vector<16xf32>
    %swap3A_2748 = vector.shape_cast %select_n3A_2742 : vector<16xf32> to vector<1x16xf32>
    tpu.vector_store %arg7[%swap3A_2744, %swap3A_2745], %swap3A_2748 {strides = array<i32>} : memref<1x1024xf32, #tpu.memory_space<vmem>>, vector<1x16xf32>,
    "tpu.region"() ({
      %run_scoped3A = tpu.sem_alloc : memref<!tpu.dma_semaphore, #tpu.memory_space<semaphore_mem>>
      %dma_start3A = arith.constant 0 : i32
      %dma_start3A_2749 = tpu.memref_slice %arg4[%add3A, %dma_start3A] : memref<16x1024xf32, #tpu.memory_space<hbm>> -> memref<1x1024xf32, #tpu.memory_space<hbm>>
      %dma_start3A_2750 = arith.constant 0 : i32
      %dma_start3A_2751 = tpu.memref_slice %arg4[%add3A, %dma_start3A_2750] : memref<16x1024xf32, #tpu.memory_space<hbm>> -> memref<1x1024xf32, #tpu.memory_space<hbm>>
      tpu.enqueue_dma source(%arg7 : memref<1x1024xf32, #tpu.memory_space<vmem>>) target(%dma_start3A_2751 : memref<1x1024xf32, #tpu.memory_space<hbm>>) target_semaphore(%run_scoped3A : memref<!tpu.dma_semaphore, #tpu.memory_space<semaphore_mem>>)
      %dma_wait3A = arith.constant 0 : i32
      %dma_wait3A_2752 = tpu.memref_slice %arg4[%add3A, %dma_wait3A] : memref<16x1024xf32, #tpu.memory_space<hbm>> -> memref<1x1024xf32, #tpu.memory_space<hbm>>
      %dma_wait3A_2753 = arith.constant 0 : i32
      %dma_wait3A_2754 = tpu.memref_slice %arg4[%add3A, %dma_wait3A_2753] : memref<16x1024xf32, #tpu.memory_space<hbm>> -> memref<1x1024xf32, #tpu.memory_space<hbm>>
      tpu.wait_dma2 semaphore(%run_scoped3A : memref<!tpu.dma_semaphore, #tpu.memory_space<semaphore_mem>>) src(%arg7 : memref<1x1024xf32, #tpu.memory_space<vmem>>) dst(%dma_wait3A_2754 : memref<1x1024xf32, #tpu.memory_space<hbm>>)
      tpu.yield
    }) : () -> ()
    return
  }
}

module attributes {stable_mosaic.version = 14 : i64} {
  func.func @_decoder_body(%arg0: memref<16x1024xf32, #tpu.memory_space<vmem>>, %arg1: memref<512x1024xf32, #tpu.memory_space<vmem>>, %arg2: memref<1x512xf32, #tpu.memory_space<vmem>>, %arg3: memref<256x512xf32, #tpu.memory_space<vmem>>, %arg4: memref<1x256xf32, #tpu.memory_space<vmem>>, %arg5: memref<128x256xf32, #tpu.memory_space<vmem>>, %arg6: memref<1x128xf32, #tpu.memory_space<vmem>>, %arg7: memref<16x128xf32, #tpu.memory_space<vmem>>) attributes {dimension_semantics = [], scalar_prefetch = 0 : i64, scratch_operands = 0 : i64, tpu.core_type = #tpu.core_type<tc>} {
    %get3A = arith.constant 0 : index
    %get3A_0 = arith.constant 0 : index
    %get3A_1 = vector.load %arg0[%get3A, %get3A_0] : memref<16x1024xf32, #tpu.memory_space<vmem>>, vector<16x1024xf32>
    %get3A_2 = arith.constant 0 : index
    %get3A_3 = arith.constant 0 : index
    %get3A_4 = vector.load %arg1[%get3A_2, %get3A_3] : memref<512x1024xf32, #tpu.memory_space<vmem>>, vector<512x1024xf32>
    %dot_general3A = arith.constant dense<0.000000e+00> : vector<16x512xf32>
    %dot_general3A_5 = tpu.matmul %get3A_1, %get3A_4, %dot_general3A {dimension_numbers = #tpu.dot_dimension_numbers<[1], [1], [0], [0], [0, 0, 1, 0], [], []>, transpose_lhs_hint = false} : vector<16x1024xf32>, vector<512x1024xf32>, vector<16x512xf32> -> vector<16x512xf32>
    %get3A_6 = arith.constant 0 : index
    %get3A_7 = arith.constant 0 : index
    %get3A_8 = vector.load %arg2[%get3A_6, %get3A_7] : memref<1x512xf32, #tpu.memory_space<vmem>>, vector<1x512xf32>
    %add3A = vector.broadcast %get3A_8 : vector<1x512xf32> to vector<16x512xf32>
    %add3A_9 = arith.addf %dot_general3A_5, %add3A : vector<16x512xf32>
    %get3A_10 = arith.constant 0 : index
    %get3A_11 = arith.constant 0 : index
    %get3A_12 = vector.load %arg3[%get3A_10, %get3A_11] : memref<256x512xf32, #tpu.memory_space<vmem>>, vector<256x512xf32>
    %dot_general3A_13 = arith.constant dense<0.000000e+00> : vector<16x256xf32>
    %dot_general3A_14 = tpu.matmul %add3A_9, %get3A_12, %dot_general3A_13 {dimension_numbers = #tpu.dot_dimension_numbers<[1], [1], [0], [0], [0, 0, 1, 0], [], []>, transpose_lhs_hint = false} : vector<16x512xf32>, vector<256x512xf32>, vector<16x256xf32> -> vector<16x256xf32>
    %get3A_15 = arith.constant 0 : index
    %get3A_16 = arith.constant 0 : index
    %get3A_17 = vector.load %arg4[%get3A_15, %get3A_16] : memref<1x256xf32, #tpu.memory_space<vmem>>, vector<1x256xf32>
    %add3A_18 = vector.broadcast %get3A_17 : vector<1x256xf32> to vector<16x256xf32>
    %add3A_19 = arith.addf %dot_general3A_14, %add3A_18 : vector<16x256xf32>
    %get3A_20 = arith.constant 0 : index
    %get3A_21 = arith.constant 0 : index
    %get3A_22 = vector.load %arg5[%get3A_20, %get3A_21] : memref<128x256xf32, #tpu.memory_space<vmem>>, vector<128x256xf32>
    %dot_general3A_23 = arith.constant dense<0.000000e+00> : vector<16x128xf32>
    %dot_general3A_24 = tpu.matmul %add3A_19, %get3A_22, %dot_general3A_23 {dimension_numbers = #tpu.dot_dimension_numbers<[1], [1], [0], [0], [0, 0, 1, 0], [], []>, transpose_lhs_hint = false} : vector<16x256xf32>, vector<128x256xf32>, vector<16x128xf32> -> vector<16x128xf32>
    %get3A_25 = arith.constant 0 : index
    %get3A_26 = arith.constant 0 : index
    %get3A_27 = vector.load %arg6[%get3A_25, %get3A_26] : memref<1x128xf32, #tpu.memory_space<vmem>>, vector<1x128xf32>
    %add3A_28 = vector.broadcast %get3A_27 : vector<1x128xf32> to vector<16x128xf32>
    %add3A_29 = arith.addf %dot_general3A_24, %add3A_28 : vector<16x128xf32>
    %reduce_max3A = arith.constant dense<0xFF800000> : vector<16xf32>
    %reduce_max3A_30 = vector.multi_reduction <maximumf>, %add3A_29, %reduce_max3A [1] : vector<16x128xf32> to vector<16xf32>
    %broadcast_in_dim3A = vector.shape_cast %reduce_max3A_30 : vector<16xf32> to vector<16x1xf32>
    %sub3A = vector.broadcast %broadcast_in_dim3A : vector<16x1xf32> to vector<16x128xf32>
    %sub3A_31 = arith.subf %add3A_29, %sub3A : vector<16x128xf32>
    %exp3A = math.exp %sub3A_31 : vector<16x128xf32>
    %reduce_sum3A = arith.constant dense<0.000000e+00> : vector<16xf32>
    %reduce_sum3A_32 = vector.multi_reduction <add>, %exp3A, %reduce_sum3A [1] : vector<16x128xf32> to vector<16xf32>
    %broadcast_in_dim3A_33 = vector.shape_cast %reduce_sum3A_32 : vector<16xf32> to vector<16x1xf32>
    %div3A = vector.broadcast %broadcast_in_dim3A_33 : vector<16x1xf32> to vector<16x128xf32>
    %div3A_34 = arith.divf %exp3A, %div3A : vector<16x128xf32>
    %swap3A = arith.constant 0 : index
    %swap3A_35 = arith.constant 0 : index
    %swap3A_36 = vector.load %arg7[%swap3A, %swap3A_35] : memref<16x128xf32, #tpu.memory_space<vmem>>, vector<16x128xf32>
    tpu.vector_store %arg7[%swap3A, %swap3A_35], %div3A_34 {strides = array<i32>} : memref<16x128xf32, #tpu.memory_space<vmem>>, vector<16x128xf32>,
    return
  }
}

</mosaic_0001>

<sc_bundles>
// kernel: kernel.4.cloned.1.call-start
scs
__scs_entry_jumppad:
0x0: {  	(pc) =	sbr.rel $0x88, $3  }
0x1: {  	(tag) =	ssettag $0x0;
	lr =	simm.s32 $0x1  }
0x2: {  	[smem:$0x3EB4] =	sst lr;
	_ =	strace $0xD0000000  }
0x3: {  	_ = 	snop  }
0x4: {  	_ = 	snop  }
0x5: {  	_ = 	snop  }
0x6: {  	_ = 	snop  }
0x7: {  	_ = 	snop  }
__scs_overlays_trampoline_lowered:
0x8: {  	[smem:$0x3EC3] =	sst s0  }
0x9: {  	[smem:$0x3EC4] =	sst s1  }
0xa: {  	[smem:$0x3EC5] =	sst s2  }
0xb: {  	[smem:$0x3EC6] =	sst s3  }
0xc: {  	[smem:$0x3EC7] =	sst s4  }
0xd: {  	[smem:$0x3EC8] =	sst s5  }
0xe: {  	[smem:$0x3EC9] =	sst s6  }
0xf: {  	[smem:$0x3ECA] =	sst s7  }
0x10: {  	[smem:$0x3ECB] =	sst s8  }
0x11: {  	[smem:$0x3ECC] =	sst s9;
	s0 =	simm.s32 @!p0 $0x0  }
0x12: {  	s1 =	sld [smem:$0x3EB2];
	s0 =	simm.s32 @p0 $0x1  }
0x13: {  	[smem:$0x3ECD] =	sst s0;
	s0 =	simm.s32 @!p1 $0x0  }
0x14: {  	s2 =	sld [smem:$0x3EB1];
	s0 =	simm.s32 @p1 $0x1  }
0x15: {  	[smem:$0x3ECE] =	sst s0;
	s0 =	simm.s32 @!p2 $0x0  }
0x16: {  	s3 =	sld [smem:$0x3FDB];
	s0 =	simm.s32 @p2 $0x1  }
0x17: {  	s4 =	simm.s32 $0x1BF5;
	[smem:$0x3ED0] =	sst s0  }
0x18: {  	s0 =	sld [smem:$0x3EB3];
	_ =	swait.ge [sflag:s4], $0x0  }
0x19: {  	s7 =	sld [smem:$0x3EB4]  }
0x1a: {  	s8 =	sadd.s32 $0xFFFFE003, lr  }
0x1b: {  	s9 =	sadd.s32 $0xFFFFFEF7, lr;
	s5 =	simm.s32 $0xFFFFFFFF;
	p2 =	slt.u32 s8, $0xFFFFF086  }
0x1c: {  	p1 =	slt.u32 s9, $0xF7A;
	s5 =	simm.s32 @!p2 $0x0  }
0x1d: {  	s5 =	simm.s32 @p1 $0x1;
	p0 =	seq.s32 s7, s2  }
0x1e: {  	s7 =	smul.u32 @!p0 $0xF7A, s2;
	p2 =	seq.s32 @!p0 s5, $0x0  }
0x1f: {  	s9 =	smul.u32 $0xF7A, s1;
	s8 =	simm.s32 @!p0 $0x1BF5;
	p2 =	por !p2, p0  }
0x20: {  	[sflag:s8] =	ssyncset.s32 @!p0 $0xFFFFF086;
	s6 =	sadd.s32 @!p0 s3, s7;
	s7 =	simm.s32 @!p0 $0x108  }
0x21: {  	s3 =	sadd.s32 s3, s9;
	s6 =	sadd.s32 @!p0 $0x88, s6;
	s7 =	simm.s32 @p2 $0x1082  }
0x22: {  	[simem:s7], [sflag:s8] =	dma.local @!p0 [hbm:s6], $0xF7A  }
0x23: {  	s9 =	sor.u32 $0xD0000000, s2;
	s6 =	simm.s32 $0x108;
	_ =	swait.ge @!p0 [sflag:s8], $0x0  }
0x24: {  	s3 =	sadd.s32 $0x88, s3;
	s6 =	simm.s32 @!p1 $0x1082;
	[sflag:s4] =	ssyncset.s32 $0xFFFFF086  }
0x25: {  	[simem:s6], [sflag:s4] =	dma.local [hbm:s3], $0xF7A  }
0x26: {  	[smem:$0x3EB4] =	sst s1;
	(tag) =	ssettag s2;
	_ =	strace s9  }
0x27: {  	s1 =	sld [smem:$0x3EC4]  }
0x28: {  	s2 =	sld [smem:$0x3EC5]  }
0x29: {  	s4 =	sld [smem:$0x3EC7]  }
0x2a: {  	p0 =	seq.s32 s5, $0x0;
	s5 =	sld [smem:$0x3EC8]  }
0x2b: {  	s6 =	sld [smem:$0x3EC9]  }
0x2c: {  	s7 =	sld [smem:$0x3ECA]  }
0x2d: {  	s3 =	simm.s32 $0x108;
	s8 =	sld [smem:$0x3ECB]  }
0x2e: {  	s3 =	simm.s32 @!p0 $0x1082;
	s9 =	sld [smem:$0x3ECC]  }
0x2f: {  	lr =	sadd.s32 s0, s3;
	s0 =	sld [smem:$0x3EC3]  }
0x30: {  	s3 =	sld [smem:$0x3EC6]  }
0x31: {  	[smem:$0x3ECF] =	sst s10  }
0x32: {  	s10 =	sld [smem:$0x3ECD];
	_ =	sdelay $0x3  }
0x33: {  	p0 =	seq.s32 s10, $0x1;
	s10 =	sld [smem:$0x3ECF];
	_ =	sdelay $0x3  }
0x34: {  	[smem:$0x3ECF] =	sst s10  }
0x35: {  	s10 =	sld [smem:$0x3ECE];
	_ =	sdelay $0x3  }
0x36: {  	p1 =	seq.s32 s10, $0x1;
	s10 =	sld [smem:$0x3ECF];
	_ =	sdelay $0x3  }
0x37: {  	[smem:$0x3ECF] =	sst s10  }
0x38: {  	s10 =	sld [smem:$0x3ED0]  }
0x39: {  	_ = 	snop;
	(pc) =	sbr.ind lr, $3  }
0x3a: {  	_ = 	snop  }
0x3b: {  	_ = 	snop  }
0x3c: {  	p2 =	seq.s32 s10, $0x1;
	s10 =	sld [smem:$0x3ECF]  }
0x3d: {  	_ =	shalt  }
0x3e: {  	_ =	shalt  }
0x3f: {  	_ =	shalt  }
0x40: {  	_ =	shalt  }
0x41: {  	_ =	shalt  }
0x42: {  	_ =	shalt  }
0x43: {  	_ =	shalt  }
0x44: {  	_ =	shalt  }
0x45: {  	_ =	shalt  }
0x46: {  	_ =	shalt  }
0x47: {  	_ =	shalt  }
0x48: {  	_ =	shalt  }
0x49: {  	_ =	shalt  }
0x4a: {  	_ =	shalt  }
0x4b: {  	_ =	shalt  }
0x4c: {  	_ =	shalt  }
0x4d: {  	_ =	shalt  }
0x4e: {  	_ =	shalt  }
0x4f: {  	_ =	shalt  }
0x50: {  	_ =	shalt  }
0x51: {  	_ =	shalt  }
0x52: {  	_ =	shalt  }
0x53: {  	_ =	shalt  }
0x54: {  	_ =	shalt  }
0x55: {  	_ =	shalt  }
0x56: {  	_ =	shalt  }
0x57: {  	_ =	shalt  }
0x58: {  	_ =	shalt  }
0x59: {  	_ =	shalt  }
0x5a: {  	_ =	shalt  }
0x5b: {  	_ =	shalt  }
0x5c: {  	_ =	shalt  }
0x5d: {  	_ =	shalt  }
0x5e: {  	_ =	shalt  }
0x5f: {  	_ =	shalt  }
0x60: {  	_ =	shalt  }
0x61: {  	_ =	shalt  }
0x62: {  	_ =	shalt  }
0x63: {  	_ =	shalt  }
0x64: {  	_ =	shalt  }
0x65: {  	_ =	shalt  }
0x66: {  	_ =	shalt  }
0x67: {  	_ =	shalt  }
0x68: {  	_ =	shalt  }
0x69: {  	_ =	shalt  }
0x6a: {  	_ =	shalt  }
0x6b: {  	_ =	shalt  }
0x6c: {  	_ =	shalt  }
0x6d: {  	_ =	shalt  }
0x6e: {  	_ =	shalt  }
0x6f: {  	_ =	shalt  }
0x70: {  	_ =	shalt  }
0x71: {  	_ =	shalt  }
0x72: {  	_ =	shalt  }
0x73: {  	_ =	shalt  }
0x74: {  	_ =	shalt  }
0x75: {  	_ =	shalt  }
0x76: {  	_ =	shalt  }
0x77: {  	_ =	shalt  }
0x78: {  	_ =	shalt  }
0x79: {  	_ =	shalt  }
0x7a: {  	_ =	shalt  }
0x7b: {  	_ =	shalt  }
0x7c: {  	_ =	shalt  }
0x7d: {  	_ =	shalt  }
0x7e: {  	_ =	shalt  }
0x7f: {  	_ =	shalt  }
0x80: {  	_ =	shalt  }
0x81: {  	_ =	shalt  }
0x82: {  	_ =	shalt  }
0x83: {  	_ =	shalt  }
0x84: {  	_ =	shalt  }
0x85: {  	_ =	shalt  }
0x86: {  	_ =	shalt  }
0x87: {  	_ =	shalt  }
.Lfunc_end0:
.L_simem_size_0:
called_computation_lowered:
.L_overlay_start_0:
0x88: {  	s0 =	sld [smem:$0x3FD9]  }
0x89: {  	s1 =	sld [smem:$0x3FFE];
	_ =	sdelay $0x3  }
0x8a: {  	s0 =	sadd.s32 s1, s0  }
0x8b: {  	[smem:$0x3EDB] =	sst s0  }
0x8c: {  	_ = 	snop  }
0x8d: {  	(tm) =	ssettm $0x1  }
0x8e: {  	s15 =	sld [smem:$0x3FFB];
	_ =	sdelay $0x3  }
0x8f: {  	_ =	strace s15  }
0x90: {  	s0 =	sld [smem:$0x3FFC];
	_ =	sdelay $0x3  }
0x91: {  	_ =	strace s0  }
0x92: {  	s0 =	sld [smem:$0x3FFD];
	_ =	sdelay $0x3  }
0x93: {  	_ =	strace s0  }
0x94: {  	_ =	strace $0x8FFFFFFF  }
0x95: {  	s16 =	sld [smem:$0x3FDB];
	_ =	sdelay $0x1  }
0x96: {  	s17 =	simm.s32 $_scs_section_size  }
0x97: {  	s2 =	simm.s32 $_size__tile_overlayer_lowered;
	s3 =	simm.s32 $_tile_overlayer_lowered  }
0x98: {  	s20 =	simm.s32 $0x1BFF;
	s19 =	sshll.u32 s3, $0x1;
	s0 =	sadd.s32 s17, s16  }
0x99: {  	s4 =	simm.s32 $0x0;
	s18 =	sshll.u32 s2, $0x1;
	s2 =	sadd.s32 s19, s0  }
0x9a: {  	[timem:s4], [sflag:s20] =	dma.local [hbm:s2], s18  }
0x9b: {  	_ =	swait.ge [sflag:s20], s18  }
0x9c: {  	s1 =	ssub.s32 $0x0, s18;
	[sflag:s20] =	ssyncset.done $0x0  }
0x9d: {  	[sflag:s20] =	ssyncadd.s32 s1;
	_ =	sdelay $0x1  }
0x9e: {  	s21 =	simm.s32 $0x1B8B  }
0x9f: {  	_ =	swait.ge [sflag:s21], $0x1  }
0xa0: {  	[sflag:s21] =	ssyncset.done $0x0  }
0xa1: {  	s23 =	simm.s32 $0x1B8E;
	s22 =	sld [smem:$0x3FFE];
	[sflag:s21] =	ssyncadd.s32 $0xFFFFFFFF  }
0xa2: {  	s24 =	simm.s32 $execute0_lowered;
	[smem:$0x3FD2] =	sst s23  }
0xa3: {  	s2 =	sshll.u32 s24, $0x1;
	_ =	strace $0x80000046;
	[dreg:$0x1] =	wrdreg $0xFFFFFFFF  }
0xa4: {  	s25 =	simm.s32 $_size_execute0_lowered;
	s0 =	sadd.s32 s0, s2;
	[dreg:$0x0] =	wrdreg $0x0  }
0xa5: {  	s2 =	sshll.u32 s25, $0x1;
	[dreg:$0x2] =	wrdreg s0  }
0xa6: {  	[dreg:$0x3] =	wrdreg s2  }
0xa7: {  	[dreg:$0x4] =	wrdreg $0xC0  }
0xa8: {  	_ =	task [dreg:s4], $0x5FFFF  }
0xa9: {  	[dreg:$0x1] =	wrdreg $0xFFFFFFFF  }
0xaa: {  	[dreg:$0x0] =	wrdreg $0x60  }
0xab: {  	[dreg:$0x2] =	wrdreg s22  }
0xac: {  	[dreg:$0x3] =	wrdreg $0x9  }
0xad: {  	_ =	task.clear_ibuf [dreg:s4], $0x4FFFF;
	_ =	strace $0x90000046  }
0xae: {  	s26 =	simm.s32 $0x9;
	_ =	strace $0x80000048  }
0xaf: {  	_ =	swait.ge [sflag:s26], $0x1  }
0xb0: {  	[sflag:s26] =	ssyncadd.s32 $0xFFFFFFFF  }
0xb1: {  	_ =	strace $0x90000048  }
0xb2: {  	_ =	sfence  }
0xb3: {  	s28 =	sld [smem:$0x0];
	_ =	sdelay $0x1  }
0xb4: {  	s29 =	srdreg.scid  }
0xb5: {  	s30 =	sshll.u32 s29, $0xD;
	s31 =	sshrl.u32 s29, $0x2  }
0xb6: {  	s1 =	sand.u32 $0x1, s29;
	s2 =	sand.u32 $0x4000, s30;
	s0 =	sadd.s32 s31, s28  }
0xb7: {  	s1 =	sor.u32 s2, s1;
	s0 =	sshll.u32 s0, $0x11  }
0xb8: {  	s0 =	sor.u32 s0, s1  }
0xb9: {  	s0 =	sadd.s32 $0x8F2B, s0  }
0xba: {  	[sflag:s0] =	ssyncadd.remote.s32 $0x1  }
0xbb: {  	_ =	sfence.sel $0xFFFF  }
0xbc: {  	[dreg:$0x0] =	wrdreg $0xFFFFFFFF;
	(pc) =	sbr.abs _section_cstart, $3  }
0xbd: {  	[dreg:$0x1] =	wrdreg $0xFFFFFFFF  }
0xbe: {  	_ =	task.clear_ibuf [dreg:s4], $0x2FFFF;
	_ =	strace $0x9FFFFFFF  }
0xbf: {  	(tm) =	ssettm $0x7FFFFFFF  }
tec
execute0_lowered:
.L_overlay_start_1:
0x0: {  	(tag) =	ssettag $0x1  }
0x1: {  	s0 =	stileid.u32  }
0x2: {  	s6 =	rddreg [dreg:$0x0];
	s2 =	sshll.u32 s0, $0x7;
	s3 =	sshll.u32 s0, $0x4  }
0x3: {  	s1 =	rddreg [dreg:$0x1];
	s2 =	sor.u32 s3, s2  }
0x4: {  	s7 =	simm.s32 $0x0;
	s29 =	simm.s32 $0x80;
	s2 =	sand.u32 $0x470, s2  }
0x5: {  	s5 =	simm.s32 $0x400;
	[smem:$0x7FF] =	sst s7;
	s4 =	sadd.s32 s2, s6  }
0x6: {  	s30 =	simm.s32 $0x1;
	_ =	strace $0x80000047;
	s28 =	sadd.s32 $0x1FE00, s4  }
0x7: {  	[tilespmem:s7], [sflag:$0x1] =	stream.strided.gather [hbm4b:s28+s29], $0x400, s5, s29, $0x38;
	[tilespmem:$0x1800] =	vst v63  }
0x8: {  	_ =	swait.ge [sflag:s30], $0x400  }
0x9: {  	[sflag:s30] =	ssyncset.done $0x0  }
0xa: {  	s6 =	sadd.s32 $0x20600, s6;
	[sflag:s30] =	ssyncadd.s32 $0xFFFFFC00  }
0xb: {  	[tilespmem:s5], [sflag:$0x1] =	stream.linear.gather [hbm4b:s6+s7], $0x1000, $0x38;
	[tilespmem:$0x1800] =	vst v63  }
0xc: {  	_ =	swait.ge [sflag:s30], $0x1000  }
0xd: {  	[sflag:s30] =	ssyncset.done $0x0  }
0xe: {  	[sflag:s30] =	ssyncadd.s32 $0xFFFFF000  }
0xf: {  	v2 =	vld [tilespmem:$0x0]  }
0x10: {  	v14 =	vld [tilespmem:$0x400]  }
0x11: {  	v15 =	vld [tilespmem:$0x480]  }
0x12: {  	v0 =	vld [tilespmem:$0x580]  }
0x13: {  	v23 =	vld [tilespmem:$0x500]  }
0x14: {  	v51 =	vld [tilespmem:$0x10]  }
0x15: {  	v52 =	vld [tilespmem:$0x410]  }
0x16: {  	v59 =	vld [tilespmem:$0x490]  }
0x17: {  	v24 =	vld [tilespmem:$0x590]  }
0x18: {  	v25 =	vld [tilespmem:$0x510]  }
0x19: {  	v60 =	vld [tilespmem:$0x20]  }
0x1a: {  	v61 =	vld [tilespmem:$0x420]  }
0x1b: {  	v7 =	vld [tilespmem:$0x4A0]  }
0x1c: {  	v26 =	vld [tilespmem:$0x5A0]  }
0x1d: {  	v27 =	vld [tilespmem:$0x520]  }
0x1e: {  	v4 =	vld [tilespmem:$0x30]  }
0x1f: {  	v9 =	vld [tilespmem:$0x430]  }
0x20: {  	v10 =	vld [tilespmem:$0x4B0]  }
0x21: {  	v28 =	vld [tilespmem:$0x5B0]  }
0x22: {  	v29 =	vld [tilespmem:$0x530]  }
0x23: {  	v11 =	vld [tilespmem:$0x40]  }
0x24: {  	v43 =	vld [tilespmem:$0x440]  }
0x25: {  	v48 =	vld [tilespmem:$0x4C0]  }
0x26: {  	v30 =	vld [tilespmem:$0x5C0]  }
0x27: {  	v31 =	vld [tilespmem:$0x540]  }
0x28: {  	v42 =	vld [tilespmem:$0x50]  }
0x29: {  	v32 =	vld [tilespmem:$0x5D0]  }
0x2a: {  	v33 =	vld [tilespmem:$0x550]  }
0x2b: {  	v41 =	vld [tilespmem:$0x60]  }
0x2c: {  	v34 =	vld [tilespmem:$0x5E0]  }
0x2d: {  	v35 =	vld [tilespmem:$0x560]  }
0x2e: {  	v12 =	vld [tilespmem:$0x70]  }
0x2f: {  	v45 =	vld [tilespmem:$0x470]  }
0x30: {  	v36 =	vld [tilespmem:$0x5F0]  }
0x31: {  	v37 =	vld [tilespmem:$0x570]  }
0x32: {  	v13 =	vld [tilespmem:$0x80]  }
0x33: {  	v39 =	vld [tilespmem:$0x680]  }
0x34: {  	v38 =	vld [tilespmem:$0x780]  }
0x35: {  	v40 =	vld [tilespmem:$0x700]  }
0x36: {  	v22 =	vld [tilespmem:$0x90]  }
0x37: {  	v44 =	vld [tilespmem:$0x790]  }
0x38: {  	v46 =	vld [tilespmem:$0x710]  }
0x39: {  	v21 =	vld [tilespmem:$0xA0]  }
0x3a: {  	v47 =	vld [tilespmem:$0x7A0]  }
0x3b: {  	v49 =	vld [tilespmem:$0x720]  }
0x3c: {  	v16 =	vld [tilespmem:$0xB0]  }
0x3d: {  	v50 =	vld [tilespmem:$0x7B0]  }
0x3e: {  	v53 =	vld [tilespmem:$0x730]  }
0x3f: {  	v19 =	vld [tilespmem:$0xC0]  }
0x40: {  	v55 =	vld [tilespmem:$0x640];
	[tilespmem:$0x1F910] =	vst v0  }
0x41: {  	v54 =	vld [tilespmem:$0x7C0];
	[tilespmem:$0x1F920] =	vst v23  }
0x42: {  	v56 =	vld [tilespmem:$0x740];
	[tilespmem:$0x1F930] =	vst v24  }
0x43: {  	v17 =	vld [tilespmem:$0xD0];
	[tilespmem:$0x1F940] =	vst v25  }
0x44: {  	v57 =	vld [tilespmem:$0x7D0];
	[tilespmem:$0x1F9B0] =	vst v26  }
0x45: {  	v58 =	vld [tilespmem:$0x750];
	[tilespmem:$0x1F9C0] =	vst v27  }
0x46: {  	v18 =	vld [tilespmem:$0xE0];
	[tilespmem:$0x1F9D0] =	vst v28  }
0x47: {  	v62 =	vld [tilespmem:$0x7E0];
	[tilespmem:$0x1F9E0] =	vst v29  }
0x48: {  	v63 =	vld [tilespmem:$0x760];
	[tilespmem:$0x1F9F0] =	vst v30  }
0x49: {  	v20 =	vld [tilespmem:$0xF0];
	[tilespmem:$0x1FA00] =	vst v31  }
0x4a: {  	v5 =	vld [tilespmem:$0x7F0];
	[tilespmem:$0x1FA10] =	vst v32  }
0x4b: {  	v6 =	vld [tilespmem:$0x770];
	[tilespmem:$0x1FA20] =	vst v33  }
0x4c: {  	v8 =	vld [tilespmem:$0x800];
	[tilespmem:$0x1FA30] =	vst v34  }
0x4d: {  	v25 =	vld [tilespmem:$0x450];
	[tilespmem:$0x1FA40] =	vst v35  }
0x4e: {  	v23 =	vld [tilespmem:$0x4D0];
	[tilespmem:$0x1FA50] =	vst v36  }
0x4f: {  	v24 =	vld [tilespmem:$0x460];
	[tilespmem:$0x1FA60] =	vst v37  }
0x50: {  	v26 =	vld [tilespmem:$0x4E0];
	[tilespmem:$0x1FA70] =	vst v38  }
0x51: {  	v33 =	vld [tilespmem:$0x4F0];
	[tilespmem:$0x1FA80] =	vst v40  }
0x52: {  	v36 =	vld [tilespmem:$0x600];
	[tilespmem:$0x1FA90] =	vst v44  }
0x53: {  	v28 =	vld [tilespmem:$0x610];
	[tilespmem:$0x1FAA0] =	vst v46  }
0x54: {  	v34 =	vld [tilespmem:$0x690];
	[tilespmem:$0x1FAB0] =	vst v47  }
0x55: {  	v31 =	vld [tilespmem:$0x620];
	[tilespmem:$0x1FAC0] =	vst v49  }
0x56: {  	v35 =	vld [tilespmem:$0x6A0];
	[tilespmem:$0x1FAD0] =	vst v50  }
0x57: {  	v40 =	vld [tilespmem:$0x630];
	[tilespmem:$0x1FAE0] =	vst v53  }
0x58: {  	v46 =	vld [tilespmem:$0x6B0];
	[tilespmem:$0x1FAF0] =	vst v54  }
0x59: {  	v53 =	vld [tilespmem:$0x6C0];
	[tilespmem:$0x1FB00] =	vst v56  }
0x5a: {  	v47 =	vld [tilespmem:$0x650];
	[tilespmem:$0x1FB10] =	vst v57  }
0x5b: {  	v49 =	vld [tilespmem:$0x6D0];
	[tilespmem:$0x1FB20] =	vst v58  }
0x5c: {  	[tilespmem:$0x1FB30] =	vst v62;
	v27 =	vld [tilespmem:$0x880]  }
0x5d: {  	[tilespmem:$0x1FB40] =	vst v63;
	v30 =	vld [tilespmem:$0x980]  }
0x5e: {  	[tilespmem:$0x1FB50] =	vst v5;
	v32 =	vld [tilespmem:$0x900]  }
0x5f: {  	v50 =	vld [tilespmem:$0x660];
	[tilespmem:$0x1FB60] =	vst v6  }
0x60: {  	v54 =	vld [tilespmem:$0x6E0];
	[tilespmem:$0x1F8C0] =	vst v8  }
0x61: {  	v56 =	vld [tilespmem:$0x670];
	[tilespmem:$0x1F8D0] =	vst v27  }
0x62: {  	v62 =	vld [tilespmem:$0x6F0];
	[tilespmem:$0x1FB80] =	vst v30  }
0x63: {  	v29 =	vld [tilespmem:$0x100];
	[tilespmem:$0x1FB90] =	vst v32  }
0x64: {  	v32 =	vld [tilespmem:$0x110]  }
0x65: {  	v63 =	vld [tilespmem:$0x810]  }
0x66: {  	v0 =	vld [tilespmem:$0x890]  }
0x67: {  	v37 =	vld [tilespmem:$0x990]  }
0x68: {  	v38 =	vld [tilespmem:$0x910]  }
0x69: {  	v44 =	vld [tilespmem:$0x820]  }
0x6a: {  	v57 =	vld [tilespmem:$0x8A0]  }
0x6b: {  	v58 =	vld [tilespmem:$0x9A0]  }
0x6c: {  	v5 =	vld [tilespmem:$0x920]  }
0x6d: {  	v6 =	vld [tilespmem:$0x830]  }
0x6e: {  	v8 =	vld [tilespmem:$0x8B0];
	[tilespmem:$0x1F8E0] =	vst v0  }
0x6f: {  	v27 =	vld [tilespmem:$0x9B0];
	[tilespmem:$0x1FBA0] =	vst v37  }
0x70: {  	v30 =	vld [tilespmem:$0x930];
	[tilespmem:$0x1FBB0] =	vst v38  }
0x71: {  	v3 =	vld [tilespmem:$0x850];
	[tilespmem:$0x1F8F0] =	vst v44  }
0x72: {  	[tilespmem:$0x1F900] =	vst v57;
	v57 =	vld [tilespmem:$0x8C0]  }
0x73: {  	[tilespmem:$0x1FBC0] =	vst v58;
	v58 =	vld [tilespmem:$0x9C0]  }
0x74: {  	[tilespmem:$0x1FBD0] =	vst v5;
	v38 =	vld [tilespmem:$0x840]  }
0x75: {  	v37 =	vld [tilespmem:$0x120];
	[tilespmem:$0x1F950] =	vst v6  }
0x76: {  	v44 =	vld [tilespmem:$0x130];
	[tilespmem:$0x1FBF0] =	vst v30  }
0x77: {  	v30 =	vld [tilespmem:$0x140];
	[tilespmem:$0x1F980] =	vst v57  }
0x78: {  	v5 =	vld [tilespmem:$0x940];
	[tilespmem:$0x1FC00] =	vst v58;
	v57 =	vimm.s32 $0xEFCDAB89;
	v58 =	vimm.s32 $0x67452301  }
0x79: {  	[tilespmem:$0x1F970] =	vst v38;
	v38 =	vld [tilespmem:$0x9D0];
	v6 =	vunpack.c.l.s4.s8 v57;
	v1 =	vunpack.c.l.s4.s8 v58  }
0x7a: {  	v14 =	vsub.f32 v2, v14;
	[tilespmem:$0x1F960] =	vst v8;
	v8 =	vld [tilespmem:$0x8D0]  }
0x7b: {  	v59 =	vsub.f32 v51, v59;
	[tilespmem:$0x1FBE0] =	vst v27;
	v27 =	vld [tilespmem:$0x150];
	v0 =	vunpack.c.0.s8.s32 v6;
	v1 =	vunpack.c.0.s8.s32 v1  }
0x7c: {  	v2 =	vsub.f32 v2, v15;
	v57 =	vsub.f32 v51, v52;
	v58 =	vld [tilespmem:$0x950]  }
0x7d: {  	v9 =	vsub.f32 v4, v9;
	[tilespmem:$0x1F990] =	vst v3;
	v3 =	vmul.f32 v59, v59;
	v59 =	vld [tilespmem:$0x8E0];
	v0 =	vcombine.low v1, v0  }
0x7e: {  	v14 =	vmul.f32 v14, v14;
	v52 =	vmul.f32 v57, v57;
	v57 =	vld [tilespmem:$0x9E0];
	[tilespmem:$0x1FC20] =	vst v38;
	v38 =	vsub.f32 v60, v61  }
0x7f: {  	v4 =	vsub.f32 v4, v10;
	v2 =	vmul.f32 v2, v2;
	[tilespmem:$0x1F9A0] =	vst v8;
	v8 =	vld [tilespmem:$0x960];
	v0 =	vand.u32 $0xF, v0  }
0x80: {  	v61 =	vld [tilespmem:$0x160];
	v51 =	vmul.f32 v38, v38;
	v38 =	vperm.xlane v14, v0  }
0x81: {  	v7 =	vsub.f32 v60, v7;
	v4 =	vmul.f32 v4, v4;
	v60 =	vld [tilespmem:$0x860];
	[tilespmem:$0x1FC30] =	vst v58;
	v58 =	vperm.xlane v2, v0  }
0x82: {  	[tilespmem:$0x1FC10] =	vst v5;
	v1 =	vperm.xlane v52, v0;
	v15 =	vadd.f32 v14, v38;
	v14 =	vmul.f32 v9, v9;
	v9 =	vld [tilespmem:$0x170]  }
0x83: {  	[tilespmem:$0x1FC40] =	vst v57;
	v57 =	vperm.xlane v4, v0;
	v6 =	vadd.f32 v2, v58;
	v58 =	vld [tilespmem:$0x870]  }
0x84: {  	v10 =	vmul.f32 v7, v7;
	[tilespmem:$0x1FC50] =	vst v8;
	v5 =	vperm.xlane v51, v0;
	v8 =	vadd.f32 v52, v1;
	v52 =	vld [tilespmem:$0x8F0]  }
0x85: {  	v38 =	vperm.xlane v3, v0;
	v1 =	vadd.f32 v4, v57;
	v57 =	vsub.f32 v11, v48;
	v48 =	vld [tilespmem:$0xB00]  }
0x86: {  	v2 =	vperm.xlane v10, v0;
	v5 =	vadd.f32 v51, v5;
	v51 =	vsub.f32 v11, v43;
	v43 =	vld [tilespmem:$0xA00]  }
0x87: {  	v23 =	vsub.f32 v42, v23;
	v11 =	vld [tilespmem:$0xA90];
	v3 =	vadd.f32 v3, v38;
	v7 =	vperm.xlane v14, v0  }
0x88: {  	v38 =	vld [tilespmem:$0x9F0];
	v2 =	vadd.f32 v10, v2;
	vm1 =	vlt.f32 v6, v15;
	v15 =	vsub.f32 v42, v25  }
0x89: {  	v42 =	vld [tilespmem:$0xA80];
	v6 =	vmul.f32 v57, v57;
	v25 =	vsub.f32 v41, v24;
	v41 =	vsub.f32 v41, v26  }
0x8a: {  	v57 =	vld [tilespmem:$0xA10];
	v4 =	vmul.f32 v51, v51;
	v51 =	vsub.f32 v12, v45;
	v12 =	vsub.f32 v12, v33  }
0x8b: {  	v33 =	vld [tilespmem:$0xB90];
	vm2 =	vlt.f32 v3, v8;
	v3 =	vmul.f32 v15, v15;
	v10 =	vmul.f32 v25, v25  }
0x8c: {  	v7 =	vadd.f32 v14, v7;
	v14 =	vld [tilespmem:$0x180];
	v25 =	vmul.f32 v41, v41;
	v41 =	vperm.xlane v6, v0  }
0x8d: {  	v15 =	vmul.f32 v23, v23;
	v23 =	vmul.f32 v51, v51;
	v51 =	vld [tilespmem:$0xB10]  }
0x8e: {  	v26 =	vadd.f32 v6, v41;
	v24 =	vperm.xlane v10, v0;
	v41 =	vperm.xlane v25, v0;
	v6 =	vld [tilespmem:$0x1A0]  }
0x8f: {  	vm3 =	vlt.f32 v2, v5;
	v8 =	vperm.xlane v4, v0;
	v45 =	vperm.xlane v3, v0;
	[tilespmem:$0x1FC60] =	vst v38;
	v38 =	vld [tilespmem:$0x970]  }
0x90: {  	[tilespmem:$0x1FC90] =	vst v48;
	v48 =	vperm.xlane v15, v0;
	v2 =	vadd.f32 v10, v24;
	v10 =	vadd.f32 v25, v41;
	v41 =	vld [tilespmem:$0xA20]  }
0x91: {  	v4 =	vadd.f32 v4, v8;
	[tilespmem:$0x1FCA0] =	vst v33;
	v33 =	vld [tilespmem:$0xAA0]  }
0x92: {  	v3 =	vadd.f32 v3, v45;
	v15 =	vadd.f32 v15, v48;
	v25 =	vld [tilespmem:$0xBA0]  }
0x93: {  	v24 =	vsub.f32 v13, v39;
	v39 =	vsub.f32 v21, v31;
	v31 =	vld [tilespmem:$0xBB0]  }
0x94: {  	vm4 =	vlt.f32 v26, v4;
	v26 =	vsub.f32 v22, v28;
	v28 =	vsub.f32 v22, v34;
	v34 =	vld [tilespmem:$0xB20]  }
0x95: {  	v12 =	vmul.f32 v12, v12;
	v45 =	vperm.xlane v23, v0;
	v4 =	vld [tilespmem:$0x1B0]  }
0x96: {  	vm6 =	vlt.f32 v1, v7;
	vm5 =	vlt.f32 v15, v3;
	v15 =	vld [tilespmem:$0xA30]  }
0x97: {  	v48 =	vperm.xlane v12, v0;
	v1 =	vadd.f32 v23, v45;
	v45 =	vsub.f32 v21, v35;
	v21 =	vld [tilespmem:$0xAB0]  }
0x98: {  	v22 =	vmul.f32 v39, v39;
	v35 =	vld [tilespmem:$0xB30]  }
0x99: {  	v7 =	vadd.f32 v12, v48;
	v23 =	vsub.f32 v13, v36;
	vm11 =	vlt.f32 v10, v2;
	v2 =	vld [tilespmem:$0x1D0]  }
0x9a: {  	v48 =	vsub.f32 v16, v40;
	v12 =	vmul.f32 v28, v28;
	[tilespmem:$0x1FC70] =	vst v38;
	v38 =	vld [tilespmem:$0xB80];
	v40 =	vperm.xlane v22, v0  }
0x9b: {  	v5 =	vmul.f32 v24, v24;
	v36 =	vmul.f32 v23, v23;
	v23 =	vld [tilespmem:$0xAC0]  }
0x9c: {  	v16 =	vsub.f32 v16, v46;
	v39 =	vperm.xlane v12, v0;
	v10 =	vadd.f32 v22, v40;
	v22 =	vld [tilespmem:$0xBC0]  }
0x9d: {  	v28 =	vperm.xlane v5, v0;
	v40 =	vsub.f32 v20, v56;
	v20 =	vsub.f32 v20, v62;
	v62 =	vld [tilespmem:$0xB60]  }
0x9e: {  	[tilespmem:$0x1FCB0] =	vst v51;
	v24 =	vmul.f32 v48, v48;
	v51 =	vperm.xlane v36, v0;
	v12 =	vadd.f32 v12, v39;
	v39 =	vld [tilespmem:$0xBD0]  }
0x9f: {  	v3 =	vmul.f32 v26, v26;
	[tilespmem:$0x1FCF0] =	vst v35;
	v35 =	vsub.f32 v18, v50;
	v18 =	vsub.f32 v18, v54;
	v54 =	vld [tilespmem:$0xBE0]  }
0xa0: {  	v46 =	vperm.xlane v24, v0;
	v13 =	vadd.f32 v36, v51;
	v36 =	vadd.f32 v5, v28;
	v5 =	vld [tilespmem:$0x1C0]  }
0xa1: {  	v26 =	vmul.f32 v45, v45;
	[tilespmem:$0x1FCD0] =	vst v34;
	v34 =	vperm.xlane v3, v0;
	v51 =	vld [tilespmem:$0xA40]  }
0xa2: {  	vm12 =	vlt.f32 v7, v1;
	[tilespmem:$0x1FCE0] =	vst v31;
	v31 =	vsub.f32 v17, v47;
	v7 =	vadd.f32 v24, v46;
	v24 =	vld [tilespmem:$0xB40]  }
0xa3: {  	v45 =	vperm.xlane v26, v0;
	v3 =	vadd.f32 v3, v34;
	v34 =	vsub.f32 v17, v49;
	v17 =	vld [tilespmem:$0xA50]  }
0xa4: {  	[tilespmem:$0x1FCC0] =	vst v25;
	v46 =	vld [tilespmem:$0xB50]  }
0xa5: {  	v25 =	vadd.f32 v26, v45;
	[tilespmem:$0x1FC80] =	vst v38;
	v38 =	vld [tilespmem:$0x190]  }
0xa6: {  	v26 =	vsub.f32 v19, v55;
	v28 =	vsub.f32 v19, v53;
	v19 =	vmul.f32 v35, v35;
	v35 =	vld [tilespmem:$0x1F8D0]  }
0xa7: {  	vm8 =	vlt.f32 v12, v3;
	v12 =	vld [tilespmem:$0x1E0]  }
0xa8: {  	v16 =	vmul.f32 v16, v16;
	vm7 =	vlt.f32 v36, v13;
	v36 =	vmul.f32 v34, v34;
	v34 =	vld [tilespmem:$0xA60]  }
0xa9: {  	v1 =	vmul.f32 v26, v26;
	v26 =	vmul.f32 v40, v40;
	v40 =	vld [tilespmem:$0xAF0]  }
0xaa: {  	v48 =	vperm.xlane v16, v0;
	v20 =	vmul.f32 v20, v20;
	vm0 =	vlt.f32 v25, v10;
	v25 =	vld [tilespmem:$0xC90]  }
0xab: {  	[tilespmem:$0x1FD00] =	vst v22;
	v22 =	vld [tilespmem:$0xAD0]  }
0xac: {  	v16 =	vadd.f32 v16, v48;
	v56 =	vperm.xlane v20, v0;
	[tilespmem:$0x1FD50] =	vst v62;
	v62 =	vld [tilespmem:$0x1F900]  }
0xad: {  	v50 =	vperm.xlane v19, v0;
	[tilespmem:$0x1FD40] =	vst v54;
	v54 =	vld [tilespmem:$0x1F8F0]  }
0xae: {  	vm9 =	vlt.f32 v16, v7;
	v16 =	vadd.f32 v20, v56;
	v56 =	vld [tilespmem:$0xB70]  }
0xaf: {  	v13 =	vmul.f32 v28, v28;
	v45 =	vperm.xlane v1, v0;
	v10 =	vadd.f32 v19, v50;
	v50 =	vld [tilespmem:$0xBF0]  }
0xb0: {  	v19 =	vld [tilespmem:$0xD20]  }
0xb1: {  	v47 =	vperm.xlane v13, v0;
	v49 =	vperm.xlane v36, v0;
	v28 =	vadd.f32 v1, v45;
	v45 =	vld [tilespmem:$0xAE0]  }
0xb2: {  	v18 =	vmul.f32 v18, v18;
	v1 =	vld [tilespmem:$0x1F0]  }
0xb3: {  	[tilespmem:$0x1FD10] =	vst v24;
	v13 =	vadd.f32 v13, v47;
	v24 =	vadd.f32 v36, v49;
	v49 =	vld [tilespmem:$0xA70]  }
0xb4: {  	v53 =	vperm.xlane v18, v0;
	v55 =	vperm.xlane v26, v0;
	v36 =	vsub.f32 v29, v35;
	v47 =	vld [tilespmem:$0x1F8E0]  }
0xb5: {  	v3 =	vmul.f32 v31, v31;
	vm13 =	vlt.f32 v13, v28;
	v28 =	vld [tilespmem:$0x1F8C0]  }
0xb6: {  	v18 =	vadd.f32 v18, v53;
	v7 =	vadd.f32 v26, v55;
	v53 =	vmul.f32 v36, v36;
	v36 =	vld [tilespmem:$0xC80]  }
0xb7: {  	v48 =	vperm.xlane v3, v0;
	[tilespmem:$0x1FD30] =	vst v46;
	v46 =	vsub.f32 v32, v63;
	v63 =	vsub.f32 v37, v62;
	v62 =	vld [tilespmem:$0x1F920]  }
0xb8: {  	vm10 =	vlt.f32 v16, v7;
	v16 =	vld [tilespmem:$0x210]  }
0xb9: {  	v3 =	vadd.f32 v3, v48;
	[tilespmem:$0x1FDF0] =	vst v56;
	v56 =	vld [tilespmem:$0x1F910]  }
0xba: {  	v55 =	vsub.f32 v37, v54;
	v37 =	vld [tilespmem:$0x1F950]  }
0xbb: {  	vm15 =	vlt.f32 v24, v3;
	v3 =	vmul.f32 v46, v46;
	[tilespmem:$0x1FDE0] =	vst v50;
	v50 =	vld [tilespmem:$0xD80]  }
0xbc: {  	v35 =	vperm.xlane v53, v0;
	[tilespmem:$0x1FE70] =	vst v19;
	v19 =	vld [tilespmem:$0xCD0]  }
0xbd: {  	vm14 =	vlt.f32 v18, v10;
	v46 =	vperm.xlane v3, v0;
	v10 =	vmul.f32 v55, v55;
	v55 =	vld [tilespmem:$0xD00]  }
0xbe: {  	v24 =	vadd.f32 v53, v35;
	v35 =	vld [tilespmem:$0x1F940]  }
0xbf: {  	v48 =	vsub.f32 v32, v47;
	v3 =	vadd.f32 v3, v46;
	v46 =	vld [tilespmem:$0x1F960]  }
0xc0: {  	v31 =	vsub.f32 v29, v28;
	v28 =	vld [tilespmem:$0x200]  }
0xc1: {  	v20 =	vmul.f32 v48, v48;
	v48 =	vld [tilespmem:$0xC00]  }
0xc2: {  	v8 =	vsel vm1, v56, v62;
	v62 =	vld [tilespmem:$0x1F990]  }
0xc3: {  	[tilespmem:$0x1FD20] =	vst v39;
	v32 =	vmul.f32 v63, v63;
	v39 =	vsub.f32 v44, v37;
	v37 =	vld [tilespmem:$0x1F9C0]  }
0xc4: {  	v13 =	vmul.f32 v31, v31;
	v31 =	vimm.s32 $0x0;
	[tilespmem:$0x1FE00] =	vst v50;
	v50 =	vld [tilespmem:$0x1F970]  }
0xc5: {  	v54 =	vperm.xlane v32, v0;
	v7 =	vsel vm10, $0xFFFFFFFF, v31;
	v31 =	vld [tilespmem:$0x1F930]  }
0xc6: {  	v53 =	vperm.xlane v10, v0;
	v47 =	vperm.xlane v20, v0;
	[tilespmem:$0x1FE10] =	vst v55;
	v55 =	vld [tilespmem:$0xD90]  }
0xc7: {  	[tilespmem:$0x1FB70] =	vst v7;
	v7 =	vadd.f32 v32, v54;
	v32 =	vld [tilespmem:$0xC10]  }
0xc8: {  	v63 =	vadd.f32 v20, v47;
	v20 =	vadd.f32 v10, v53;
	v53 =	vld [tilespmem:$0x1F980]  }
0xc9: {  	v10 =	vld [tilespmem:$0x220]  }
0xca: {  	v47 =	vsub.f32 v44, v46;
	v46 =	vld [tilespmem:$0xCA0]  }
0xcb: {  	v56 =	vmul.f32 v39, v39;
	v29 =	vperm.xlane v13, v0;
	v44 =	vld [tilespmem:$0x1F9F0]  }
0xcc: {  	v26 =	vmul.f32 v47, v47;
	v47 =	vld [tilespmem:$0x1FA00]  }
0xcd: {  	[tilespmem:$0x1FD60] =	vst v8;
	v39 =	vperm.xlane v56, v0;
	v13 =	vadd.f32 v13, v29;
	v8 =	vsel vm2, v31, v35;
	v31 =	vld [tilespmem:$0x1F9A0]  }
0xce: {  	v35 =	vld [tilespmem:$0x1F9B0]  }
0xcf: {  	vm1 =	vlt.f32 v24, v13;
	v24 =	vadd.f32 v56, v39;
	v56 =	vld [tilespmem:$0xDA0]  }
0xd0: {  	v39 =	vld [tilespmem:$0x1F9E0]  }
0xd1: {  	vm2 =	vlt.f32 v63, v3;
	v3 =	vsub.f32 v30, v50;
	v13 =	vld [tilespmem:$0xE80]  }
0xd2: {  	v54 =	vsub.f32 v30, v53;
	v30 =	vld [tilespmem:$0xD10]  }
0xd3: {  	v63 =	vsub.f32 v27, v62;
	v3 =	vmul.f32 v3, v3;
	v27 =	vsub.f32 v27, v31;
	v31 =	vld [tilespmem:$0xC20]  }
0xd4: {  	[tilespmem:$0x1FD70] =	vst v8;
	v8 =	vsel vm3, v35, v37;
	v37 =	vld [tilespmem:$0x1F9D0]  }
0xd5: {  	v18 =	vmul.f32 v54, v54;
	v54 =	vperm.xlane v3, v0;
	[tilespmem:$0x1FE60] =	vst v56;
	v56 =	vld [tilespmem:$0x230]  }
0xd6: {  	v35 =	vld [tilespmem:$0x1FA20]  }
0xd7: {  	[tilespmem:$0x1FE40] =	vst v55;
	v53 =	vperm.xlane v26, v0;
	v29 =	vmul.f32 v63, v63;
	v3 =	vadd.f32 v3, v54;
	v54 =	vld [tilespmem:$0xC30]  }
0xd8: {  	vm3 =	vlt.f32 v7, v20;
	v55 =	vperm.xlane v18, v0;
	v7 =	vsel vm4, v44, v47;
	[tilespmem:$0x1FE50] =	vst v30;
	v30 =	vld [tilespmem:$0x1FA10]  }
0xd9: {  	v62 =	vperm.xlane v29, v0;
	v20 =	vadd.f32 v26, v53;
	[tilespmem:$0x1FDA0] =	vst v7;
	v7 =	vld [tilespmem:$0xCC0]  }
0xda: {  	v18 =	vadd.f32 v18, v55;
	v55 =	vsub.f32 v9, v58;
	v58 =	vld [tilespmem:$0xDB0]  }
0xdb: {  	vm10 =	vlt.f32 v20, v24;
	v20 =	vadd.f32 v29, v62;
	v62 =	vld [tilespmem:$0xD30]  }
0xdc: {  	v24 =	vld [tilespmem:$0x240]  }
0xdd: {  	v50 =	vmul.f32 v27, v27;
	v27 =	vld [tilespmem:$0x1FA50]  }
0xde: {  	v29 =	vld [tilespmem:$0xE00]  }
0xdf: {  	v53 =	vsub.f32 v61, v59;
	[tilespmem:$0x1FD80] =	vst v8;
	v63 =	vperm.xlane v50, v0;
	v8 =	vsel vm6, v37, v39;
	v39 =	vld [tilespmem:$0xCB0]  }
0xe0: {  	[tilespmem:$0x1FD90] =	vst v8;
	v8 =	vld [tilespmem:$0xC40]  }
0xe1: {  	v26 =	vadd.f32 v50, v63;
	v50 =	vsub.f32 v61, v60;
	v60 =	vmul.f32 v53, v53;
	v53 =	vld [tilespmem:$0xDC0]  }
0xe2: {  	v9 =	vsub.f32 v9, v52;
	v61 =	vsub.f32 v14, v43;
	v43 =	vld [tilespmem:$0x250]  }
0xe3: {  	vm4 =	vlt.f32 v18, v3;
	v3 =	vsel vm5, v30, v35;
	v35 =	vld [tilespmem:$0xC50]  }
0xe4: {  	v9 =	vmul.f32 v9, v9;
	v30 =	vld [tilespmem:$0x1FA60]  }
0xe5: {  	v14 =	vsub.f32 v14, v42;
	v42 =	vsub.f32 v6, v41;
	v41 =	vld [tilespmem:$0xF10]  }
0xe6: {  	v52 =	vperm.xlane v9, v0;
	v6 =	vsub.f32 v6, v33;
	v33 =	vsub.f32 v28, v48;
	v48 =	vld [tilespmem:$0xFA0]  }
0xe7: {  	v63 =	vmul.f32 v55, v55;
	v37 =	vmul.f32 v61, v61;
	v61 =	vld [tilespmem:$0x1FA40]  }
0xe8: {  	[tilespmem:$0x1FE90] =	vst v62;
	v47 =	vperm.xlane v60, v0;
	v62 =	vadd.f32 v9, v52;
	v9 =	vld [tilespmem:$0x260]  }
0xe9: {  	v59 =	vmul.f32 v50, v50;
	v50 =	vperm.xlane v63, v0;
	v52 =	vld [tilespmem:$0x1FA70]  }
0xea: {  	vm5 =	vlt.f32 v26, v20;
	v20 =	vadd.f32 v60, v47;
	v60 =	vld [tilespmem:$0x1FA30]  }
0xeb: {  	v15 =	vsub.f32 v4, v15;
	v26 =	vadd.f32 v63, v50;
	v47 =	vld [tilespmem:$0xD50]  }
0xec: {  	v50 =	vsub.f32 v4, v21;
	v21 =	vld [tilespmem:$0xC60];
	v4 =	vsub.f32 v1, v49  }
0xed: {  	v1 =	vsub.f32 v1, v40;
	v40 =	vsub.f32 v16, v32;
	v32 =	vld [tilespmem:$0x1FB30]  }
0xee: {  	[tilespmem:$0x1FEA0] =	vst v53;
	v53 =	vld [tilespmem:$0x1FA80]  }
0xef: {  	[tilespmem:$0x1FF70] =	vst v41;
	v41 =	vsub.f32 v56, v39;
	v39 =	vld [tilespmem:$0x2C0]  }
0xf0: {  	v44 =	vperm.xlane v59, v0;
	[tilespmem:$0x1FF80] =	vst v48;
	v48 =	vld [tilespmem:$0xE40]  }
0xf1: {  	v7 =	vsub.f32 v24, v7;
	v8 =	vsub.f32 v24, v8;
	v24 =	vld [tilespmem:$0x1FBE0]  }
0xf2: {  	v55 =	vperm.xlane v37, v0;
	v18 =	vadd.f32 v59, v44;
	v59 =	vld [tilespmem:$0xD40]  }
0xf3: {  	v15 =	vmul.f32 v15, v15;
	v11 =	vsub.f32 v38, v11;
	v14 =	vmul.f32 v14, v14;
	v44 =	vld [tilespmem:$0xDD0]  }
0xf4: {  	v63 =	vadd.f32 v37, v55;
	v37 =	vsub.f32 v38, v57;
	v57 =	vmul.f32 v50, v50;
	v50 =	vld [tilespmem:$0x1FAA0]  }
0xf5: {  	vm6 =	vlt.f32 v62, v26;
	v26 =	vmul.f32 v42, v42;
	v62 =	vperm.xlane v15, v0;
	v42 =	vld [tilespmem:$0x1FAD0]  }
0xf6: {  	v36 =	vsub.f32 v28, v36;
	v28 =	vmul.f32 v40, v40;
	v40 =	vld [tilespmem:$0x2B0]  }
0xf7: {  	v11 =	vmul.f32 v11, v11;
	[tilespmem:$0x1FE80] =	vst v58;
	v58 =	vperm.xlane v14, v0;
	v15 =	vadd.f32 v15, v62;
	v62 =	vld [tilespmem:$0xD70]  }
0xf8: {  	[tilespmem:$0x1FDB0] =	vst v3;
	v3 =	vsel vm11, v60, v61;
	vm11 =	vlt.f32 v20, v18;
	v18 =	vld [tilespmem:$0xCE0]  }
0xf9: {  	v14 =	vadd.f32 v14, v58;
	v58 =	vperm.xlane v11, v0;
	v61 =	vld [tilespmem:$0xDE0]  }
0xfa: {  	v6 =	vmul.f32 v6, v6;
	[tilespmem:$0x1FED0] =	vst v47;
	v47 =	vld [tilespmem:$0x1FA90]  }
0xfb: {  	[tilespmem:$0x1FDC0] =	vst v3;
	v3 =	vsel vm12, v27, v30;
	v27 =	vadd.f32 v11, v58;
	v11 =	vld [tilespmem:$0x270]  }
0xfc: {  	v60 =	vperm.xlane v6, v0;
	v58 =	vsub.f32 v5, v51;
	v5 =	vsub.f32 v5, v23;
	v23 =	vld [tilespmem:$0xCF0]  }
0xfd: {  	v20 =	vmul.f32 v37, v37;
	[tilespmem:$0x1FEC0] =	vst v44;
	v44 =	vld [tilespmem:$0xD60]  }
0xfe: {  	[tilespmem:$0x1FDD0] =	vst v3;
	v3 =	vsel vm7, v52, v53;
	v52 =	vadd.f32 v6, v60;
	v6 =	vld [tilespmem:$0xC70]  }
0xff: {  	v55 =	vperm.xlane v20, v0;
	vm7 =	vlt.f32 v14, v63;
	v14 =	vld [tilespmem:$0x280]  }
0x100: {  	v63 =	vperm.xlane v57, v0;
	v60 =	vmul.f32 v58, v58;
	v58 =	vld [tilespmem:$0xF00]  }
0x101: {  	[tilespmem:$0x1FEB0] =	vst v59;
	v59 =	vperm.xlane v26, v0;
	v20 =	vadd.f32 v20, v55;
	v55 =	vld [tilespmem:$0x1FAB0]  }
0x102: {  	v53 =	vadd.f32 v57, v63;
	v57 =	vld [tilespmem:$0x1FAC0]  }
0x103: {  	v17 =	vsub.f32 v2, v17;
	v26 =	vadd.f32 v26, v59;
	v59 =	vld [tilespmem:$0xDF0]  }
0x104: {  	[tilespmem:$0x1FF20] =	vst v62;
	v62 =	vld [tilespmem:$0x1FB10]  }
0x105: {  	v63 =	vmul.f32 v17, v17;
	v17 =	vld [tilespmem:$0xE60]  }
0x106: {  	[tilespmem:$0x1FEF0] =	vst v61;
	v61 =	vsub.f32 v12, v34;
	v34 =	vld [tilespmem:$0xE10]  }
0x107: {  	vm12 =	vlt.f32 v27, v20;
	v20 =	vld [tilespmem:$0x290]  }
0x108: {  	v37 =	vsel vm8, v47, v50;
	vm8 =	vlt.f32 v52, v26;
	v26 =	vsub.f32 v43, v35;
	v35 =	vld [tilespmem:$0xED0]  }
0x109: {  	v2 =	vsub.f32 v2, v22;
	v19 =	vsub.f32 v43, v19;
	v43 =	vld [tilespmem:$0xF70]  }
0x10a: {  	v47 =	vperm.xlane v60, v0;
	[tilespmem:$0x1490] =	vst v37;
	v37 =	vld [tilespmem:$0x1FEC0]  }
0x10b: {  	v38 =	vmul.f32 v2, v2;
	v51 =	vperm.xlane v63, v0;
	[tilespmem:$0x1FF00] =	vst v44;
	v44 =	vld [tilespmem:$0x1FAE0]  }
0x10c: {  	v22 =	vadd.f32 v60, v47;
	v60 =	vld [tilespmem:$0x1FB00]  }
0x10d: {  	v52 =	vperm.xlane v38, v0;
	v27 =	vadd.f32 v63, v51;
	v63 =	vld [tilespmem:$0x1FB20]  }
0x10e: {  	v12 =	vsub.f32 v12, v45;
	v51 =	vld [tilespmem:$0xE90]  }
0x10f: {  	v45 =	vmul.f32 v61, v61;
	v30 =	vadd.f32 v38, v52;
	v38 =	vld [tilespmem:$0xF90]  }
0x110: {  	v12 =	vmul.f32 v12, v12;
	[tilespmem:$0x1FF40] =	vst v58;
	v58 =	vld [tilespmem:$0xE20]  }
0x111: {  	v49 =	vperm.xlane v28, v0;
	[tilespmem:$0x1FE30] =	vst v3;
	v52 =	vld [tilespmem:$0x1FB50];
	v3 =	vsel vm0, v55, v57;
	v55 =	vperm.xlane v45, v0  }
0x112: {  	v5 =	vmul.f32 v5, v5;
	[tilespmem:$0x1FF10] =	vst v59;
	v57 =	vperm.xlane v12, v0;
	v59 =	vld [tilespmem:$0x1FAF0]  }
0x113: {  	v61 =	vadd.f32 v45, v55;
	v55 =	vld [tilespmem:$0x1FB70]  }
0x114: {  	v50 =	vperm.xlane v5, v0;
	v12 =	vadd.f32 v12, v57;
	v57 =	vadd.f32 v28, v49;
	v28 =	vld [tilespmem:$0xE30]  }
0x115: {  	v16 =	vsub.f32 v16, v25;
	v1 =	vmul.f32 v1, v1;
	v49 =	vld [tilespmem:$0xE50]  }
0x116: {  	v5 =	vadd.f32 v5, v50;
	v2 =	vsel vm9, v42, v44;
	vm9 =	vlt.f32 v53, v15;
	v53 =	vld [tilespmem:$0xF80]  }
0x117: {  	v44 =	vperm.xlane v1, v0;
	[tilespmem:$0x1FF60] =	vst v38;
	v38 =	vmul.f32 v16, v16;
	v16 =	vld [tilespmem:$0xEA0]  }
0x118: {  	[tilespmem:$0x1FF50] =	vst v2;
	v2 =	vsel vm13, v59, v60;
	vm13 =	vlt.f32 v5, v22;
	v22 =	vmul.f32 v33, v33;
	v33 =	vld [tilespmem:$0x1FB40]  }
0x119: {  	v1 =	vadd.f32 v1, v44;
	v44 =	vld [tilespmem:$0x1FBA0]  }
0x11a: {  	v42 =	vmul.f32 v36, v36;
	[tilespmem:$0x1FF90] =	vst v2;
	v2 =	vsel vm15, v62, v63;
	vm15 =	vlt.f32 v30, v27;
	v27 =	vld [tilespmem:$0x2A0]  }
0x11b: {  	v30 =	vld [tilespmem:$0x1FB80]  }
0x11c: {  	v47 =	vperm.xlane v42, v0;
	v63 =	vld [tilespmem:$0xFB0]  }
0x11d: {  	v62 =	vld [tilespmem:$0x1FBC0]  }
0x11e: {  	v50 =	vperm.xlane v38, v0;
	v25 =	vadd.f32 v42, v47;
	v47 =	vmul.f32 v7, v7;
	v7 =	vld [tilespmem:$0x1080]  }
0x11f: {  	[tilespmem:$0x1FF30] =	vst v53;
	v53 =	vld [tilespmem:$0x1FB60]  }
0x120: {  	v45 =	vperm.xlane v22, v0;
	v59 =	vadd.f32 v38, v50;
	v38 =	vsub.f32 v56, v54;
	v54 =	vld [tilespmem:$0xF30]  }
0x121: {  	v56 =	vld [tilespmem:$0xEC0]  }
0x122: {  	v15 =	vmul.f32 v4, v4;
	v22 =	vadd.f32 v22, v45;
	v45 =	vld [tilespmem:$0x1FBB0]  }
0x123: {  	[tilespmem:$0x1FFA0] =	vst v2;
	v2 =	vsel vm14, v32, v33;
	vm14 =	vlt.f32 v12, v61;
	v61 =	vld [tilespmem:$0xF20]  }
0x124: {  	v36 =	vperm.xlane v15, v0;
	v32 =	vld [tilespmem:$0x1FB90];
	v33 =	vsub.f32 v10, v31;
	v10 =	vsub.f32 v10, v46  }
0x125: {  	v31 =	vld [tilespmem:$0xEB0]  }
0x126: {  	v15 =	vadd.f32 v15, v36;
	v60 =	vperm.xlane v47, v0;
	v42 =	vmul.f32 v10, v10;
	v10 =	vld [tilespmem:$0x1FBD0]  }
0x127: {  	vm0 =	vnez.u8 v55;
	v5 =	vmul.f32 v33, v33;
	v33 =	vld [tilespmem:$0x1FC00]  }
0x128: {  	[tilespmem:$0x1FEE0] =	vst v3;
	v3 =	vsel vm0, v52, v53;
	vm0 =	vlt.f32 v1, v15;
	v1 =	vadd.f32 v47, v60;
	v47 =	vld [tilespmem:$0xF50]  }
0x129: {  	[tilespmem:$0x1FFC0] =	vst v3;
	v3 =	vsel vm1, v30, v32;
	vm1 =	vlt.f32 v25, v22;
	v25 =	vld [tilespmem:$0x1FBF0]  }
0x12a: {  	v32 =	vmul.f32 v19, v19;
	v19 =	vld [tilespmem:$0x2E0]  }
0x12b: {  	v30 =	vsub.f32 v9, v21;
	v9 =	vsub.f32 v9, v18;
	v18 =	vld [tilespmem:$0xEF0]  }
0x12c: {  	v36 =	vimm.s32 $0x0;
	v50 =	vperm.xlane v42, v0;
	v22 =	vmul.f32 v41, v41;
	v41 =	vld [tilespmem:$0xFF0]  }
0x12d: {  	[tilespmem:$0x1FFD0] =	vst v3;
	v3 =	vsel vm1, $0xFFFFFFFF, v36;
	vm1 =	vlt.f32 v59, v57;
	v59 =	vld [tilespmem:$0xFC0]  }
0x12e: {  	[tilespmem:$0x1FFB0] =	vst v2;
	v46 =	vperm.xlane v5, v0;
	v2 =	vadd.f32 v42, v50;
	v50 =	vld [tilespmem:$0xF40]  }
0x12f: {  	v16 =	vsub.f32 v27, v16;
	v15 =	vmul.f32 v38, v38;
	v36 =	vld [tilespmem:$0x1FC10]  }
0x130: {  	v52 =	vadd.f32 v5, v46;
	v46 =	vsub.f32 v27, v58;
	v27 =	vld [tilespmem:$0x300]  }
0x131: {  	v53 =	vperm.xlane v15, v0;
	v58 =	vld [tilespmem:$0x1FC70]  }
0x132: {  	v8 =	vmul.f32 v8, v8;
	v4 =	vsel vm3, v62, v10;
	v10 =	vld [tilespmem:$0x2D0]  }
0x133: {  	v15 =	vadd.f32 v15, v53;
	v53 =	vld [tilespmem:$0xFD0]  }
0x134: {  	v6 =	vsub.f32 v11, v6;
	v57 =	vperm.xlane v8, v0;
	[tilespmem:$0x1FE20] =	vst v3;
	v3 =	vsel vm2, v44, v45;
	v44 =	vld [tilespmem:$0xFE0]  }
0x135: {  	v11 =	vsub.f32 v11, v23;
	v45 =	vsub.f32 v20, v51;
	v51 =	vld [tilespmem:$0x1180]  }
0x136: {  	v55 =	vperm.xlane v22, v0;
	v12 =	vadd.f32 v8, v57;
	v8 =	vmul.f32 v26, v26;
	v26 =	vld [tilespmem:$0x1FC30]  }
0x137: {  	v5 =	vperm.xlane v32, v0;
	v21 =	vmul.f32 v46, v46;
	v46 =	vld [tilespmem:$0x1FC80]  }
0x138: {  	[tilespmem:$0x1FFE0] =	vst v3;
	v3 =	vadd.f32 v22, v55;
	v55 =	vmul.f32 v11, v11;
	v11 =	vld [tilespmem:$0x2F0]  }
0x139: {  	vm3 =	vlt.f32 v2, v52;
	v2 =	vadd.f32 v32, v5;
	v32 =	vld [tilespmem:$0x1FC50]  }
0x13a: {  	v62 =	vsel vm10, v24, v25;
	v25 =	vld [tilespmem:$0x1FC20]  }
0x13b: {  	vm10 =	vlt.f32 v3, v15;
	v15 =	vld [tilespmem:$0xEE0]  }
0x13c: {  	v60 =	vsel vm4, v33, v36;
	v33 =	vld [tilespmem:$0xF60]  }
0x13d: {  	v52 =	vperm.xlane v8, v0;
	v3 =	vmul.f32 v30, v30;
	v30 =	vld [tilespmem:$0x1FC40]  }
0x13e: {  	v38 =	vmul.f32 v6, v6;
	v36 =	vsub.f32 v14, v29;
	v29 =	vld [tilespmem:$0x1FCC0]  }
0x13f: {  	vm4 =	vlt.f32 v1, v12;
	v8 =	vadd.f32 v8, v52;
	v52 =	vld [tilespmem:$0x1FC60];
	v12 =	vperm.xlane v3, v0  }
0x140: {  	v13 =	vsub.f32 v14, v13;
	v23 =	vperm.xlane v38, v0;
	[tilespmem:$0x1540] =	vst v60;
	v60 =	vld [tilespmem:$0x1280]  }
0x141: {  	v9 =	vmul.f32 v9, v9;
	v57 =	vsel vm5, v25, v26;
	v3 =	vadd.f32 v3, v12;
	v12 =	vld [tilespmem:$0xE70]  }
0x142: {  	vm5 =	vlt.f32 v2, v8;
	v2 =	vadd.f32 v38, v23;
	v38 =	vsub.f32 v20, v34;
	v20 =	vld [tilespmem:$0x1FCA0]  }
0x143: {  	v22 =	vperm.xlane v9, v0;
	v24 =	vperm.xlane v55, v0;
	v34 =	vld [tilespmem:$0x1190]  }
0x144: {  	v13 =	vmul.f32 v13, v13;
	v23 =	vmul.f32 v16, v16;
	v16 =	vld [tilespmem:$0x10A0]  }
0x145: {  	v9 =	vadd.f32 v9, v22;
	v1 =	vadd.f32 v55, v24;
	v55 =	vsel vm11, v30, v32;
	v30 =	vld [tilespmem:$0x1100]  }
0x146: {  	v8 =	vmul.f32 v36, v36;
	v32 =	vld [tilespmem:$0x1FCD0]  }
0x147: {  	v24 =	vperm.xlane v13, v0;
	[tilespmem:$0x1550] =	vst v57;
	v57 =	vld [tilespmem:$0x1300];
	vm11 =	vlt.f32 v9, v3  }
0x148: {  	v9 =	vmul.f32 v45, v45;
	v52 =	vsel vm6, v52, v58;
	v14 =	vperm.xlane v8, v0;
	v58 =	vld [tilespmem:$0x1000]  }
0x149: {  	vm6 =	vlt.f32 v1, v2;
	v2 =	vadd.f32 v13, v24;
	v42 =	vperm.xlane v23, v0;
	v13 =	vld [tilespmem:$0x1010]  }
0x14a: {  	v22 =	vsub.f32 v40, v28;
	v3 =	vmul.f32 v38, v38;
	v25 =	vadd.f32 v8, v14;
	v14 =	vld [tilespmem:$0x1FC90]  }
0x14b: {  	v36 =	vperm.xlane v9, v0;
	v5 =	vadd.f32 v23, v42;
	v23 =	vsub.f32 v40, v31;
	v40 =	vld [tilespmem:$0x1090]  }
0x14c: {  	v26 =	vperm.xlane v3, v0;
	v8 =	vld [tilespmem:$0x1FD70]  }
0x14d: {  	[tilespmem:$0x1FFF0] =	vst v4;
	v4 =	vadd.f32 v9, v36;
	v9 =	vld [tilespmem:$0x310]  }
0x14e: {  	v28 =	vmul.f32 v22, v22;
	v3 =	vadd.f32 v3, v26;
	v31 =	vmul.f32 v23, v23;
	v23 =	vld [tilespmem:$0x1110]  }
0x14f: {  	v26 =	vsub.f32 v10, v49;
	v10 =	vsub.f32 v10, v35;
	v35 =	vld [tilespmem:$0x320]  }
0x150: {  	v36 =	vperm.xlane v28, v0;
	v49 =	vld [tilespmem:$0x1FD10]  }
0x151: {  	v38 =	vperm.xlane v21, v0;
	v42 =	vsel vm8, v29, v32;
	v29 =	vld [tilespmem:$0x1FD40]  }
0x152: {  	v28 =	vadd.f32 v28, v36;
	v36 =	vld [tilespmem:$0x1FD50]  }
0x153: {  	v46 =	vsel vm7, v46, v14;
	vm7 =	vlt.f32 v2, v25;
	v2 =	vadd.f32 v21, v38;
	v21 =	vld [tilespmem:$0x1FCB0]  }
0x154: {  	v14 =	vld [tilespmem:$0x1020]  }
0x155: {  	v24 =	vsub.f32 v39, v48;
	v25 =	vsub.f32 v39, v56;
	v39 =	vmul.f32 v26, v26;
	v56 =	vld [tilespmem:$0x11A0]  }
0x156: {  	v38 =	vmul.f32 v10, v10;
	v10 =	vperm.xlane v31, v0;
	v26 =	vld [tilespmem:$0x1FCF0]  }
0x157: {  	[tilespmem:$0x1410] =	vst v8;
	v8 =	vld [tilespmem:$0x1FD90];
	v13 =	vsub.f32 v9, v13  }
0x158: {  	vm8 =	vlt.f32 v5, v2;
	v5 =	vadd.f32 v31, v10;
	v31 =	vld [tilespmem:$0x1120]  }
0x159: {  	v10 =	vld [tilespmem:$0x10B0];
	v36 =	vsel vm14, v29, v36;
	v13 =	vmul.f32 v13, v13  }
0x15a: {  	v29 =	vld [tilespmem:$0x1FD60];
	v45 =	vsel vm12, v20, v21;
	vm12 =	vlt.f32 v4, v3;
	v3 =	vmul.f32 v24, v24  }
0x15b: {  	v4 =	vmul.f32 v25, v25;
	v24 =	vperm.xlane v38, v0;
	v25 =	vld [tilespmem:$0x1FCE0]  }
0x15c: {  	v9 =	vsub.f32 v9, v40;
	[tilespmem:$0x1430] =	vst v8;
	v8 =	vld [tilespmem:$0x10D0];
	v40 =	vperm.xlane v13, v0  }
0x15d: {  	v21 =	vperm.xlane v4, v0;
	v2 =	vadd.f32 v38, v24;
	v38 =	vld [tilespmem:$0x1FD00]  }
0x15e: {  	v20 =	vperm.xlane v3, v0;
	v13 =	vadd.f32 v13, v40;
	v40 =	vld [tilespmem:$0x1FE20]  }
0x15f: {  	v1 =	vadd.f32 v4, v21;
	v4 =	vld [tilespmem:$0x330]  }
0x160: {  	v22 =	vperm.xlane v39, v0;
	v3 =	vadd.f32 v3, v20;
	v20 =	vld [tilespmem:$0x1FD20]  }
0x161: {  	v21 =	vld [tilespmem:$0x1FD30]  }
0x162: {  	v48 =	vsel vm9, v25, v26;
	vm9 =	vlt.f32 v5, v28;
	v28 =	vadd.f32 v39, v22;
	v39 =	vld [tilespmem:$0x1030]  }
0x163: {  	v26 =	vld [tilespmem:$0x11B0]  }
0x164: {  	v25 =	vld [tilespmem:$0x1130]  }
0x165: {  	v22 =	vsub.f32 v19, v17;
	v17 =	vld [tilespmem:$0x1FDA0]  }
0x166: {  	v7 =	vsub.f32 v27, v7;
	vm2 =	vlt.f32 v1, v3;
	v3 =	vld [tilespmem:$0x1050]  }
0x167: {  	v54 =	vsel vm9, v63, v54;
	v63 =	vld [tilespmem:$0x1FFA0];
	v32 =	vsel vm13, v38, v49;
	vm13 =	vlt.f32 v2, v28  }
0x168: {  	v28 =	vsub.f32 v19, v15;
	v15 =	vmul.f32 v22, v22;
	v22 =	vsub.f32 v27, v58;
	v27 =	vld [tilespmem:$0x1040]  }
0x169: {  	v58 =	vld [tilespmem:$0x10C0]  }
0x16a: {  	v50 =	vsel vm2, v59, v50;
	v59 =	vld [tilespmem:$0x370]  }
0x16b: {  	v47 =	vsel vm13, v53, v47;
	v53 =	vld [tilespmem:$0x1FFB0]  }
0x16c: {  	v38 =	vsel vm15, v20, v21;
	v21 =	vsub.f32 v11, v18;
	v18 =	vld [tilespmem:$0x340]  }
0x16d: {  	v19 =	vmul.f32 v22, v22;
	v22 =	vld [tilespmem:$0x11C0]  }
0x16e: {  	v20 =	vld [tilespmem:$0x1140]  }
0x16f: {  	v49 =	vsub.f32 v11, v12;
	vm15 =	vnez.u8 v40;
	v40 =	vld [tilespmem:$0x1FED0]  }
0x170: {  	v9 =	vmul.f32 v9, v9;
	v5 =	vmul.f32 v28, v28;
	[tilespmem:$0x1440] =	vst v17;
	v17 =	vld [tilespmem:$0x1FDC0]  }
0x171: {  	v6 =	vmul.f32 v49, v49;
	v49 =	vperm.xlane v15, v0;
	[tilespmem:$0x15D0] =	vst v38;
	v38 =	vld [tilespmem:$0x3C0]  }
0x172: {  	v28 =	vperm.xlane v9, v0;
	v12 =	vmul.f32 v21, v21;
	v21 =	vld [tilespmem:$0x1FD80]  }
0x173: {  	v15 =	vadd.f32 v15, v49;
	v49 =	vld [tilespmem:$0x350]  }
0x174: {  	v2 =	vadd.f32 v9, v28;
	v28 =	vld [tilespmem:$0x1FE00]  }
0x175: {  	v11 =	vperm.xlane v5, v0;
	v24 =	vperm.xlane v6, v0;
	v9 =	vld [tilespmem:$0x1FE40]  }
0x176: {  	[tilespmem:$0x14D0] =	vst v63;
	v63 =	vld [tilespmem:$0x1FFC0]  }
0x177: {  	[tilespmem:$0x1400] =	vst v29;
	v5 =	vadd.f32 v5, v11;
	v6 =	vadd.f32 v6, v24;
	v24 =	vld [tilespmem:$0x1FDB0]  }
0x178: {  	v29 =	vperm.xlane v19, v0;
	[tilespmem:$0x14E0] =	vst v53;
	v53 =	vld [tilespmem:$0x1FFE0]  }
0x179: {  	vm14 =	vlt.f32 v5, v15;
	v15 =	vld [tilespmem:$0x11D0]  }
0x17a: {  	v7 =	vmul.f32 v7, v7;
	v11 =	vperm.xlane v12, v0;
	v5 =	vadd.f32 v19, v29;
	v19 =	vld [tilespmem:$0x1FDD0]  }
0x17b: {  	v29 =	vld [tilespmem:$0x1FE10]  }
0x17c: {  	v12 =	vadd.f32 v12, v11;
	v11 =	vld [tilespmem:$0x1FE50];
	[tilespmem:$0x1420] =	vst v21;
	v21 =	vperm.xlane v7, v0  }
0x17d: {  	[tilespmem:$0x1460] =	vst v17;
	v17 =	vld [tilespmem:$0x1FE70]  }
0x17e: {  	v1 =	vadd.f32 v7, v21;
	v21 =	vld [tilespmem:$0x1FDE0]  }
0x17f: {  	[tilespmem:$0x1450] =	vst v24;
	v24 =	vld [tilespmem:$0x1FDF0]  }
0x180: {  	v33 =	vsel vm14, v44, v33;
	v44 =	vld [tilespmem:$0x1070]  }
0x181: {  	[tilespmem:$0x14F0] =	vst v63;
	v63 =	vld [tilespmem:$0x1FFF0]  }
0x182: {  	[tilespmem:$0x1510] =	vst v53;
	v53 =	vld [tilespmem:$0x1200]  }
0x183: {  	[tilespmem:$0x1470] =	vst v19;
	v19 =	vld [tilespmem:$0x1150]  }
0x184: {  	v7 =	vsel vm0, v21, v24;
	vm0 =	vlt.f32 v12, v6;
	v6 =	vld [tilespmem:$0x1FE30]  }
0x185: {  	v27 =	vsub.f32 v18, v27;
	v12 =	vsel vm15, v28, v29;
	vm15 =	vlt.f32 v1, v5;
	v5 =	vld [tilespmem:$0x360]  }
0x186: {  	v21 =	vld [tilespmem:$0x1FE80]  }
0x187: {  	v27 =	vmul.f32 v27, v27;
	v24 =	vld [tilespmem:$0x1FE90]  }
0x188: {  	v28 =	vld [tilespmem:$0x1FEA0]  }
0x189: {  	v14 =	vsub.f32 v35, v14;
	[tilespmem:$0x1520] =	vst v63;
	v63 =	vperm.xlane v27, v0;
	v29 =	vld [tilespmem:$0x1FEB0]  }
0x18a: {  	v1 =	vld [tilespmem:$0x10E0]  }
0x18b: {  	v16 =	vsub.f32 v35, v16;
	v14 =	vmul.f32 v14, v14;
	v27 =	vadd.f32 v27, v63;
	v63 =	vld [tilespmem:$0x1290]  }
0x18c: {  	v35 =	vsel vm0, v41, v43;
	v43 =	vld [tilespmem:$0x10F0]  }
0x18d: {  	v41 =	vmul.f32 v16, v16;
	v16 =	vsel vm15, v51, v30;
	v51 =	vld [tilespmem:$0x1FFD0];
	v30 =	vperm.xlane v14, v0  }
0x18e: {  	[tilespmem:$0x16F0] =	vst v35;
	v35 =	vld [tilespmem:$0x1330]  }
0x18f: {  	v14 =	vadd.f32 v14, v30;
	v30 =	vld [tilespmem:$0x380]  }
0x190: {  	[tilespmem:$0x1480] =	vst v6;
	v6 =	vsel vm1, v9, v11;
	vm1 =	vlt.f32 v2, v13;
	v13 =	vld [tilespmem:$0x1FE60]  }
0x191: {  	v11 =	vsel vm10, v21, v24;
	v24 =	vld [tilespmem:$0x1FEF0]  }
0x192: {  	v21 =	vsel vm4, v28, v29;
	v28 =	vld [tilespmem:$0x1FF00]  }
0x193: {  	v29 =	vld [tilespmem:$0x1FF10]  }
0x194: {  	v39 =	vsub.f32 v4, v39;
	v2 =	vld [tilespmem:$0x1FF60]  }
0x195: {  	v10 =	vsub.f32 v4, v10;
	v3 =	vsub.f32 v49, v3;
	[tilespmem:$0x1500] =	vst v51;
	v51 =	vld [tilespmem:$0x11F0]  }
0x196: {  	v8 =	vsub.f32 v49, v8;
	v4 =	vsel vm1, v34, v23;
	v34 =	vmul.f32 v39, v39;
	v39 =	vld [tilespmem:$0x1170]  }
0x197: {  	[tilespmem:$0x1590] =	vst v45;
	v45 =	vsub.f32 v30, v53;
	v49 =	vsub.f32 v30, v60;
	v30 =	vld [tilespmem:$0x1320]  }
0x198: {  	v18 =	vsub.f32 v18, v58;
	v60 =	vld [tilespmem:$0x1230]  }
0x199: {  	v23 =	vperm.xlane v41, v0;
	v9 =	vsel vm3, v13, v17;
	v13 =	vld [tilespmem:$0x1060]  }
0x19a: {  	v37 =	vsel vm5, v37, v40;
	v18 =	vmul.f32 v18, v18;
	v17 =	vld [tilespmem:$0x1FEE0]  }
0x19b: {  	v23 =	vadd.f32 v41, v23;
	v41 =	vperm.xlane v34, v0;
	v40 =	vsel vm11, v24, v28;
	v24 =	vld [tilespmem:$0x1FF20]  }
0x19c: {  	[tilespmem:$0x1570] =	vst v52;
	v10 =	vmul.f32 v10, v10;
	v28 =	vld [tilespmem:$0x1FF30]  }
0x19d: {  	[tilespmem:$0x15C0] =	vst v32;
	v52 =	vperm.xlane v18, v0;
	v32 =	vsub.f32 v59, v44;
	v34 =	vadd.f32 v34, v41;
	v41 =	vld [tilespmem:$0x1380]  }
0x19e: {  	[tilespmem:$0x1560] =	vst v55;
	v58 =	vperm.xlane v10, v0;
	v55 =	vmul.f32 v3, v3;
	vm14 =	vlt.f32 v23, v14;
	v23 =	vld [tilespmem:$0x390]  }
0x19f: {  	v8 =	vmul.f32 v8, v8;
	v14 =	vadd.f32 v18, v52;
	v18 =	vmul.f32 v32, v32;
	v32 =	vld [tilespmem:$0x13A0]  }
0x1a0: {  	v10 =	vadd.f32 v10, v58;
	v58 =	vperm.xlane v55, v0;
	v53 =	vmul.f32 v45, v45;
	v45 =	vld [tilespmem:$0x12C0]  }
0x1a1: {  	[tilespmem:$0x1530] =	vst v62;
	v62 =	vperm.xlane v8, v0;
	v3 =	vsel vm14, v56, v31;
	v31 =	vld [tilespmem:$0x1210]  }
0x1a2: {  	[tilespmem:$0x15A0] =	vst v42;
	v1 =	vsub.f32 v5, v1;
	vm15 =	vlt.f32 v10, v34;
	v10 =	vadd.f32 v55, v58;
	v55 =	vld [tilespmem:$0x3B0]  }
0x1a3: {  	[tilespmem:$0x1580] =	vst v46;
	v58 =	vmul.f32 v49, v49;
	v49 =	vld [tilespmem:$0x3D0]  }
0x1a4: {  	[tilespmem:$0x15E0] =	vst v36;
	v8 =	vadd.f32 v8, v62;
	v1 =	vmul.f32 v1, v1;
	v25 =	vsel vm15, v26, v25;
	v26 =	vld [tilespmem:$0x1390]  }
0x1a5: {  	[tilespmem:$0x15B0] =	vst v48;
	v42 =	vsub.f32 v59, v43;
	vm4 =	vlt.f32 v14, v27;
	v24 =	vsel vm6, v29, v24;
	v29 =	vld [tilespmem:$0x1FF40]  }
0x1a6: {  	[tilespmem:$0x16B0] =	vst v54;
	v44 =	vperm.xlane v1, v0;
	v14 =	vsel vm4, v22, v20;
	v20 =	vld [tilespmem:$0x3A0]  }
0x1a7: {  	[tilespmem:$0x16C0] =	vst v50;
	v22 =	vld [tilespmem:$0x12A0];
	vm5 =	vlt.f32 v8, v10;
	v8 =	vmul.f32 v42, v42;
	v13 =	vsub.f32 v5, v13  }
0x1a8: {  	[tilespmem:$0x16D0] =	vst v47;
	v1 =	vadd.f32 v1, v44;
	v48 =	vperm.xlane v18, v0;
	v62 =	vperm.xlane v53, v0;
	v10 =	vld [tilespmem:$0x1220]  }
0x1a9: {  	[tilespmem:$0x1650] =	vst v37;
	v52 =	vperm.xlane v8, v0;
	v59 =	vsub.f32 v23, v31;
	v31 =	vld [tilespmem:$0x12B0];
	v13 =	vmul.f32 v13, v13  }
0x1aa: {  	[tilespmem:$0x15F0] =	vst v7;
	v56 =	vadd.f32 v18, v48;
	v63 =	vsub.f32 v23, v63;
	v29 =	vsel vm7, v28, v29;
	v28 =	vld [tilespmem:$0x1FF50]  }
0x1ab: {  	[tilespmem:$0x1610] =	vst v6;
	v34 =	vperm.xlane v58, v0;
	v5 =	vld [tilespmem:$0x1310];
	v6 =	vadd.f32 v8, v52;
	v43 =	vperm.xlane v13, v0  }
0x1ac: {  	[tilespmem:$0x1620] =	vst v9;
	v7 =	vadd.f32 v53, v62;
	v9 =	vsub.f32 v38, v45;
	v37 =	vmul.f32 v63, v63;
	v52 =	vld [tilespmem:$0x1250]  }
0x1ad: {  	[tilespmem:$0x16E0] =	vst v33;
	v36 =	vmul.f32 v59, v59;
	vm7 =	vlt.f32 v6, v56;
	v46 =	vadd.f32 v13, v43;
	v43 =	vld [tilespmem:$0x1240]  }
0x1ae: {  	[tilespmem:$0x1600] =	vst v12;
	v13 =	vsel vm7, v51, v39;
	v51 =	vsub.f32 v55, v60;
	v53 =	vsub.f32 v55, v31;
	v55 =	vld [tilespmem:$0x12D0]  }
0x1af: {  	v15 =	vsel vm5, v15, v19;
	v9 =	vmul.f32 v9, v9;
	v10 =	vsub.f32 v20, v10;
	[tilespmem:$0x14B0] =	vst v28;
	v28 =	vld [tilespmem:$0x1FF70]  }
0x1b0: {  	[tilespmem:$0x1700] =	vst v16;
	v48 =	vsub.f32 v20, v22;
	v44 =	vperm.xlane v37, v0;
	v42 =	vperm.xlane v36, v0;
	v60 =	vld [tilespmem:$0x1260]  }
0x1b1: {  	[tilespmem:$0x1630] =	vst v11;
	v10 =	vmul.f32 v10, v10;
	vm6 =	vlt.f32 v1, v46;
	v1 =	vadd.f32 v58, v34;
	v58 =	vld [tilespmem:$0x3E0]  }
0x1b2: {  	[tilespmem:$0x1640] =	vst v21;
	v62 =	vld [tilespmem:$0x12E0];
	v6 =	vadd.f32 v37, v44;
	v37 =	vperm.xlane v9, v0;
	v46 =	vadd.f32 v36, v42  }
0x1b3: {  	[tilespmem:$0x1710] =	vst v4;
	v18 =	vld [tilespmem:$0x13B0];
	v56 =	vperm.xlane v10, v0;
	v20 =	vmul.f32 v53, v53;
	v33 =	vsub.f32 v49, v52  }
0x1b4: {  	[tilespmem:$0x1660] =	vst v40;
	v42 =	vadd.f32 v9, v37;
	vm9 =	vlt.f32 v6, v46;
	v28 =	vsel vm12, v2, v28;
	v2 =	vld [tilespmem:$0x1FF80]  }
0x1b5: {  	[tilespmem:$0x14A0] =	vst v17;
	v17 =	vld [tilespmem:$0x11E0];
	v63 =	vperm.xlane v20, v0;
	v40 =	vmul.f32 v33, v33;
	v11 =	vsub.f32 v38, v43  }
0x1b6: {  	[tilespmem:$0x1680] =	vst v29;
	v29 =	vld [tilespmem:$0x1270];
	v5 =	vsel vm9, v26, v5;
	v8 =	vsub.f32 v49, v55;
	v45 =	vsub.f32 v58, v60  }
0x1b7: {  	v44 =	vperm.xlane v40, v0;
	v11 =	vmul.f32 v11, v11;
	v12 =	vsub.f32 v58, v62;
	[tilespmem:$0x1690] =	vst v28;
	v28 =	vld [tilespmem:$0x3F0]  }
0x1b8: {  	[tilespmem:$0x1720] =	vst v3;
	v34 =	vld [tilespmem:$0x12F0];
	v31 =	vadd.f32 v20, v63;
	v8 =	vmul.f32 v8, v8;
	v50 =	vmul.f32 v45, v45  }
0x1b9: {  	[tilespmem:$0x1730] =	vst v25;
	v36 =	vperm.xlane v11, v0;
	v12 =	vmul.f32 v12, v12;
	v61 =	vsel vm8, v2, v61;
	v2 =	vld [tilespmem:$0x1FF90]  }
0x1ba: {  	[tilespmem:$0x1740] =	vst v14;
	v39 =	vld [tilespmem:$0x13C0];
	v3 =	vadd.f32 v40, v44;
	v47 =	vperm.xlane v8, v0;
	v54 =	vperm.xlane v50, v0  }
0x1bb: {  	[tilespmem:$0x1670] =	vst v24;
	v52 =	vld [tilespmem:$0x1360];
	v55 =	vperm.xlane v12, v0;
	vm8 =	vlt.f32 v1, v7;
	v7 =	vmul.f32 v48, v48  }
0x1bc: {  	[tilespmem:$0x1750] =	vst v15;
	v43 =	vld [tilespmem:$0x1340];
	v19 =	vsel vm8, v41, v57;
	v57 =	vmul.f32 v51, v51;
	v48 =	vsub.f32 v28, v29  }
0x1bd: {  	v46 =	vld [tilespmem:$0x13D0];
	v1 =	vadd.f32 v10, v56;
	[tilespmem:$0x16A0] =	vst v61;
	v10 =	vsub.f32 v28, v34;
	v59 =	vperm.xlane v7, v0  }
0x1be: {  	v41 =	vadd.f32 v11, v36;
	v61 =	vperm.xlane v57, v0;
	v53 =	vmul.f32 v48, v48;
	[tilespmem:$0x14C0] =	vst v2;
	v2 =	vld [tilespmem:$0x1160]  }
0x1bf: {  	[tilespmem:$0x1770] =	vst v13;
	v49 =	vld [tilespmem:$0x1350];
	v60 =	vadd.f32 v12, v55;
	v10 =	vmul.f32 v10, v10;
	v7 =	vadd.f32 v7, v59  }
0x1c0: {  	[tilespmem:$0x1790] =	vst v5;
	v56 =	vld [tilespmem:$0x13F0];
	vm12 =	vlt.f32 v42, v41;
	v6 =	vadd.f32 v57, v61;
	v58 =	vperm.xlane v53, v0  }
0x1c1: {  	[tilespmem:$0x1780] =	vst v19;
	v59 =	vld [tilespmem:$0x1370];
	v0 =	vperm.xlane v10, v0;
	vm10 =	vlt.f32 v7, v1;
	v1 =	vsel vm12, v39, v43  }
0x1c2: {  	v51 =	vld [tilespmem:$0x13E0];
	v57 =	vadd.f32 v8, v47;
	v38 =	vsel vm10, v32, v30;
	vm11 =	vlt.f32 v31, v6;
	[tilespmem:$0x17C0] =	vst v1  }
0x1c3: {  	v61 =	vadd.f32 v53, v58;
	v0 =	vadd.f32 v10, v0;
	[tilespmem:$0x17A0] =	vst v38;
	v2 =	vsel vm6, v17, v2  }
0x1c4: {  	vm13 =	vlt.f32 v57, v3;
	v4 =	vsel vm11, v18, v35;
	[tilespmem:$0x1760] =	vst v2;
	v2 =	vadd.f32 v50, v54  }
0x1c5: {  	v62 =	vsel vm13, v46, v49;
	[tilespmem:$0x17B0] =	vst v4;
	vm15 =	vlt.f32 v0, v61  }
0x1c6: {  	[tilespmem:$0x17D0] =	vst v62;
	v0 =	vsel vm15, v56, v59;
	vm14 =	vlt.f32 v60, v2  }
0x1c7: {  	[tilespmem:$0x17F0] =	vst v0;
	v63 =	vsel vm14, v51, v52  }
0x1c8: {  	s31 =	simm.s32 $0x1400;
	s4 =	sadd.s32 $0x20800, s4;
	[tilespmem:$0x17E0] =	vst v63  }
0x1c9: {  	[hbm4b:s4+s29] =	stream.strided.scatter [tilespmem:s31], [sflag:$0x1], $0x400, s5, s29, $0x38;
	[tilespmem:$0x1800] =	vst v63  }
0x1ca: {  	_ =	swait.ge [sflag:s30], $0x400  }
0x1cb: {  	[sflag:s30] =	ssyncset.done $0x0  }
0x1cc: {  	[sflag:s30] =	ssyncadd.s32 $0xFFFFFC00  }
0x1cd: {  	_ =	sfence.sel $0x180000  }
0x1ce: {  	[bflag:$0x0] =	sbarrier.arrive $0xFFFF  }
0x1cf: {  	p0 =	sne.s32 s0, $0x0;
	_ =	strace $0x90000047  }
0x1d0: {  	s0 =	sadd.s32 @!p0 $0x100000, s1;
	[bflag:$0x2] =	sbarrier.arrive $0xFFFF  }
0x1d1: {  	[sflag:s0] =	ssyncadd.tile.s32 @!p0 $0x1;
	_ =	shalt  }
.Lfunc_end2:
_tile_overlayer_lowered:
.L_overlay_start_2:
0x1d2: {  	(tag) =	ssettag $0x2  }
0x1d3: {  	s0 =	rddreg [dreg:$0x0];
	s2 =	stileid.u32  }
0x1d4: {  	s1 =	rddreg [dreg:$0x1];
	p0 =	sne.s32 s2, $0x0  }
0x1d5: {  	s3 =	rddreg [dreg:$0x2];
	[bflag:$0x3] =	sbarrier.arrive $0xFFFF;
	s2 =	simm.s32 @!p0 $0x1C01  }
0x1d6: {  	[timem:s3], [sflag:s2] =	dma.local @!p0 [hbm:s0], s1  }
0x1d7: {  	s0 =	simm.s32 @!p0 $0x1  }
0x1d8: {  	_ =	swait.ge @!p0 [sflag:s0], s1  }
0x1d9: {  	s1 =	ssub.s32 @!p0 $0x0, s1;
	[sflag:s0] =	ssyncset.done @!p0 $0x0  }
0x1da: {  	[sflag:s0] =	ssyncadd.s32 @!p0 s1  }
0x1db: {  	[bflag:$0x3] =	sbarrier.arrive $0xFFFF  }
0x1dc: {  	_ =	shalt  }

</sc_bundles>
